<compile_context>
chip_gen: v7x
topology: tpu7x:2x2x1
jax: 0.10.2.dev20260603
libtpu: 0.0.44.dev20260713+nightly
codegen_flags: <defaults>
</compile_context>

<pallas_src>
import functools

import jax
import jax.numpy as jnp
from jax import lax
from jax.experimental import pallas as pl
from jax.experimental.pallas import tpu as pltpu
from jax.experimental.pallas import tpu_sc as plsc

_N, _E, _S, _R = 10000, 320000, 128, 3
_NC, _NS = 2, 16
_NW = _NC * _NS
_CHUNK = 128
_CPT = 80
_HALF = 40
_NCHUNKS = _CPT * _NW
_EPAD = _NCHUNKS * _CHUNK
_NA = _N + _CHUNK
_RPT = 624



def _sc_agg_body(msg, src2, dst2, zero, out,
                 sidx, didx, rows0, rows1, acc, sem0, sem1):
    cid = lax.axis_index("c")
    sid = lax.axis_index("s")
    wid = sid * _NC + cid
    start = wid * _CPT

    pltpu.sync_copy(zero.at[pl.ds(sid * _RPT, _RPT)], acc.at[pl.ds(sid * _RPT, _RPT)])

    @pl.when(sid == _NS - 1)
    def _():
        pltpu.sync_copy(zero.at[pl.ds(_NS * _RPT, _N - _NS * _RPT)],
                        acc.at[pl.ds(_NS * _RPT, _N - _NS * _RPT)])

    plsc.subcore_barrier()

    for h in range(_CPT // _HALF):
        hbase = start + h * _HALF
        pltpu.sync_copy(src2.at[pl.ds(hbase, _HALF)], sidx)
        pltpu.sync_copy(dst2.at[pl.ds(hbase, _HALF)], didx)

        pltpu.async_copy(msg.at[sidx.at[0]], rows0, sem0)

        def body(p, carry):
            j0 = 2 * p
            pltpu.async_copy(msg.at[sidx.at[j0 + 1]], rows1, sem1)
            pltpu.make_async_copy(msg.at[sidx.at[j0]], rows0, sem0).wait()
            pltpu.sync_copy(rows0, acc.at[didx.at[j0]], add=True)

            @pl.when(j0 + 2 < _HALF)
            def _():
                pltpu.async_copy(msg.at[sidx.at[j0 + 2]], rows0, sem0)

            pltpu.make_async_copy(msg.at[sidx.at[j0 + 1]], rows1, sem1).wait()
            pltpu.sync_copy(rows1, acc.at[didx.at[j0 + 1]], add=True)
            return carry

        lax.fori_loop(0, _HALF // 2, body, 0)

    plsc.subcore_barrier()

    pltpu.sync_copy(acc.at[pl.ds(sid * _RPT, _RPT)],
                    out.at[cid].at[pl.ds(sid * _RPT, _RPT)])

    @pl.when(sid == _NS - 1)
    def _():
        pltpu.sync_copy(acc.at[pl.ds(_NS * _RPT, _N - _NS * _RPT)],
                        out.at[cid].at[pl.ds(_NS * _RPT, _N - _NS * _RPT)])


_sc_aggregate = pl.kernel(
    _sc_agg_body,
    out_type=jax.ShapeDtypeStruct((_NC, _N, _S), jnp.float32),
    mesh=plsc.VectorSubcoreMesh(core_axis_name="c", subcore_axis_name="s"),
    scratch_types=[
        pltpu.VMEM((_HALF, _CHUNK), jnp.int32),
        pltpu.VMEM((_HALF, _CHUNK), jnp.int32),
        pltpu.VMEM((_CHUNK, _S), jnp.float32),
        pltpu.VMEM((_CHUNK, _S), jnp.float32),
        pltpu.VMEM_SHARED((_NA, _S), jnp.float32),
        pltpu.SemaphoreType.DMA,
        pltpu.SemaphoreType.DMA,
    ],
)



_BM = 2000


def _mm_relu_body(x_ref, w_ref, b_ref, o_ref):
    o_ref[...] = jnp.maximum(
        jnp.dot(x_ref[...], w_ref[...], preferred_element_type=jnp.float32)
        + b_ref[...], 0.0)


def _mm_relu(x, w, b):
    n, d = x.shape
    s = w.shape[1]
    return pl.pallas_call(
        _mm_relu_body,
        grid=(n // _BM,),
        in_specs=[
            pl.BlockSpec((_BM, d), lambda i: (i, 0)),
            pl.BlockSpec((d, s), lambda i: (0, 0)),
            pl.BlockSpec((1, s), lambda i: (0, 0)),
        ],
        out_specs=pl.BlockSpec((_BM, s), lambda i: (i, 0)),
        out_shape=jax.ShapeDtypeStruct((n, s), jnp.float32),
    )(x, w, b.reshape(1, s))


def _update_body(s_ref, p_ref, w_ref, b_ref, o_ref):
    agg = p_ref[0] + p_ref[1]
    o_ref[...] = s_ref[...] + jnp.maximum(
        jnp.dot(agg, w_ref[...], preferred_element_type=jnp.float32)
        + b_ref[...], 0.0)


def _update(state, partials, w, b):
    return pl.pallas_call(
        _update_body,
        grid=(_N // _BM,),
        in_specs=[
            pl.BlockSpec((_BM, _S), lambda i: (i, 0)),
            pl.BlockSpec((_NC, _BM, _S), lambda i: (0, i, 0)),
            pl.BlockSpec((_S, _S), lambda i: (0, 0)),
            pl.BlockSpec((1, _S), lambda i: (0, 0)),
        ],
        out_specs=pl.BlockSpec((_BM, _S), lambda i: (i, 0)),
        out_shape=jax.ShapeDtypeStruct((_N, _S), jnp.float32),
    )(state, partials, w, b.reshape(1, _S))


def _head_body(s_ref, w1_ref, b1_ref, w2_ref, b2_ref, o_ref):
    h = jnp.maximum(
        jnp.dot(s_ref[...], w1_ref[...], preferred_element_type=jnp.float32)
        + b1_ref[...], 0.0)
    o = jnp.dot(h, w2_ref[...], preferred_element_type=jnp.float32) + b2_ref[...]
    mean = o[:, 0:1]
    scale = jnp.exp(o[:, 1:2])
    o_ref[...] = jnp.concatenate([mean, scale], axis=1)


def _head(state, w1, b1, w2, b2):
    return pl.pallas_call(
        _head_body,
        grid=(_N // _BM,),
        in_specs=[
            pl.BlockSpec((_BM, _S), lambda i: (i, 0)),
            pl.BlockSpec((_S, _S), lambda i: (0, 0)),
            pl.BlockSpec((1, _S), lambda i: (0, 0)),
            pl.BlockSpec((_S, 2), lambda i: (0, 0)),
            pl.BlockSpec((1, 2), lambda i: (0, 0)),
        ],
        out_specs=pl.BlockSpec((_BM, 2), lambda i: (i, 0)),
        out_shape=jax.ShapeDtypeStruct((_N, 2), jnp.float32),
    )(state, w1, b1.reshape(1, _S), w2, b2.reshape(1, 2))


def kernel(x, edge_index, batch, W_in, b_in, Wm, bm, Wu, bu, Wo1, bo1, Wo2, bo2):
    pad = _EPAD - _E
    lanes = jnp.arange(pad, dtype=jnp.int32) % _CHUNK
    src = jnp.concatenate(
        [edge_index[0], lanes]).reshape(_NCHUNKS, _CHUNK)
    dst = jnp.concatenate(
        [edge_index[1], _N + lanes]).reshape(_NCHUNKS, _CHUNK)
    zeros = jnp.zeros((_N, _S), jnp.float32)

    state = _mm_relu(x, W_in, b_in)
    for r in range(_R):
        message = _mm_relu(state, Wm[r], bm[r])
        partials = _sc_aggregate(message, src, dst, zeros)
        state = _update(state, partials, Wu[r], bu[r])

    out = _head(state, Wo1, bo1, Wo2, bo2)
    return out[:, 0:1], out[:, 1:2]

# --- scband reference (transcript-rebuilt; emitter-appended) ---
"""Pipeline reference for scband-simple-gnn-13176959664739 (READ-ONLY COPY).

The authoritative reference and input builder live on the scoring server;
editing this copy changes nothing except your own understanding.
"""

import jax, jax.numpy as jnp
import numpy as np

N, E, D, S, R, OUT = 10000, 320000, 128, 128, 3, 1


def setup_inputs(seed: int = 0) -> dict:
    key = jax.random.key(seed)
    ks = jax.random.split(key, 16)
    x = jax.random.normal(ks[0], (N, D), dtype=jnp.float32)
    edge_index = jax.random.randint(ks[1], (2, E), 0, N, dtype=jnp.int32)
    batch = jnp.sort(jax.random.randint(ks[2], (N,), 0, 128, dtype=jnp.int32))
    s = 1.0 / np.sqrt(S)
    sd = 1.0 / np.sqrt(D)
    W_in = jax.random.uniform(ks[3], (D, S), jnp.float32, -sd, sd)
    b_in = jax.random.uniform(ks[4], (S,), jnp.float32, -sd, sd)
    Wm = jax.random.uniform(ks[5], (R, S, S), jnp.float32, -s, s)
    bm = jax.random.uniform(ks[6], (R, S), jnp.float32, -s, s)
    Wu = jax.random.uniform(ks[7], (R, S, S), jnp.float32, -s, s)
    bu = jax.random.uniform(ks[8], (R, S), jnp.float32, -s, s)
    Wo1 = jax.random.uniform(ks[9], (S, S), jnp.float32, -s, s)
    bo1 = jax.random.uniform(ks[10], (S,), jnp.float32, -s, s)
    Wo2 = jax.random.uniform(ks[11], (S, 2 * OUT), jnp.float32, -s, s)
    bo2 = jax.random.uniform(ks[12], (2 * OUT,), jnp.float32, -s, s)
    return {"x": x, "edge_index": edge_index, "batch": batch,
            "W_in": W_in, "b_in": b_in, "Wm": Wm, "bm": bm,
            "Wu": Wu, "bu": bu, "Wo1": Wo1, "bo1": bo1,
            "Wo2": Wo2, "bo2": bo2}


def reference(x, edge_index, batch, W_in, b_in, Wm, bm, Wu, bu, Wo1, bo1, Wo2, bo2):
    src = edge_index[0]
    dst = edge_index[1]
    num_nodes = x.shape[0]
    state = jax.nn.relu(x @ W_in + b_in)
    for r in range(Wm.shape[0]):
        message = jax.nn.relu(state @ Wm[r] + bm[r])
        gathered = jnp.take(message, src, axis=0)
        aggregated = jnp.zeros((num_nodes, state.shape[1]), dtype=x.dtype).at[dst].add(gathered)
        state = state + jax.nn.relu(aggregated @ Wu[r] + bu[r])
    out = jax.nn.relu(state @ Wo1 + bo1) @ Wo2 + bo2
    mean, logvar = jnp.split(out, 2, axis=-1)
    scale = jnp.exp(logvar)
    # torch.distributions.Independent(Normal(mean, exp(logvar)), 1) is parameterized by (mean, scale)
    return mean, scale

if __name__ == "__main__":
    import jax
    _d = setup_inputs()
    print(jax.jit(kernel)(*tuple(_d.values())))

</pallas_src>

<mosaic_0001>
#map = affine_map<(d0, d1) -> (0, 0)>
#map1 = affine_map<(d0, d1) -> (0, 0, 0)>
module attributes {stable_mosaic.version = 14 : i64} {
  func.func @_sc_agg_body(%arg0: i32, %arg1: i32, %arg2: memref<10000x128xf32, #tpu.memory_space<hbm>>, %arg3: memref<2560x128xi32, #tpu.memory_space<hbm>>, %arg4: memref<2560x128xi32, #tpu.memory_space<hbm>>, %arg5: memref<10000x128xf32, #tpu.memory_space<hbm>>, %arg6: memref<2x10000x128xf32, #tpu.memory_space<hbm>>, %arg7: memref<40x128xi32, #tpu.memory_space<vmem>>, %arg8: memref<40x128xi32, #tpu.memory_space<vmem>>, %arg9: memref<128x128xf32, #tpu.memory_space<vmem>>, %arg10: memref<128x128xf32, #tpu.memory_space<vmem>>, %arg11: memref<10128x128xf32, #tpu.memory_space<vmem_shared>>, %arg12: memref<!tpu.dma_semaphore, #tpu.memory_space<semaphore_mem>>, %arg13: memref<!tpu.dma_semaphore, #tpu.memory_space<semaphore_mem>>) attributes {dimension_semantics = [#tpu.dimension_semantics<core_parallel>, #tpu.dimension_semantics<subcore_parallel>], iteration_bounds = array<i64: 2, 16>, scalar_prefetch = 0 : i64, scratch_operands = 7 : i64, tpu.core_type = #tpu.core_type<sc_vector_subcore>, window_params = [{transform_indices = #map}, {transform_indices = #map}, {transform_indices = #map}, {transform_indices = #map}, {transform_indices = #map1}]} {
    %mul3A = arith.constant 2 : i32
    %mul3A_0 = arith.muli %arg1, %mul3A : i32
    %add3A = arith.addi %mul3A_0, %arg0 : i32
    %mul3A_1 = arith.constant 80 : i32
    %mul3A_2 = arith.muli %add3A, %mul3A_1 : i32
    %mul3A_3 = arith.constant 624 : i32
    %mul3A_4 = arith.muli %arg1, %mul3A_3 : i32
    %mul3A_5 = arith.constant 624 : i32
    %mul3A_6 = arith.muli %arg1, %mul3A_5 : i32
    "tpu.region"() ({
      %run_scoped3A = tpu.sem_alloc : memref<!tpu.dma_semaphore, #tpu.memory_space<semaphore_mem>>
      %dma_start3A_47 = arith.constant 0 : i32
      %dma_start3A_48 = tpu.memref_slice %arg11[%mul3A_6, %dma_start3A_47] : memref<10128x128xf32, #tpu.memory_space<vmem_shared>> -> memref<624x128xf32, #tpu.memory_space<vmem_shared>>
      %dma_start3A_49 = arith.constant 0 : i32
      %dma_start3A_50 = tpu.memref_slice %arg5[%mul3A_4, %dma_start3A_49] : memref<10000x128xf32, #tpu.memory_space<hbm>> -> memref<624x128xf32, #tpu.memory_space<hbm>>
      tpu.enqueue_dma source(%dma_start3A_50 : memref<624x128xf32, #tpu.memory_space<hbm>>) target(%dma_start3A_48 : memref<624x128xf32, #tpu.memory_space<vmem_shared>>) target_semaphore(%run_scoped3A : memref<!tpu.dma_semaphore, #tpu.memory_space<semaphore_mem>>)
      %dma_wait3A = arith.constant 0 : i32
      %dma_wait3A_51 = tpu.memref_slice %arg11[%mul3A_6, %dma_wait3A] : memref<10128x128xf32, #tpu.memory_space<vmem_shared>> -> memref<624x128xf32, #tpu.memory_space<vmem_shared>>
      %dma_wait3A_52 = arith.constant 0 : i32
      %dma_wait3A_53 = tpu.memref_slice %arg5[%mul3A_4, %dma_wait3A_52] : memref<10000x128xf32, #tpu.memory_space<hbm>> -> memref<624x128xf32, #tpu.memory_space<hbm>>
      tpu.wait_dma2 semaphore(%run_scoped3A : memref<!tpu.dma_semaphore, #tpu.memory_space<semaphore_mem>>) src(%dma_wait3A_53 : memref<624x128xf32, #tpu.memory_space<hbm>>) dst(%dma_wait3A_51 : memref<624x128xf32, #tpu.memory_space<vmem_shared>>)
      tpu.yield
    }) : () -> ()
    %eq3A = arith.constant 15 : i32
    %eq3A_7 = arith.cmpi eq, %arg1, %eq3A : i32
    %convert_element_type3A = arith.extui %eq3A_7 : i1 to i32
    %cond3A = arith.constant 0 : i32
    %cond3A_8 = arith.cmpi ne, %convert_element_type3A, %cond3A : i32
    scf.if %cond3A_8 {
      "tpu.region"() ({
        %run_scoped3A = tpu.sem_alloc : memref<!tpu.dma_semaphore, #tpu.memory_space<semaphore_mem>>
        %dma_start3A_47 = arith.constant 9984 : i32
        %dma_start3A_48 = arith.constant 0 : i32
        %dma_start3A_49 = tpu.memref_slice %arg11[%dma_start3A_47, %dma_start3A_48] : memref<10128x128xf32, #tpu.memory_space<vmem_shared>> -> memref<16x128xf32, #tpu.memory_space<vmem_shared>>
        %dma_start3A_50 = arith.constant 9984 : i32
        %dma_start3A_51 = arith.constant 0 : i32
        %dma_start3A_52 = tpu.memref_slice %arg5[%dma_start3A_50, %dma_start3A_51] : memref<10000x128xf32, #tpu.memory_space<hbm>> -> memref<16x128xf32, #tpu.memory_space<hbm>>
        tpu.enqueue_dma source(%dma_start3A_52 : memref<16x128xf32, #tpu.memory_space<hbm>>) target(%dma_start3A_49 : memref<16x128xf32, #tpu.memory_space<vmem_shared>>) target_semaphore(%run_scoped3A : memref<!tpu.dma_semaphore, #tpu.memory_space<semaphore_mem>>)
        %dma_wait3A = arith.constant 9984 : i32
        %dma_wait3A_53 = arith.constant 0 : i32
        %dma_wait3A_54 = tpu.memref_slice %arg11[%dma_wait3A, %dma_wait3A_53] : memref<10128x128xf32, #tpu.memory_space<vmem_shared>> -> memref<16x128xf32, #tpu.memory_space<vmem_shared>>
        %dma_wait3A_55 = arith.constant 9984 : i32
        %dma_wait3A_56 = arith.constant 0 : i32
        %dma_wait3A_57 = tpu.memref_slice %arg5[%dma_wait3A_55, %dma_wait3A_56] : memref<10000x128xf32, #tpu.memory_space<hbm>> -> memref<16x128xf32, #tpu.memory_space<hbm>>
        tpu.wait_dma2 semaphore(%run_scoped3A : memref<!tpu.dma_semaphore, #tpu.memory_space<semaphore_mem>>) src(%dma_wait3A_57 : memref<16x128xf32, #tpu.memory_space<hbm>>) dst(%dma_wait3A_54 : memref<16x128xf32, #tpu.memory_space<vmem_shared>>)
        tpu.yield
      }) : () -> ()
    } else {
    }
    %barrier3A = arith.constant 0 : index
    tpu.barrier barrier_id(%barrier3A)
    %add3A_9 = arith.constant 0 : i32
    %add3A_10 = arith.addi %mul3A_2, %add3A_9 : i32
    "tpu.region"() ({
      %run_scoped3A = tpu.sem_alloc : memref<!tpu.dma_semaphore, #tpu.memory_space<semaphore_mem>>
      %dma_start3A_47 = arith.constant 0 : i32
      %dma_start3A_48 = tpu.memref_slice %arg3[%add3A_10, %dma_start3A_47] : memref<2560x128xi32, #tpu.memory_space<hbm>> -> memref<40x128xi32, #tpu.memory_space<hbm>>
      %dma_start3A_49 = arith.constant 0 : i32
      %dma_start3A_50 = tpu.memref_slice %arg3[%add3A_10, %dma_start3A_49] : memref<2560x128xi32, #tpu.memory_space<hbm>> -> memref<40x128xi32, #tpu.memory_space<hbm>>
      tpu.enqueue_dma source(%dma_start3A_50 : memref<40x128xi32, #tpu.memory_space<hbm>>) target(%arg7 : memref<40x128xi32, #tpu.memory_space<vmem>>) target_semaphore(%run_scoped3A : memref<!tpu.dma_semaphore, #tpu.memory_space<semaphore_mem>>)
      %dma_wait3A = arith.constant 0 : i32
      %dma_wait3A_51 = tpu.memref_slice %arg3[%add3A_10, %dma_wait3A] : memref<2560x128xi32, #tpu.memory_space<hbm>> -> memref<40x128xi32, #tpu.memory_space<hbm>>
      %dma_wait3A_52 = arith.constant 0 : i32
      %dma_wait3A_53 = tpu.memref_slice %arg3[%add3A_10, %dma_wait3A_52] : memref<2560x128xi32, #tpu.memory_space<hbm>> -> memref<40x128xi32, #tpu.memory_space<hbm>>
      tpu.wait_dma2 semaphore(%run_scoped3A : memref<!tpu.dma_semaphore, #tpu.memory_space<semaphore_mem>>) src(%dma_wait3A_53 : memref<40x128xi32, #tpu.memory_space<hbm>>) dst(%arg7 : memref<40x128xi32, #tpu.memory_space<vmem>>)
      tpu.yield
    }) : () -> ()
    "tpu.region"() ({
      %run_scoped3A = tpu.sem_alloc : memref<!tpu.dma_semaphore, #tpu.memory_space<semaphore_mem>>
      %dma_start3A_47 = arith.constant 0 : i32
      %dma_start3A_48 = tpu.memref_slice %arg4[%add3A_10, %dma_start3A_47] : memref<2560x128xi32, #tpu.memory_space<hbm>> -> memref<40x128xi32, #tpu.memory_space<hbm>>
      %dma_start3A_49 = arith.constant 0 : i32
      %dma_start3A_50 = tpu.memref_slice %arg4[%add3A_10, %dma_start3A_49] : memref<2560x128xi32, #tpu.memory_space<hbm>> -> memref<40x128xi32, #tpu.memory_space<hbm>>
      tpu.enqueue_dma source(%dma_start3A_50 : memref<40x128xi32, #tpu.memory_space<hbm>>) target(%arg8 : memref<40x128xi32, #tpu.memory_space<vmem>>) target_semaphore(%run_scoped3A : memref<!tpu.dma_semaphore, #tpu.memory_space<semaphore_mem>>)
      %dma_wait3A = arith.constant 0 : i32
      %dma_wait3A_51 = tpu.memref_slice %arg4[%add3A_10, %dma_wait3A] : memref<2560x128xi32, #tpu.memory_space<hbm>> -> memref<40x128xi32, #tpu.memory_space<hbm>>
      %dma_wait3A_52 = arith.constant 0 : i32
      %dma_wait3A_53 = tpu.memref_slice %arg4[%add3A_10, %dma_wait3A_52] : memref<2560x128xi32, #tpu.memory_space<hbm>> -> memref<40x128xi32, #tpu.memory_space<hbm>>
      tpu.wait_dma2 semaphore(%run_scoped3A : memref<!tpu.dma_semaphore, #tpu.memory_space<semaphore_mem>>) src(%dma_wait3A_53 : memref<40x128xi32, #tpu.memory_space<hbm>>) dst(%arg8 : memref<40x128xi32, #tpu.memory_space<vmem>>)
      tpu.yield
    }) : () -> ()
    %dma_start3A = arith.constant 0 : i32
    %dma_start3A_11 = arith.constant 0 : i32
    %dma_start3A_12 = tpu.memref_slice %arg7[%dma_start3A, %dma_start3A_11] : memref<40x128xi32, #tpu.memory_space<vmem>> -> memref<1x128xi32, #tpu.memory_space<vmem>>
    %dma_start3A_13 = tpu.memref_squeeze %dma_start3A_12 : memref<1x128xi32, #tpu.memory_space<vmem>> -> memref<128xi32, #tpu.memory_space<vmem>>
    %dma_start3A_14 = arith.constant 0 : i32
    %dma_start3A_15 = arith.constant 0 : i32
    %dma_start3A_16 = tpu.memref_slice %arg2[%dma_start3A_14, %dma_start3A_15] : memref<10000x128xf32, #tpu.memory_space<hbm>> -> memref<10000x128xf32, #tpu.memory_space<hbm>>
    tpu.enqueue_indirect_dma source(%dma_start3A_16 : memref<10000x128xf32, #tpu.memory_space<hbm>>) target(%arg9 : memref<128x128xf32, #tpu.memory_space<vmem>>) offsets(%dma_start3A_13 : memref<128xi32, #tpu.memory_space<vmem>>) semaphore(%arg12 : memref<!tpu.dma_semaphore, #tpu.memory_space<semaphore_mem>>)
    %scan3A = arith.constant 0 : i32
    %scan3A_17 = arith.constant 0 : i32
    %scan3A_18 = arith.constant 20 : i32
    %scan3A_19 = arith.addi %scan3A_17, %scan3A_18 : i32
    %scan3A_20 = arith.constant 1 : i32
    scf.for %scan3A_47 = %scan3A_17 to %scan3A_19 step %scan3A_20  : i32 {
      %mul3A_48 = arith.constant 2 : i32
      %mul3A_49 = arith.muli %mul3A_48, %scan3A_47 : i32
      %add3A_50 = arith.constant 1 : i32
      %add3A_51 = arith.addi %mul3A_49, %add3A_50 : i32
      %dma_start3A_52 = arith.constant 0 : i32
      %dma_start3A_53 = tpu.memref_slice %arg7[%add3A_51, %dma_start3A_52] : memref<40x128xi32, #tpu.memory_space<vmem>> -> memref<1x128xi32, #tpu.memory_space<vmem>>
      %dma_start3A_54 = tpu.memref_squeeze %dma_start3A_53 : memref<1x128xi32, #tpu.memory_space<vmem>> -> memref<128xi32, #tpu.memory_space<vmem>>
      %dma_start3A_55 = arith.constant 0 : i32
      %dma_start3A_56 = arith.constant 0 : i32
      %dma_start3A_57 = tpu.memref_slice %arg2[%dma_start3A_55, %dma_start3A_56] : memref<10000x128xf32, #tpu.memory_space<hbm>> -> memref<10000x128xf32, #tpu.memory_space<hbm>>
      tpu.enqueue_indirect_dma source(%dma_start3A_57 : memref<10000x128xf32, #tpu.memory_space<hbm>>) target(%arg10 : memref<128x128xf32, #tpu.memory_space<vmem>>) offsets(%dma_start3A_54 : memref<128xi32, #tpu.memory_space<vmem>>) semaphore(%arg13 : memref<!tpu.dma_semaphore, #tpu.memory_space<semaphore_mem>>)
      %dma_wait3A = arith.constant 0 : i32
      %dma_wait3A_58 = tpu.memref_slice %arg7[%mul3A_49, %dma_wait3A] : memref<40x128xi32, #tpu.memory_space<vmem>> -> memref<1x128xi32, #tpu.memory_space<vmem>>
      %dma_wait3A_59 = tpu.memref_squeeze %dma_wait3A_58 : memref<1x128xi32, #tpu.memory_space<vmem>> -> memref<128xi32, #tpu.memory_space<vmem>>
      %dma_wait3A_60 = arith.constant 0 : i32
      %dma_wait3A_61 = arith.constant 0 : i32
      %dma_wait3A_62 = tpu.memref_slice %arg2[%dma_wait3A_60, %dma_wait3A_61] : memref<10000x128xf32, #tpu.memory_space<hbm>> -> memref<10000x128xf32, #tpu.memory_space<hbm>>
      tpu.wait_indirect_dma semaphore(%arg12 : memref<!tpu.dma_semaphore, #tpu.memory_space<semaphore_mem>>) src(%dma_wait3A_62 : memref<10000x128xf32, #tpu.memory_space<hbm>>) dst(%arg9 : memref<128x128xf32, #tpu.memory_space<vmem>>)
      "tpu.region"() ({
        %run_scoped3A = tpu.sem_alloc : memref<!tpu.dma_semaphore, #tpu.memory_space<semaphore_mem>>
        %dma_start3A_79 = arith.constant 0 : i32
        %dma_start3A_80 = tpu.memref_slice %arg8[%mul3A_49, %dma_start3A_79] : memref<40x128xi32, #tpu.memory_space<vmem>> -> memref<1x128xi32, #tpu.memory_space<vmem>>
        %dma_start3A_81 = tpu.memref_squeeze %dma_start3A_80 : memref<1x128xi32, #tpu.memory_space<vmem>> -> memref<128xi32, #tpu.memory_space<vmem>>
        %dma_start3A_82 = arith.constant 0 : i32
        %dma_start3A_83 = arith.constant 0 : i32
        %dma_start3A_84 = tpu.memref_slice %arg11[%dma_start3A_82, %dma_start3A_83] : memref<10128x128xf32, #tpu.memory_space<vmem_shared>> -> memref<10128x128xf32, #tpu.memory_space<vmem_shared>>
        tpu.enqueue_indirect_dma source(%arg9 : memref<128x128xf32, #tpu.memory_space<vmem>>) target(%dma_start3A_84 : memref<10128x128xf32, #tpu.memory_space<vmem_shared>>) offsets(%dma_start3A_81 : memref<128xi32, #tpu.memory_space<vmem>>) semaphore(%run_scoped3A : memref<!tpu.dma_semaphore, #tpu.memory_space<semaphore_mem>>) {add = true}
        %dma_wait3A_85 = arith.constant 0 : i32
        %dma_wait3A_86 = tpu.memref_slice %arg8[%mul3A_49, %dma_wait3A_85] : memref<40x128xi32, #tpu.memory_space<vmem>> -> memref<1x128xi32, #tpu.memory_space<vmem>>
        %dma_wait3A_87 = tpu.memref_squeeze %dma_wait3A_86 : memref<1x128xi32, #tpu.memory_space<vmem>> -> memref<128xi32, #tpu.memory_space<vmem>>
        %dma_wait3A_88 = arith.constant 0 : i32
        %dma_wait3A_89 = arith.constant 0 : i32
        %dma_wait3A_90 = tpu.memref_slice %arg11[%dma_wait3A_88, %dma_wait3A_89] : memref<10128x128xf32, #tpu.memory_space<vmem_shared>> -> memref<10128x128xf32, #tpu.memory_space<vmem_shared>>
        tpu.wait_indirect_dma semaphore(%run_scoped3A : memref<!tpu.dma_semaphore, #tpu.memory_space<semaphore_mem>>) src(%arg9 : memref<128x128xf32, #tpu.memory_space<vmem>>) dst(%dma_wait3A_90 : memref<10128x128xf32, #tpu.memory_space<vmem_shared>>)
        tpu.yield
      }) : () -> ()
      %add3A_63 = arith.constant 2 : i32
      %add3A_64 = arith.addi %mul3A_49, %add3A_63 : i32
      %lt3A = arith.constant 40 : i32
      %lt3A_65 = arith.cmpi slt, %add3A_64, %lt3A : i32
      %convert_element_type3A_66 = arith.extui %lt3A_65 : i1 to i32
      %cond3A_67 = arith.constant 0 : i32
      %cond3A_68 = arith.cmpi ne, %convert_element_type3A_66, %cond3A_67 : i32
      scf.if %cond3A_68 {
        %add3A_79 = arith.constant 2 : i32
        %add3A_80 = arith.addi %mul3A_49, %add3A_79 : i32
        %dma_start3A_81 = arith.constant 0 : i32
        %dma_start3A_82 = tpu.memref_slice %arg7[%add3A_80, %dma_start3A_81] : memref<40x128xi32, #tpu.memory_space<vmem>> -> memref<1x128xi32, #tpu.memory_space<vmem>>
        %dma_start3A_83 = tpu.memref_squeeze %dma_start3A_82 : memref<1x128xi32, #tpu.memory_space<vmem>> -> memref<128xi32, #tpu.memory_space<vmem>>
        %dma_start3A_84 = arith.constant 0 : i32
        %dma_start3A_85 = arith.constant 0 : i32
        %dma_start3A_86 = tpu.memref_slice %arg2[%dma_start3A_84, %dma_start3A_85] : memref<10000x128xf32, #tpu.memory_space<hbm>> -> memref<10000x128xf32, #tpu.memory_space<hbm>>
        tpu.enqueue_indirect_dma source(%dma_start3A_86 : memref<10000x128xf32, #tpu.memory_space<hbm>>) target(%arg9 : memref<128x128xf32, #tpu.memory_space<vmem>>) offsets(%dma_start3A_83 : memref<128xi32, #tpu.memory_space<vmem>>) semaphore(%arg12 : memref<!tpu.dma_semaphore, #tpu.memory_space<semaphore_mem>>)
      } else {
      }
      %add3A_69 = arith.constant 1 : i32
      %add3A_70 = arith.addi %mul3A_49, %add3A_69 : i32
      %dma_wait3A_71 = arith.constant 0 : i32
      %dma_wait3A_72 = tpu.memref_slice %arg7[%add3A_70, %dma_wait3A_71] : memref<40x128xi32, #tpu.memory_space<vmem>> -> memref<1x128xi32, #tpu.memory_space<vmem>>
      %dma_wait3A_73 = tpu.memref_squeeze %dma_wait3A_72 : memref<1x128xi32, #tpu.memory_space<vmem>> -> memref<128xi32, #tpu.memory_space<vmem>>
      %dma_wait3A_74 = arith.constant 0 : i32
      %dma_wait3A_75 = arith.constant 0 : i32
      %dma_wait3A_76 = tpu.memref_slice %arg2[%dma_wait3A_74, %dma_wait3A_75] : memref<10000x128xf32, #tpu.memory_space<hbm>> -> memref<10000x128xf32, #tpu.memory_space<hbm>>
      tpu.wait_indirect_dma semaphore(%arg13 : memref<!tpu.dma_semaphore, #tpu.memory_space<semaphore_mem>>) src(%dma_wait3A_76 : memref<10000x128xf32, #tpu.memory_space<hbm>>) dst(%arg10 : memref<128x128xf32, #tpu.memory_space<vmem>>)
      %add3A_77 = arith.constant 1 : i32
      %add3A_78 = arith.addi %mul3A_49, %add3A_77 : i32
      "tpu.region"() ({
        %run_scoped3A = tpu.sem_alloc : memref<!tpu.dma_semaphore, #tpu.memory_space<semaphore_mem>>
        %dma_start3A_79 = arith.constant 0 : i32
        %dma_start3A_80 = tpu.memref_slice %arg8[%add3A_78, %dma_start3A_79] : memref<40x128xi32, #tpu.memory_space<vmem>> -> memref<1x128xi32, #tpu.memory_space<vmem>>
        %dma_start3A_81 = tpu.memref_squeeze %dma_start3A_80 : memref<1x128xi32, #tpu.memory_space<vmem>> -> memref<128xi32, #tpu.memory_space<vmem>>
        %dma_start3A_82 = arith.constant 0 : i32
        %dma_start3A_83 = arith.constant 0 : i32
        %dma_start3A_84 = tpu.memref_slice %arg11[%dma_start3A_82, %dma_start3A_83] : memref<10128x128xf32, #tpu.memory_space<vmem_shared>> -> memref<10128x128xf32, #tpu.memory_space<vmem_shared>>
        tpu.enqueue_indirect_dma source(%arg10 : memref<128x128xf32, #tpu.memory_space<vmem>>) target(%dma_start3A_84 : memref<10128x128xf32, #tpu.memory_space<vmem_shared>>) offsets(%dma_start3A_81 : memref<128xi32, #tpu.memory_space<vmem>>) semaphore(%run_scoped3A : memref<!tpu.dma_semaphore, #tpu.memory_space<semaphore_mem>>) {add = true}
        %dma_wait3A_85 = arith.constant 0 : i32
        %dma_wait3A_86 = tpu.memref_slice %arg8[%add3A_78, %dma_wait3A_85] : memref<40x128xi32, #tpu.memory_space<vmem>> -> memref<1x128xi32, #tpu.memory_space<vmem>>
        %dma_wait3A_87 = tpu.memref_squeeze %dma_wait3A_86 : memref<1x128xi32, #tpu.memory_space<vmem>> -> memref<128xi32, #tpu.memory_space<vmem>>
        %dma_wait3A_88 = arith.constant 0 : i32
        %dma_wait3A_89 = arith.constant 0 : i32
        %dma_wait3A_90 = tpu.memref_slice %arg11[%dma_wait3A_88, %dma_wait3A_89] : memref<10128x128xf32, #tpu.memory_space<vmem_shared>> -> memref<10128x128xf32, #tpu.memory_space<vmem_shared>>
        tpu.wait_indirect_dma semaphore(%run_scoped3A : memref<!tpu.dma_semaphore, #tpu.memory_space<semaphore_mem>>) src(%arg10 : memref<128x128xf32, #tpu.memory_space<vmem>>) dst(%dma_wait3A_90 : memref<10128x128xf32, #tpu.memory_space<vmem_shared>>)
        tpu.yield
      }) : () -> ()
    }
    %scan3A_21 = arith.constant 20 : i32
    %add3A_22 = arith.constant 40 : i32
    %add3A_23 = arith.addi %mul3A_2, %add3A_22 : i32
    "tpu.region"() ({
      %run_scoped3A = tpu.sem_alloc : memref<!tpu.dma_semaphore, #tpu.memory_space<semaphore_mem>>
      %dma_start3A_47 = arith.constant 0 : i32
      %dma_start3A_48 = tpu.memref_slice %arg3[%add3A_23, %dma_start3A_47] : memref<2560x128xi32, #tpu.memory_space<hbm>> -> memref<40x128xi32, #tpu.memory_space<hbm>>
      %dma_start3A_49 = arith.constant 0 : i32
      %dma_start3A_50 = tpu.memref_slice %arg3[%add3A_23, %dma_start3A_49] : memref<2560x128xi32, #tpu.memory_space<hbm>> -> memref<40x128xi32, #tpu.memory_space<hbm>>
      tpu.enqueue_dma source(%dma_start3A_50 : memref<40x128xi32, #tpu.memory_space<hbm>>) target(%arg7 : memref<40x128xi32, #tpu.memory_space<vmem>>) target_semaphore(%run_scoped3A : memref<!tpu.dma_semaphore, #tpu.memory_space<semaphore_mem>>)
      %dma_wait3A = arith.constant 0 : i32
      %dma_wait3A_51 = tpu.memref_slice %arg3[%add3A_23, %dma_wait3A] : memref<2560x128xi32, #tpu.memory_space<hbm>> -> memref<40x128xi32, #tpu.memory_space<hbm>>
      %dma_wait3A_52 = arith.constant 0 : i32
      %dma_wait3A_53 = tpu.memref_slice %arg3[%add3A_23, %dma_wait3A_52] : memref<2560x128xi32, #tpu.memory_space<hbm>> -> memref<40x128xi32, #tpu.memory_space<hbm>>
      tpu.wait_dma2 semaphore(%run_scoped3A : memref<!tpu.dma_semaphore, #tpu.memory_space<semaphore_mem>>) src(%dma_wait3A_53 : memref<40x128xi32, #tpu.memory_space<hbm>>) dst(%arg7 : memref<40x128xi32, #tpu.memory_space<vmem>>)
      tpu.yield
    }) : () -> ()
    "tpu.region"() ({
      %run_scoped3A = tpu.sem_alloc : memref<!tpu.dma_semaphore, #tpu.memory_space<semaphore_mem>>
      %dma_start3A_47 = arith.constant 0 : i32
      %dma_start3A_48 = tpu.memref_slice %arg4[%add3A_23, %dma_start3A_47] : memref<2560x128xi32, #tpu.memory_space<hbm>> -> memref<40x128xi32, #tpu.memory_space<hbm>>
      %dma_start3A_49 = arith.constant 0 : i32
      %dma_start3A_50 = tpu.memref_slice %arg4[%add3A_23, %dma_start3A_49] : memref<2560x128xi32, #tpu.memory_space<hbm>> -> memref<40x128xi32, #tpu.memory_space<hbm>>
      tpu.enqueue_dma source(%dma_start3A_50 : memref<40x128xi32, #tpu.memory_space<hbm>>) target(%arg8 : memref<40x128xi32, #tpu.memory_space<vmem>>) target_semaphore(%run_scoped3A : memref<!tpu.dma_semaphore, #tpu.memory_space<semaphore_mem>>)
      %dma_wait3A = arith.constant 0 : i32
      %dma_wait3A_51 = tpu.memref_slice %arg4[%add3A_23, %dma_wait3A] : memref<2560x128xi32, #tpu.memory_space<hbm>> -> memref<40x128xi32, #tpu.memory_space<hbm>>
      %dma_wait3A_52 = arith.constant 0 : i32
      %dma_wait3A_53 = tpu.memref_slice %arg4[%add3A_23, %dma_wait3A_52] : memref<2560x128xi32, #tpu.memory_space<hbm>> -> memref<40x128xi32, #tpu.memory_space<hbm>>
      tpu.wait_dma2 semaphore(%run_scoped3A : memref<!tpu.dma_semaphore, #tpu.memory_space<semaphore_mem>>) src(%dma_wait3A_53 : memref<40x128xi32, #tpu.memory_space<hbm>>) dst(%arg8 : memref<40x128xi32, #tpu.memory_space<vmem>>)
      tpu.yield
    }) : () -> ()
    %dma_start3A_24 = arith.constant 0 : i32
    %dma_start3A_25 = arith.constant 0 : i32
    %dma_start3A_26 = tpu.memref_slice %arg7[%dma_start3A_24, %dma_start3A_25] : memref<40x128xi32, #tpu.memory_space<vmem>> -> memref<1x128xi32, #tpu.memory_space<vmem>>
    %dma_start3A_27 = tpu.memref_squeeze %dma_start3A_26 : memref<1x128xi32, #tpu.memory_space<vmem>> -> memref<128xi32, #tpu.memory_space<vmem>>
    %dma_start3A_28 = arith.constant 0 : i32
    %dma_start3A_29 = arith.constant 0 : i32
    %dma_start3A_30 = tpu.memref_slice %arg2[%dma_start3A_28, %dma_start3A_29] : memref<10000x128xf32, #tpu.memory_space<hbm>> -> memref<10000x128xf32, #tpu.memory_space<hbm>>
    tpu.enqueue_indirect_dma source(%dma_start3A_30 : memref<10000x128xf32, #tpu.memory_space<hbm>>) target(%arg9 : memref<128x128xf32, #tpu.memory_space<vmem>>) offsets(%dma_start3A_27 : memref<128xi32, #tpu.memory_space<vmem>>) semaphore(%arg12 : memref<!tpu.dma_semaphore, #tpu.memory_space<semaphore_mem>>)
    %scan3A_31 = arith.constant 0 : i32
    %scan3A_32 = arith.constant 0 : i32
    %scan3A_33 = arith.constant 20 : i32
    %scan3A_34 = arith.addi %scan3A_32, %scan3A_33 : i32
    %scan3A_35 = arith.constant 1 : i32
    scf.for %scan3A_47 = %scan3A_32 to %scan3A_34 step %scan3A_35  : i32 {
      %mul3A_48 = arith.constant 2 : i32
      %mul3A_49 = arith.muli %mul3A_48, %scan3A_47 : i32
      %add3A_50 = arith.constant 1 : i32
      %add3A_51 = arith.addi %mul3A_49, %add3A_50 : i32
      %dma_start3A_52 = arith.constant 0 : i32
      %dma_start3A_53 = tpu.memref_slice %arg7[%add3A_51, %dma_start3A_52] : memref<40x128xi32, #tpu.memory_space<vmem>> -> memref<1x128xi32, #tpu.memory_space<vmem>>
      %dma_start3A_54 = tpu.memref_squeeze %dma_start3A_53 : memref<1x128xi32, #tpu.memory_space<vmem>> -> memref<128xi32, #tpu.memory_space<vmem>>
      %dma_start3A_55 = arith.constant 0 : i32
      %dma_start3A_56 = arith.constant 0 : i32
      %dma_start3A_57 = tpu.memref_slice %arg2[%dma_start3A_55, %dma_start3A_56] : memref<10000x128xf32, #tpu.memory_space<hbm>> -> memref<10000x128xf32, #tpu.memory_space<hbm>>
      tpu.enqueue_indirect_dma source(%dma_start3A_57 : memref<10000x128xf32, #tpu.memory_space<hbm>>) target(%arg10 : memref<128x128xf32, #tpu.memory_space<vmem>>) offsets(%dma_start3A_54 : memref<128xi32, #tpu.memory_space<vmem>>) semaphore(%arg13 : memref<!tpu.dma_semaphore, #tpu.memory_space<semaphore_mem>>)
      %dma_wait3A = arith.constant 0 : i32
      %dma_wait3A_58 = tpu.memref_slice %arg7[%mul3A_49, %dma_wait3A] : memref<40x128xi32, #tpu.memory_space<vmem>> -> memref<1x128xi32, #tpu.memory_space<vmem>>
      %dma_wait3A_59 = tpu.memref_squeeze %dma_wait3A_58 : memref<1x128xi32, #tpu.memory_space<vmem>> -> memref<128xi32, #tpu.memory_space<vmem>>
      %dma_wait3A_60 = arith.constant 0 : i32
      %dma_wait3A_61 = arith.constant 0 : i32
      %dma_wait3A_62 = tpu.memref_slice %arg2[%dma_wait3A_60, %dma_wait3A_61] : memref<10000x128xf32, #tpu.memory_space<hbm>> -> memref<10000x128xf32, #tpu.memory_space<hbm>>
      tpu.wait_indirect_dma semaphore(%arg12 : memref<!tpu.dma_semaphore, #tpu.memory_space<semaphore_mem>>) src(%dma_wait3A_62 : memref<10000x128xf32, #tpu.memory_space<hbm>>) dst(%arg9 : memref<128x128xf32, #tpu.memory_space<vmem>>)
      "tpu.region"() ({
        %run_scoped3A = tpu.sem_alloc : memref<!tpu.dma_semaphore, #tpu.memory_space<semaphore_mem>>
        %dma_start3A_79 = arith.constant 0 : i32
        %dma_start3A_80 = tpu.memref_slice %arg8[%mul3A_49, %dma_start3A_79] : memref<40x128xi32, #tpu.memory_space<vmem>> -> memref<1x128xi32, #tpu.memory_space<vmem>>
        %dma_start3A_81 = tpu.memref_squeeze %dma_start3A_80 : memref<1x128xi32, #tpu.memory_space<vmem>> -> memref<128xi32, #tpu.memory_space<vmem>>
        %dma_start3A_82 = arith.constant 0 : i32
        %dma_start3A_83 = arith.constant 0 : i32
        %dma_start3A_84 = tpu.memref_slice %arg11[%dma_start3A_82, %dma_start3A_83] : memref<10128x128xf32, #tpu.memory_space<vmem_shared>> -> memref<10128x128xf32, #tpu.memory_space<vmem_shared>>
        tpu.enqueue_indirect_dma source(%arg9 : memref<128x128xf32, #tpu.memory_space<vmem>>) target(%dma_start3A_84 : memref<10128x128xf32, #tpu.memory_space<vmem_shared>>) offsets(%dma_start3A_81 : memref<128xi32, #tpu.memory_space<vmem>>) semaphore(%run_scoped3A : memref<!tpu.dma_semaphore, #tpu.memory_space<semaphore_mem>>) {add = true}
        %dma_wait3A_85 = arith.constant 0 : i32
        %dma_wait3A_86 = tpu.memref_slice %arg8[%mul3A_49, %dma_wait3A_85] : memref<40x128xi32, #tpu.memory_space<vmem>> -> memref<1x128xi32, #tpu.memory_space<vmem>>
        %dma_wait3A_87 = tpu.memref_squeeze %dma_wait3A_86 : memref<1x128xi32, #tpu.memory_space<vmem>> -> memref<128xi32, #tpu.memory_space<vmem>>
        %dma_wait3A_88 = arith.constant 0 : i32
        %dma_wait3A_89 = arith.constant 0 : i32
        %dma_wait3A_90 = tpu.memref_slice %arg11[%dma_wait3A_88, %dma_wait3A_89] : memref<10128x128xf32, #tpu.memory_space<vmem_shared>> -> memref<10128x128xf32, #tpu.memory_space<vmem_shared>>
        tpu.wait_indirect_dma semaphore(%run_scoped3A : memref<!tpu.dma_semaphore, #tpu.memory_space<semaphore_mem>>) src(%arg9 : memref<128x128xf32, #tpu.memory_space<vmem>>) dst(%dma_wait3A_90 : memref<10128x128xf32, #tpu.memory_space<vmem_shared>>)
        tpu.yield
      }) : () -> ()
      %add3A_63 = arith.constant 2 : i32
      %add3A_64 = arith.addi %mul3A_49, %add3A_63 : i32
      %lt3A = arith.constant 40 : i32
      %lt3A_65 = arith.cmpi slt, %add3A_64, %lt3A : i32
      %convert_element_type3A_66 = arith.extui %lt3A_65 : i1 to i32
      %cond3A_67 = arith.constant 0 : i32
      %cond3A_68 = arith.cmpi ne, %convert_element_type3A_66, %cond3A_67 : i32
      scf.if %cond3A_68 {
        %add3A_79 = arith.constant 2 : i32
        %add3A_80 = arith.addi %mul3A_49, %add3A_79 : i32
        %dma_start3A_81 = arith.constant 0 : i32
        %dma_start3A_82 = tpu.memref_slice %arg7[%add3A_80, %dma_start3A_81] : memref<40x128xi32, #tpu.memory_space<vmem>> -> memref<1x128xi32, #tpu.memory_space<vmem>>
        %dma_start3A_83 = tpu.memref_squeeze %dma_start3A_82 : memref<1x128xi32, #tpu.memory_space<vmem>> -> memref<128xi32, #tpu.memory_space<vmem>>
        %dma_start3A_84 = arith.constant 0 : i32
        %dma_start3A_85 = arith.constant 0 : i32
        %dma_start3A_86 = tpu.memref_slice %arg2[%dma_start3A_84, %dma_start3A_85] : memref<10000x128xf32, #tpu.memory_space<hbm>> -> memref<10000x128xf32, #tpu.memory_space<hbm>>
        tpu.enqueue_indirect_dma source(%dma_start3A_86 : memref<10000x128xf32, #tpu.memory_space<hbm>>) target(%arg9 : memref<128x128xf32, #tpu.memory_space<vmem>>) offsets(%dma_start3A_83 : memref<128xi32, #tpu.memory_space<vmem>>) semaphore(%arg12 : memref<!tpu.dma_semaphore, #tpu.memory_space<semaphore_mem>>)
      } else {
      }
      %add3A_69 = arith.constant 1 : i32
      %add3A_70 = arith.addi %mul3A_49, %add3A_69 : i32
      %dma_wait3A_71 = arith.constant 0 : i32
      %dma_wait3A_72 = tpu.memref_slice %arg7[%add3A_70, %dma_wait3A_71] : memref<40x128xi32, #tpu.memory_space<vmem>> -> memref<1x128xi32, #tpu.memory_space<vmem>>
      %dma_wait3A_73 = tpu.memref_squeeze %dma_wait3A_72 : memref<1x128xi32, #tpu.memory_space<vmem>> -> memref<128xi32, #tpu.memory_space<vmem>>
      %dma_wait3A_74 = arith.constant 0 : i32
      %dma_wait3A_75 = arith.constant 0 : i32
      %dma_wait3A_76 = tpu.memref_slice %arg2[%dma_wait3A_74, %dma_wait3A_75] : memref<10000x128xf32, #tpu.memory_space<hbm>> -> memref<10000x128xf32, #tpu.memory_space<hbm>>
      tpu.wait_indirect_dma semaphore(%arg13 : memref<!tpu.dma_semaphore, #tpu.memory_space<semaphore_mem>>) src(%dma_wait3A_76 : memref<10000x128xf32, #tpu.memory_space<hbm>>) dst(%arg10 : memref<128x128xf32, #tpu.memory_space<vmem>>)
      %add3A_77 = arith.constant 1 : i32
      %add3A_78 = arith.addi %mul3A_49, %add3A_77 : i32
      "tpu.region"() ({
        %run_scoped3A = tpu.sem_alloc : memref<!tpu.dma_semaphore, #tpu.memory_space<semaphore_mem>>
        %dma_start3A_79 = arith.constant 0 : i32
        %dma_start3A_80 = tpu.memref_slice %arg8[%add3A_78, %dma_start3A_79] : memref<40x128xi32, #tpu.memory_space<vmem>> -> memref<1x128xi32, #tpu.memory_space<vmem>>
        %dma_start3A_81 = tpu.memref_squeeze %dma_start3A_80 : memref<1x128xi32, #tpu.memory_space<vmem>> -> memref<128xi32, #tpu.memory_space<vmem>>
        %dma_start3A_82 = arith.constant 0 : i32
        %dma_start3A_83 = arith.constant 0 : i32
        %dma_start3A_84 = tpu.memref_slice %arg11[%dma_start3A_82, %dma_start3A_83] : memref<10128x128xf32, #tpu.memory_space<vmem_shared>> -> memref<10128x128xf32, #tpu.memory_space<vmem_shared>>
        tpu.enqueue_indirect_dma source(%arg10 : memref<128x128xf32, #tpu.memory_space<vmem>>) target(%dma_start3A_84 : memref<10128x128xf32, #tpu.memory_space<vmem_shared>>) offsets(%dma_start3A_81 : memref<128xi32, #tpu.memory_space<vmem>>) semaphore(%run_scoped3A : memref<!tpu.dma_semaphore, #tpu.memory_space<semaphore_mem>>) {add = true}
        %dma_wait3A_85 = arith.constant 0 : i32
        %dma_wait3A_86 = tpu.memref_slice %arg8[%add3A_78, %dma_wait3A_85] : memref<40x128xi32, #tpu.memory_space<vmem>> -> memref<1x128xi32, #tpu.memory_space<vmem>>
        %dma_wait3A_87 = tpu.memref_squeeze %dma_wait3A_86 : memref<1x128xi32, #tpu.memory_space<vmem>> -> memref<128xi32, #tpu.memory_space<vmem>>
        %dma_wait3A_88 = arith.constant 0 : i32
        %dma_wait3A_89 = arith.constant 0 : i32
        %dma_wait3A_90 = tpu.memref_slice %arg11[%dma_wait3A_88, %dma_wait3A_89] : memref<10128x128xf32, #tpu.memory_space<vmem_shared>> -> memref<10128x128xf32, #tpu.memory_space<vmem_shared>>
        tpu.wait_indirect_dma semaphore(%run_scoped3A : memref<!tpu.dma_semaphore, #tpu.memory_space<semaphore_mem>>) src(%arg10 : memref<128x128xf32, #tpu.memory_space<vmem>>) dst(%dma_wait3A_90 : memref<10128x128xf32, #tpu.memory_space<vmem_shared>>)
        tpu.yield
      }) : () -> ()
    }
    %scan3A_36 = arith.constant 20 : i32
    %barrier3A_37 = arith.constant 0 : index
    tpu.barrier barrier_id(%barrier3A_37)
    %mul3A_38 = arith.constant 624 : i32
    %mul3A_39 = arith.muli %arg1, %mul3A_38 : i32
    %mul3A_40 = arith.constant 624 : i32
    %mul3A_41 = arith.muli %arg1, %mul3A_40 : i32
    "tpu.region"() ({
      %run_scoped3A = tpu.sem_alloc : memref<!tpu.dma_semaphore, #tpu.memory_space<semaphore_mem>>
      %dma_start3A_47 = arith.constant 0 : i32
      %dma_start3A_48 = arith.constant 0 : i32
      %dma_start3A_49 = tpu.memref_slice %arg6[%arg0, %dma_start3A_47, %dma_start3A_48] : memref<2x10000x128xf32, #tpu.memory_space<hbm>> -> memref<1x10000x128xf32, #tpu.memory_space<hbm>>
      %dma_start3A_50 = tpu.memref_squeeze %dma_start3A_49 : memref<1x10000x128xf32, #tpu.memory_space<hbm>> -> memref<10000x128xf32, #tpu.memory_space<hbm>>
      %dma_start3A_51 = arith.constant 0 : i32
      %dma_start3A_52 = tpu.memref_slice %dma_start3A_50[%mul3A_41, %dma_start3A_51] : memref<10000x128xf32, #tpu.memory_space<hbm>> -> memref<624x128xf32, #tpu.memory_space<hbm>>
      %dma_start3A_53 = arith.constant 0 : i32
      %dma_start3A_54 = tpu.memref_slice %arg11[%mul3A_39, %dma_start3A_53] : memref<10128x128xf32, #tpu.memory_space<vmem_shared>> -> memref<624x128xf32, #tpu.memory_space<vmem_shared>>
      tpu.enqueue_dma source(%dma_start3A_54 : memref<624x128xf32, #tpu.memory_space<vmem_shared>>) target(%dma_start3A_52 : memref<624x128xf32, #tpu.memory_space<hbm>>) target_semaphore(%run_scoped3A : memref<!tpu.dma_semaphore, #tpu.memory_space<semaphore_mem>>)
      %dma_wait3A = arith.constant 0 : i32
      %dma_wait3A_55 = arith.constant 0 : i32
      %dma_wait3A_56 = tpu.memref_slice %arg6[%arg0, %dma_wait3A, %dma_wait3A_55] : memref<2x10000x128xf32, #tpu.memory_space<hbm>> -> memref<1x10000x128xf32, #tpu.memory_space<hbm>>
      %dma_wait3A_57 = tpu.memref_squeeze %dma_wait3A_56 : memref<1x10000x128xf32, #tpu.memory_space<hbm>> -> memref<10000x128xf32, #tpu.memory_space<hbm>>
      %dma_wait3A_58 = arith.constant 0 : i32
      %dma_wait3A_59 = tpu.memref_slice %dma_wait3A_57[%mul3A_41, %dma_wait3A_58] : memref<10000x128xf32, #tpu.memory_space<hbm>> -> memref<624x128xf32, #tpu.memory_space<hbm>>
      %dma_wait3A_60 = arith.constant 0 : i32
      %dma_wait3A_61 = tpu.memref_slice %arg11[%mul3A_39, %dma_wait3A_60] : memref<10128x128xf32, #tpu.memory_space<vmem_shared>> -> memref<624x128xf32, #tpu.memory_space<vmem_shared>>
      tpu.wait_dma2 semaphore(%run_scoped3A : memref<!tpu.dma_semaphore, #tpu.memory_space<semaphore_mem>>) src(%dma_wait3A_61 : memref<624x128xf32, #tpu.memory_space<vmem_shared>>) dst(%dma_wait3A_59 : memref<624x128xf32, #tpu.memory_space<hbm>>)
      tpu.yield
    }) : () -> ()
    %eq3A_42 = arith.constant 15 : i32
    %eq3A_43 = arith.cmpi eq, %arg1, %eq3A_42 : i32
    %convert_element_type3A_44 = arith.extui %eq3A_43 : i1 to i32
    %cond3A_45 = arith.constant 0 : i32
    %cond3A_46 = arith.cmpi ne, %convert_element_type3A_44, %cond3A_45 : i32
    scf.if %cond3A_46 {
      "tpu.region"() ({
        %run_scoped3A = tpu.sem_alloc : memref<!tpu.dma_semaphore, #tpu.memory_space<semaphore_mem>>
        %dma_start3A_47 = arith.constant 0 : i32
        %dma_start3A_48 = arith.constant 0 : i32
        %dma_start3A_49 = tpu.memref_slice %arg6[%arg0, %dma_start3A_47, %dma_start3A_48] : memref<2x10000x128xf32, #tpu.memory_space<hbm>> -> memref<1x10000x128xf32, #tpu.memory_space<hbm>>
        %dma_start3A_50 = tpu.memref_squeeze %dma_start3A_49 : memref<1x10000x128xf32, #tpu.memory_space<hbm>> -> memref<10000x128xf32, #tpu.memory_space<hbm>>
        %dma_start3A_51 = arith.constant 9984 : i32
        %dma_start3A_52 = arith.constant 0 : i32
        %dma_start3A_53 = tpu.memref_slice %dma_start3A_50[%dma_start3A_51, %dma_start3A_52] : memref<10000x128xf32, #tpu.memory_space<hbm>> -> memref<16x128xf32, #tpu.memory_space<hbm>>
        %dma_start3A_54 = arith.constant 9984 : i32
        %dma_start3A_55 = arith.constant 0 : i32
        %dma_start3A_56 = tpu.memref_slice %arg11[%dma_start3A_54, %dma_start3A_55] : memref<10128x128xf32, #tpu.memory_space<vmem_shared>> -> memref<16x128xf32, #tpu.memory_space<vmem_shared>>
        tpu.enqueue_dma source(%dma_start3A_56 : memref<16x128xf32, #tpu.memory_space<vmem_shared>>) target(%dma_start3A_53 : memref<16x128xf32, #tpu.memory_space<hbm>>) target_semaphore(%run_scoped3A : memref<!tpu.dma_semaphore, #tpu.memory_space<semaphore_mem>>)
        %dma_wait3A = arith.constant 0 : i32
        %dma_wait3A_57 = arith.constant 0 : i32
        %dma_wait3A_58 = tpu.memref_slice %arg6[%arg0, %dma_wait3A, %dma_wait3A_57] : memref<2x10000x128xf32, #tpu.memory_space<hbm>> -> memref<1x10000x128xf32, #tpu.memory_space<hbm>>
        %dma_wait3A_59 = tpu.memref_squeeze %dma_wait3A_58 : memref<1x10000x128xf32, #tpu.memory_space<hbm>> -> memref<10000x128xf32, #tpu.memory_space<hbm>>
        %dma_wait3A_60 = arith.constant 9984 : i32
        %dma_wait3A_61 = arith.constant 0 : i32
        %dma_wait3A_62 = tpu.memref_slice %dma_wait3A_59[%dma_wait3A_60, %dma_wait3A_61] : memref<10000x128xf32, #tpu.memory_space<hbm>> -> memref<16x128xf32, #tpu.memory_space<hbm>>
        %dma_wait3A_63 = arith.constant 9984 : i32
        %dma_wait3A_64 = arith.constant 0 : i32
        %dma_wait3A_65 = tpu.memref_slice %arg11[%dma_wait3A_63, %dma_wait3A_64] : memref<10128x128xf32, #tpu.memory_space<vmem_shared>> -> memref<16x128xf32, #tpu.memory_space<vmem_shared>>
        tpu.wait_dma2 semaphore(%run_scoped3A : memref<!tpu.dma_semaphore, #tpu.memory_space<semaphore_mem>>) src(%dma_wait3A_65 : memref<16x128xf32, #tpu.memory_space<vmem_shared>>) dst(%dma_wait3A_62 : memref<16x128xf32, #tpu.memory_space<hbm>>)
        tpu.yield
      }) : () -> ()
    } else {
    }
    return
  }
}

#map = affine_map<(d0, d1) -> (0, 0)>
#map1 = affine_map<(d0, d1) -> (0, 0, 0)>
module attributes {stable_mosaic.version = 14 : i64} {
  func.func @_sc_agg_body(%arg0: i32, %arg1: i32, %arg2: memref<10000x128xf32, #tpu.memory_space<hbm>>, %arg3: memref<2560x128xi32, #tpu.memory_space<hbm>>, %arg4: memref<2560x128xi32, #tpu.memory_space<hbm>>, %arg5: memref<10000x128xf32, #tpu.memory_space<hbm>>, %arg6: memref<2x10000x128xf32, #tpu.memory_space<hbm>>, %arg7: memref<40x128xi32, #tpu.memory_space<vmem>>, %arg8: memref<40x128xi32, #tpu.memory_space<vmem>>, %arg9: memref<128x128xf32, #tpu.memory_space<vmem>>, %arg10: memref<128x128xf32, #tpu.memory_space<vmem>>, %arg11: memref<10128x128xf32, #tpu.memory_space<vmem_shared>>, %arg12: memref<!tpu.dma_semaphore, #tpu.memory_space<semaphore_mem>>, %arg13: memref<!tpu.dma_semaphore, #tpu.memory_space<semaphore_mem>>) attributes {dimension_semantics = [#tpu.dimension_semantics<core_parallel>, #tpu.dimension_semantics<subcore_parallel>], iteration_bounds = array<i64: 2, 16>, scalar_prefetch = 0 : i64, scratch_operands = 7 : i64, tpu.core_type = #tpu.core_type<sc_vector_subcore>, window_params = [{transform_indices = #map}, {transform_indices = #map}, {transform_indices = #map}, {transform_indices = #map}, {transform_indices = #map1}]} {
    %mul3A = arith.constant 2 : i32
    %mul3A_0 = arith.muli %arg1, %mul3A : i32
    %add3A = arith.addi %mul3A_0, %arg0 : i32
    %mul3A_1 = arith.constant 80 : i32
    %mul3A_2 = arith.muli %add3A, %mul3A_1 : i32
    %mul3A_3 = arith.constant 624 : i32
    %mul3A_4 = arith.muli %arg1, %mul3A_3 : i32
    %mul3A_5 = arith.constant 624 : i32
    %mul3A_6 = arith.muli %arg1, %mul3A_5 : i32
    "tpu.region"() ({
      %run_scoped3A = tpu.sem_alloc : memref<!tpu.dma_semaphore, #tpu.memory_space<semaphore_mem>>
      %dma_start3A_47 = arith.constant 0 : i32
      %dma_start3A_48 = tpu.memref_slice %arg11[%mul3A_6, %dma_start3A_47] : memref<10128x128xf32, #tpu.memory_space<vmem_shared>> -> memref<624x128xf32, #tpu.memory_space<vmem_shared>>
      %dma_start3A_49 = arith.constant 0 : i32
      %dma_start3A_50 = tpu.memref_slice %arg5[%mul3A_4, %dma_start3A_49] : memref<10000x128xf32, #tpu.memory_space<hbm>> -> memref<624x128xf32, #tpu.memory_space<hbm>>
      tpu.enqueue_dma source(%dma_start3A_50 : memref<624x128xf32, #tpu.memory_space<hbm>>) target(%dma_start3A_48 : memref<624x128xf32, #tpu.memory_space<vmem_shared>>) target_semaphore(%run_scoped3A : memref<!tpu.dma_semaphore, #tpu.memory_space<semaphore_mem>>)
      %dma_wait3A = arith.constant 0 : i32
      %dma_wait3A_51 = tpu.memref_slice %arg11[%mul3A_6, %dma_wait3A] : memref<10128x128xf32, #tpu.memory_space<vmem_shared>> -> memref<624x128xf32, #tpu.memory_space<vmem_shared>>
      %dma_wait3A_52 = arith.constant 0 : i32
      %dma_wait3A_53 = tpu.memref_slice %arg5[%mul3A_4, %dma_wait3A_52] : memref<10000x128xf32, #tpu.memory_space<hbm>> -> memref<624x128xf32, #tpu.memory_space<hbm>>
      tpu.wait_dma2 semaphore(%run_scoped3A : memref<!tpu.dma_semaphore, #tpu.memory_space<semaphore_mem>>) src(%dma_wait3A_53 : memref<624x128xf32, #tpu.memory_space<hbm>>) dst(%dma_wait3A_51 : memref<624x128xf32, #tpu.memory_space<vmem_shared>>)
      tpu.yield
    }) : () -> ()
    %eq3A = arith.constant 15 : i32
    %eq3A_7 = arith.cmpi eq, %arg1, %eq3A : i32
    %convert_element_type3A = arith.extui %eq3A_7 : i1 to i32
    %cond3A = arith.constant 0 : i32
    %cond3A_8 = arith.cmpi ne, %convert_element_type3A, %cond3A : i32
    scf.if %cond3A_8 {
      "tpu.region"() ({
        %run_scoped3A = tpu.sem_alloc : memref<!tpu.dma_semaphore, #tpu.memory_space<semaphore_mem>>
        %dma_start3A_47 = arith.constant 9984 : i32
        %dma_start3A_48 = arith.constant 0 : i32
        %dma_start3A_49 = tpu.memref_slice %arg11[%dma_start3A_47, %dma_start3A_48] : memref<10128x128xf32, #tpu.memory_space<vmem_shared>> -> memref<16x128xf32, #tpu.memory_space<vmem_shared>>
        %dma_start3A_50 = arith.constant 9984 : i32
        %dma_start3A_51 = arith.constant 0 : i32
        %dma_start3A_52 = tpu.memref_slice %arg5[%dma_start3A_50, %dma_start3A_51] : memref<10000x128xf32, #tpu.memory_space<hbm>> -> memref<16x128xf32, #tpu.memory_space<hbm>>
        tpu.enqueue_dma source(%dma_start3A_52 : memref<16x128xf32, #tpu.memory_space<hbm>>) target(%dma_start3A_49 : memref<16x128xf32, #tpu.memory_space<vmem_shared>>) target_semaphore(%run_scoped3A : memref<!tpu.dma_semaphore, #tpu.memory_space<semaphore_mem>>)
        %dma_wait3A = arith.constant 9984 : i32
        %dma_wait3A_53 = arith.constant 0 : i32
        %dma_wait3A_54 = tpu.memref_slice %arg11[%dma_wait3A, %dma_wait3A_53] : memref<10128x128xf32, #tpu.memory_space<vmem_shared>> -> memref<16x128xf32, #tpu.memory_space<vmem_shared>>
        %dma_wait3A_55 = arith.constant 9984 : i32
        %dma_wait3A_56 = arith.constant 0 : i32
        %dma_wait3A_57 = tpu.memref_slice %arg5[%dma_wait3A_55, %dma_wait3A_56] : memref<10000x128xf32, #tpu.memory_space<hbm>> -> memref<16x128xf32, #tpu.memory_space<hbm>>
        tpu.wait_dma2 semaphore(%run_scoped3A : memref<!tpu.dma_semaphore, #tpu.memory_space<semaphore_mem>>) src(%dma_wait3A_57 : memref<16x128xf32, #tpu.memory_space<hbm>>) dst(%dma_wait3A_54 : memref<16x128xf32, #tpu.memory_space<vmem_shared>>)
        tpu.yield
      }) : () -> ()
    } else {
    }
    %barrier3A = arith.constant 0 : index
    tpu.barrier barrier_id(%barrier3A)
    %add3A_9 = arith.constant 0 : i32
    %add3A_10 = arith.addi %mul3A_2, %add3A_9 : i32
    "tpu.region"() ({
      %run_scoped3A = tpu.sem_alloc : memref<!tpu.dma_semaphore, #tpu.memory_space<semaphore_mem>>
      %dma_start3A_47 = arith.constant 0 : i32
      %dma_start3A_48 = tpu.memref_slice %arg3[%add3A_10, %dma_start3A_47] : memref<2560x128xi32, #tpu.memory_space<hbm>> -> memref<40x128xi32, #tpu.memory_space<hbm>>
      %dma_start3A_49 = arith.constant 0 : i32
      %dma_start3A_50 = tpu.memref_slice %arg3[%add3A_10, %dma_start3A_49] : memref<2560x128xi32, #tpu.memory_space<hbm>> -> memref<40x128xi32, #tpu.memory_space<hbm>>
      tpu.enqueue_dma source(%dma_start3A_50 : memref<40x128xi32, #tpu.memory_space<hbm>>) target(%arg7 : memref<40x128xi32, #tpu.memory_space<vmem>>) target_semaphore(%run_scoped3A : memref<!tpu.dma_semaphore, #tpu.memory_space<semaphore_mem>>)
      %dma_wait3A = arith.constant 0 : i32
      %dma_wait3A_51 = tpu.memref_slice %arg3[%add3A_10, %dma_wait3A] : memref<2560x128xi32, #tpu.memory_space<hbm>> -> memref<40x128xi32, #tpu.memory_space<hbm>>
      %dma_wait3A_52 = arith.constant 0 : i32
      %dma_wait3A_53 = tpu.memref_slice %arg3[%add3A_10, %dma_wait3A_52] : memref<2560x128xi32, #tpu.memory_space<hbm>> -> memref<40x128xi32, #tpu.memory_space<hbm>>
      tpu.wait_dma2 semaphore(%run_scoped3A : memref<!tpu.dma_semaphore, #tpu.memory_space<semaphore_mem>>) src(%dma_wait3A_53 : memref<40x128xi32, #tpu.memory_space<hbm>>) dst(%arg7 : memref<40x128xi32, #tpu.memory_space<vmem>>)
      tpu.yield
    }) : () -> ()
    "tpu.region"() ({
      %run_scoped3A = tpu.sem_alloc : memref<!tpu.dma_semaphore, #tpu.memory_space<semaphore_mem>>
      %dma_start3A_47 = arith.constant 0 : i32
      %dma_start3A_48 = tpu.memref_slice %arg4[%add3A_10, %dma_start3A_47] : memref<2560x128xi32, #tpu.memory_space<hbm>> -> memref<40x128xi32, #tpu.memory_space<hbm>>
      %dma_start3A_49 = arith.constant 0 : i32
      %dma_start3A_50 = tpu.memref_slice %arg4[%add3A_10, %dma_start3A_49] : memref<2560x128xi32, #tpu.memory_space<hbm>> -> memref<40x128xi32, #tpu.memory_space<hbm>>
      tpu.enqueue_dma source(%dma_start3A_50 : memref<40x128xi32, #tpu.memory_space<hbm>>) target(%arg8 : memref<40x128xi32, #tpu.memory_space<vmem>>) target_semaphore(%run_scoped3A : memref<!tpu.dma_semaphore, #tpu.memory_space<semaphore_mem>>)
      %dma_wait3A = arith.constant 0 : i32
      %dma_wait3A_51 = tpu.memref_slice %arg4[%add3A_10, %dma_wait3A] : memref<2560x128xi32, #tpu.memory_space<hbm>> -> memref<40x128xi32, #tpu.memory_space<hbm>>
      %dma_wait3A_52 = arith.constant 0 : i32
      %dma_wait3A_53 = tpu.memref_slice %arg4[%add3A_10, %dma_wait3A_52] : memref<2560x128xi32, #tpu.memory_space<hbm>> -> memref<40x128xi32, #tpu.memory_space<hbm>>
      tpu.wait_dma2 semaphore(%run_scoped3A : memref<!tpu.dma_semaphore, #tpu.memory_space<semaphore_mem>>) src(%dma_wait3A_53 : memref<40x128xi32, #tpu.memory_space<hbm>>) dst(%arg8 : memref<40x128xi32, #tpu.memory_space<vmem>>)
      tpu.yield
    }) : () -> ()
    %dma_start3A = arith.constant 0 : i32
    %dma_start3A_11 = arith.constant 0 : i32
    %dma_start3A_12 = tpu.memref_slice %arg7[%dma_start3A, %dma_start3A_11] : memref<40x128xi32, #tpu.memory_space<vmem>> -> memref<1x128xi32, #tpu.memory_space<vmem>>
    %dma_start3A_13 = tpu.memref_squeeze %dma_start3A_12 : memref<1x128xi32, #tpu.memory_space<vmem>> -> memref<128xi32, #tpu.memory_space<vmem>>
    %dma_start3A_14 = arith.constant 0 : i32
    %dma_start3A_15 = arith.constant 0 : i32
    %dma_start3A_16 = tpu.memref_slice %arg2[%dma_start3A_14, %dma_start3A_15] : memref<10000x128xf32, #tpu.memory_space<hbm>> -> memref<10000x128xf32, #tpu.memory_space<hbm>>
    tpu.enqueue_indirect_dma source(%dma_start3A_16 : memref<10000x128xf32, #tpu.memory_space<hbm>>) target(%arg9 : memref<128x128xf32, #tpu.memory_space<vmem>>) offsets(%dma_start3A_13 : memref<128xi32, #tpu.memory_space<vmem>>) semaphore(%arg12 : memref<!tpu.dma_semaphore, #tpu.memory_space<semaphore_mem>>)
    %scan3A = arith.constant 0 : i32
    %scan3A_17 = arith.constant 0 : i32
    %scan3A_18 = arith.constant 20 : i32
    %scan3A_19 = arith.addi %scan3A_17, %scan3A_18 : i32
    %scan3A_20 = arith.constant 1 : i32
    scf.for %scan3A_47 = %scan3A_17 to %scan3A_19 step %scan3A_20  : i32 {
      %mul3A_48 = arith.constant 2 : i32
      %mul3A_49 = arith.muli %mul3A_48, %scan3A_47 : i32
      %add3A_50 = arith.constant 1 : i32
      %add3A_51 = arith.addi %mul3A_49, %add3A_50 : i32
      %dma_start3A_52 = arith.constant 0 : i32
      %dma_start3A_53 = tpu.memref_slice %arg7[%add3A_51, %dma_start3A_52] : memref<40x128xi32, #tpu.memory_space<vmem>> -> memref<1x128xi32, #tpu.memory_space<vmem>>
      %dma_start3A_54 = tpu.memref_squeeze %dma_start3A_53 : memref<1x128xi32, #tpu.memory_space<vmem>> -> memref<128xi32, #tpu.memory_space<vmem>>
      %dma_start3A_55 = arith.constant 0 : i32
      %dma_start3A_56 = arith.constant 0 : i32
      %dma_start3A_57 = tpu.memref_slice %arg2[%dma_start3A_55, %dma_start3A_56] : memref<10000x128xf32, #tpu.memory_space<hbm>> -> memref<10000x128xf32, #tpu.memory_space<hbm>>
      tpu.enqueue_indirect_dma source(%dma_start3A_57 : memref<10000x128xf32, #tpu.memory_space<hbm>>) target(%arg10 : memref<128x128xf32, #tpu.memory_space<vmem>>) offsets(%dma_start3A_54 : memref<128xi32, #tpu.memory_space<vmem>>) semaphore(%arg13 : memref<!tpu.dma_semaphore, #tpu.memory_space<semaphore_mem>>)
      %dma_wait3A = arith.constant 0 : i32
      %dma_wait3A_58 = tpu.memref_slice %arg7[%mul3A_49, %dma_wait3A] : memref<40x128xi32, #tpu.memory_space<vmem>> -> memref<1x128xi32, #tpu.memory_space<vmem>>
      %dma_wait3A_59 = tpu.memref_squeeze %dma_wait3A_58 : memref<1x128xi32, #tpu.memory_space<vmem>> -> memref<128xi32, #tpu.memory_space<vmem>>
      %dma_wait3A_60 = arith.constant 0 : i32
      %dma_wait3A_61 = arith.constant 0 : i32
      %dma_wait3A_62 = tpu.memref_slice %arg2[%dma_wait3A_60, %dma_wait3A_61] : memref<10000x128xf32, #tpu.memory_space<hbm>> -> memref<10000x128xf32, #tpu.memory_space<hbm>>
      tpu.wait_indirect_dma semaphore(%arg12 : memref<!tpu.dma_semaphore, #tpu.memory_space<semaphore_mem>>) src(%dma_wait3A_62 : memref<10000x128xf32, #tpu.memory_space<hbm>>) dst(%arg9 : memref<128x128xf32, #tpu.memory_space<vmem>>)
      "tpu.region"() ({
        %run_scoped3A = tpu.sem_alloc : memref<!tpu.dma_semaphore, #tpu.memory_space<semaphore_mem>>
        %dma_start3A_79 = arith.constant 0 : i32
        %dma_start3A_80 = tpu.memref_slice %arg8[%mul3A_49, %dma_start3A_79] : memref<40x128xi32, #tpu.memory_space<vmem>> -> memref<1x128xi32, #tpu.memory_space<vmem>>
        %dma_start3A_81 = tpu.memref_squeeze %dma_start3A_80 : memref<1x128xi32, #tpu.memory_space<vmem>> -> memref<128xi32, #tpu.memory_space<vmem>>
        %dma_start3A_82 = arith.constant 0 : i32
        %dma_start3A_83 = arith.constant 0 : i32
        %dma_start3A_84 = tpu.memref_slice %arg11[%dma_start3A_82, %dma_start3A_83] : memref<10128x128xf32, #tpu.memory_space<vmem_shared>> -> memref<10128x128xf32, #tpu.memory_space<vmem_shared>>
        tpu.enqueue_indirect_dma source(%arg9 : memref<128x128xf32, #tpu.memory_space<vmem>>) target(%dma_start3A_84 : memref<10128x128xf32, #tpu.memory_space<vmem_shared>>) offsets(%dma_start3A_81 : memref<128xi32, #tpu.memory_space<vmem>>) semaphore(%run_scoped3A : memref<!tpu.dma_semaphore, #tpu.memory_space<semaphore_mem>>) {add = true}
        %dma_wait3A_85 = arith.constant 0 : i32
        %dma_wait3A_86 = tpu.memref_slice %arg8[%mul3A_49, %dma_wait3A_85] : memref<40x128xi32, #tpu.memory_space<vmem>> -> memref<1x128xi32, #tpu.memory_space<vmem>>
        %dma_wait3A_87 = tpu.memref_squeeze %dma_wait3A_86 : memref<1x128xi32, #tpu.memory_space<vmem>> -> memref<128xi32, #tpu.memory_space<vmem>>
        %dma_wait3A_88 = arith.constant 0 : i32
        %dma_wait3A_89 = arith.constant 0 : i32
        %dma_wait3A_90 = tpu.memref_slice %arg11[%dma_wait3A_88, %dma_wait3A_89] : memref<10128x128xf32, #tpu.memory_space<vmem_shared>> -> memref<10128x128xf32, #tpu.memory_space<vmem_shared>>
        tpu.wait_indirect_dma semaphore(%run_scoped3A : memref<!tpu.dma_semaphore, #tpu.memory_space<semaphore_mem>>) src(%arg9 : memref<128x128xf32, #tpu.memory_space<vmem>>) dst(%dma_wait3A_90 : memref<10128x128xf32, #tpu.memory_space<vmem_shared>>)
        tpu.yield
      }) : () -> ()
      %add3A_63 = arith.constant 2 : i32
      %add3A_64 = arith.addi %mul3A_49, %add3A_63 : i32
      %lt3A = arith.constant 40 : i32
      %lt3A_65 = arith.cmpi slt, %add3A_64, %lt3A : i32
      %convert_element_type3A_66 = arith.extui %lt3A_65 : i1 to i32
      %cond3A_67 = arith.constant 0 : i32
      %cond3A_68 = arith.cmpi ne, %convert_element_type3A_66, %cond3A_67 : i32
      scf.if %cond3A_68 {
        %add3A_79 = arith.constant 2 : i32
        %add3A_80 = arith.addi %mul3A_49, %add3A_79 : i32
        %dma_start3A_81 = arith.constant 0 : i32
        %dma_start3A_82 = tpu.memref_slice %arg7[%add3A_80, %dma_start3A_81] : memref<40x128xi32, #tpu.memory_space<vmem>> -> memref<1x128xi32, #tpu.memory_space<vmem>>
        %dma_start3A_83 = tpu.memref_squeeze %dma_start3A_82 : memref<1x128xi32, #tpu.memory_space<vmem>> -> memref<128xi32, #tpu.memory_space<vmem>>
        %dma_start3A_84 = arith.constant 0 : i32
        %dma_start3A_85 = arith.constant 0 : i32
        %dma_start3A_86 = tpu.memref_slice %arg2[%dma_start3A_84, %dma_start3A_85] : memref<10000x128xf32, #tpu.memory_space<hbm>> -> memref<10000x128xf32, #tpu.memory_space<hbm>>
        tpu.enqueue_indirect_dma source(%dma_start3A_86 : memref<10000x128xf32, #tpu.memory_space<hbm>>) target(%arg9 : memref<128x128xf32, #tpu.memory_space<vmem>>) offsets(%dma_start3A_83 : memref<128xi32, #tpu.memory_space<vmem>>) semaphore(%arg12 : memref<!tpu.dma_semaphore, #tpu.memory_space<semaphore_mem>>)
      } else {
      }
      %add3A_69 = arith.constant 1 : i32
      %add3A_70 = arith.addi %mul3A_49, %add3A_69 : i32
      %dma_wait3A_71 = arith.constant 0 : i32
      %dma_wait3A_72 = tpu.memref_slice %arg7[%add3A_70, %dma_wait3A_71] : memref<40x128xi32, #tpu.memory_space<vmem>> -> memref<1x128xi32, #tpu.memory_space<vmem>>
      %dma_wait3A_73 = tpu.memref_squeeze %dma_wait3A_72 : memref<1x128xi32, #tpu.memory_space<vmem>> -> memref<128xi32, #tpu.memory_space<vmem>>
      %dma_wait3A_74 = arith.constant 0 : i32
      %dma_wait3A_75 = arith.constant 0 : i32
      %dma_wait3A_76 = tpu.memref_slice %arg2[%dma_wait3A_74, %dma_wait3A_75] : memref<10000x128xf32, #tpu.memory_space<hbm>> -> memref<10000x128xf32, #tpu.memory_space<hbm>>
      tpu.wait_indirect_dma semaphore(%arg13 : memref<!tpu.dma_semaphore, #tpu.memory_space<semaphore_mem>>) src(%dma_wait3A_76 : memref<10000x128xf32, #tpu.memory_space<hbm>>) dst(%arg10 : memref<128x128xf32, #tpu.memory_space<vmem>>)
      %add3A_77 = arith.constant 1 : i32
      %add3A_78 = arith.addi %mul3A_49, %add3A_77 : i32
      "tpu.region"() ({
        %run_scoped3A = tpu.sem_alloc : memref<!tpu.dma_semaphore, #tpu.memory_space<semaphore_mem>>
        %dma_start3A_79 = arith.constant 0 : i32
        %dma_start3A_80 = tpu.memref_slice %arg8[%add3A_78, %dma_start3A_79] : memref<40x128xi32, #tpu.memory_space<vmem>> -> memref<1x128xi32, #tpu.memory_space<vmem>>
        %dma_start3A_81 = tpu.memref_squeeze %dma_start3A_80 : memref<1x128xi32, #tpu.memory_space<vmem>> -> memref<128xi32, #tpu.memory_space<vmem>>
        %dma_start3A_82 = arith.constant 0 : i32
        %dma_start3A_83 = arith.constant 0 : i32
        %dma_start3A_84 = tpu.memref_slice %arg11[%dma_start3A_82, %dma_start3A_83] : memref<10128x128xf32, #tpu.memory_space<vmem_shared>> -> memref<10128x128xf32, #tpu.memory_space<vmem_shared>>
        tpu.enqueue_indirect_dma source(%arg10 : memref<128x128xf32, #tpu.memory_space<vmem>>) target(%dma_start3A_84 : memref<10128x128xf32, #tpu.memory_space<vmem_shared>>) offsets(%dma_start3A_81 : memref<128xi32, #tpu.memory_space<vmem>>) semaphore(%run_scoped3A : memref<!tpu.dma_semaphore, #tpu.memory_space<semaphore_mem>>) {add = true}
        %dma_wait3A_85 = arith.constant 0 : i32
        %dma_wait3A_86 = tpu.memref_slice %arg8[%add3A_78, %dma_wait3A_85] : memref<40x128xi32, #tpu.memory_space<vmem>> -> memref<1x128xi32, #tpu.memory_space<vmem>>
        %dma_wait3A_87 = tpu.memref_squeeze %dma_wait3A_86 : memref<1x128xi32, #tpu.memory_space<vmem>> -> memref<128xi32, #tpu.memory_space<vmem>>
        %dma_wait3A_88 = arith.constant 0 : i32
        %dma_wait3A_89 = arith.constant 0 : i32
        %dma_wait3A_90 = tpu.memref_slice %arg11[%dma_wait3A_88, %dma_wait3A_89] : memref<10128x128xf32, #tpu.memory_space<vmem_shared>> -> memref<10128x128xf32, #tpu.memory_space<vmem_shared>>
        tpu.wait_indirect_dma semaphore(%run_scoped3A : memref<!tpu.dma_semaphore, #tpu.memory_space<semaphore_mem>>) src(%arg10 : memref<128x128xf32, #tpu.memory_space<vmem>>) dst(%dma_wait3A_90 : memref<10128x128xf32, #tpu.memory_space<vmem_shared>>)
        tpu.yield
      }) : () -> ()
    }
    %scan3A_21 = arith.constant 20 : i32
    %add3A_22 = arith.constant 40 : i32
    %add3A_23 = arith.addi %mul3A_2, %add3A_22 : i32
    "tpu.region"() ({
      %run_scoped3A = tpu.sem_alloc : memref<!tpu.dma_semaphore, #tpu.memory_space<semaphore_mem>>
      %dma_start3A_47 = arith.constant 0 : i32
      %dma_start3A_48 = tpu.memref_slice %arg3[%add3A_23, %dma_start3A_47] : memref<2560x128xi32, #tpu.memory_space<hbm>> -> memref<40x128xi32, #tpu.memory_space<hbm>>
      %dma_start3A_49 = arith.constant 0 : i32
      %dma_start3A_50 = tpu.memref_slice %arg3[%add3A_23, %dma_start3A_49] : memref<2560x128xi32, #tpu.memory_space<hbm>> -> memref<40x128xi32, #tpu.memory_space<hbm>>
      tpu.enqueue_dma source(%dma_start3A_50 : memref<40x128xi32, #tpu.memory_space<hbm>>) target(%arg7 : memref<40x128xi32, #tpu.memory_space<vmem>>) target_semaphore(%run_scoped3A : memref<!tpu.dma_semaphore, #tpu.memory_space<semaphore_mem>>)
      %dma_wait3A = arith.constant 0 : i32
      %dma_wait3A_51 = tpu.memref_slice %arg3[%add3A_23, %dma_wait3A] : memref<2560x128xi32, #tpu.memory_space<hbm>> -> memref<40x128xi32, #tpu.memory_space<hbm>>
      %dma_wait3A_52 = arith.constant 0 : i32
      %dma_wait3A_53 = tpu.memref_slice %arg3[%add3A_23, %dma_wait3A_52] : memref<2560x128xi32, #tpu.memory_space<hbm>> -> memref<40x128xi32, #tpu.memory_space<hbm>>
      tpu.wait_dma2 semaphore(%run_scoped3A : memref<!tpu.dma_semaphore, #tpu.memory_space<semaphore_mem>>) src(%dma_wait3A_53 : memref<40x128xi32, #tpu.memory_space<hbm>>) dst(%arg7 : memref<40x128xi32, #tpu.memory_space<vmem>>)
      tpu.yield
    }) : () -> ()
    "tpu.region"() ({
      %run_scoped3A = tpu.sem_alloc : memref<!tpu.dma_semaphore, #tpu.memory_space<semaphore_mem>>
      %dma_start3A_47 = arith.constant 0 : i32
      %dma_start3A_48 = tpu.memref_slice %arg4[%add3A_23, %dma_start3A_47] : memref<2560x128xi32, #tpu.memory_space<hbm>> -> memref<40x128xi32, #tpu.memory_space<hbm>>
      %dma_start3A_49 = arith.constant 0 : i32
      %dma_start3A_50 = tpu.memref_slice %arg4[%add3A_23, %dma_start3A_49] : memref<2560x128xi32, #tpu.memory_space<hbm>> -> memref<40x128xi32, #tpu.memory_space<hbm>>
      tpu.enqueue_dma source(%dma_start3A_50 : memref<40x128xi32, #tpu.memory_space<hbm>>) target(%arg8 : memref<40x128xi32, #tpu.memory_space<vmem>>) target_semaphore(%run_scoped3A : memref<!tpu.dma_semaphore, #tpu.memory_space<semaphore_mem>>)
      %dma_wait3A = arith.constant 0 : i32
      %dma_wait3A_51 = tpu.memref_slice %arg4[%add3A_23, %dma_wait3A] : memref<2560x128xi32, #tpu.memory_space<hbm>> -> memref<40x128xi32, #tpu.memory_space<hbm>>
      %dma_wait3A_52 = arith.constant 0 : i32
      %dma_wait3A_53 = tpu.memref_slice %arg4[%add3A_23, %dma_wait3A_52] : memref<2560x128xi32, #tpu.memory_space<hbm>> -> memref<40x128xi32, #tpu.memory_space<hbm>>
      tpu.wait_dma2 semaphore(%run_scoped3A : memref<!tpu.dma_semaphore, #tpu.memory_space<semaphore_mem>>) src(%dma_wait3A_53 : memref<40x128xi32, #tpu.memory_space<hbm>>) dst(%arg8 : memref<40x128xi32, #tpu.memory_space<vmem>>)
      tpu.yield
    }) : () -> ()
    %dma_start3A_24 = arith.constant 0 : i32
    %dma_start3A_25 = arith.constant 0 : i32
    %dma_start3A_26 = tpu.memref_slice %arg7[%dma_start3A_24, %dma_start3A_25] : memref<40x128xi32, #tpu.memory_space<vmem>> -> memref<1x128xi32, #tpu.memory_space<vmem>>
    %dma_start3A_27 = tpu.memref_squeeze %dma_start3A_26 : memref<1x128xi32, #tpu.memory_space<vmem>> -> memref<128xi32, #tpu.memory_space<vmem>>
    %dma_start3A_28 = arith.constant 0 : i32
    %dma_start3A_29 = arith.constant 0 : i32
    %dma_start3A_30 = tpu.memref_slice %arg2[%dma_start3A_28, %dma_start3A_29] : memref<10000x128xf32, #tpu.memory_space<hbm>> -> memref<10000x128xf32, #tpu.memory_space<hbm>>
    tpu.enqueue_indirect_dma source(%dma_start3A_30 : memref<10000x128xf32, #tpu.memory_space<hbm>>) target(%arg9 : memref<128x128xf32, #tpu.memory_space<vmem>>) offsets(%dma_start3A_27 : memref<128xi32, #tpu.memory_space<vmem>>) semaphore(%arg12 : memref<!tpu.dma_semaphore, #tpu.memory_space<semaphore_mem>>)
    %scan3A_31 = arith.constant 0 : i32
    %scan3A_32 = arith.constant 0 : i32
    %scan3A_33 = arith.constant 20 : i32
    %scan3A_34 = arith.addi %scan3A_32, %scan3A_33 : i32
    %scan3A_35 = arith.constant 1 : i32
    scf.for %scan3A_47 = %scan3A_32 to %scan3A_34 step %scan3A_35  : i32 {
      %mul3A_48 = arith.constant 2 : i32
      %mul3A_49 = arith.muli %mul3A_48, %scan3A_47 : i32
      %add3A_50 = arith.constant 1 : i32
      %add3A_51 = arith.addi %mul3A_49, %add3A_50 : i32
      %dma_start3A_52 = arith.constant 0 : i32
      %dma_start3A_53 = tpu.memref_slice %arg7[%add3A_51, %dma_start3A_52] : memref<40x128xi32, #tpu.memory_space<vmem>> -> memref<1x128xi32, #tpu.memory_space<vmem>>
      %dma_start3A_54 = tpu.memref_squeeze %dma_start3A_53 : memref<1x128xi32, #tpu.memory_space<vmem>> -> memref<128xi32, #tpu.memory_space<vmem>>
      %dma_start3A_55 = arith.constant 0 : i32
      %dma_start3A_56 = arith.constant 0 : i32
      %dma_start3A_57 = tpu.memref_slice %arg2[%dma_start3A_55, %dma_start3A_56] : memref<10000x128xf32, #tpu.memory_space<hbm>> -> memref<10000x128xf32, #tpu.memory_space<hbm>>
      tpu.enqueue_indirect_dma source(%dma_start3A_57 : memref<10000x128xf32, #tpu.memory_space<hbm>>) target(%arg10 : memref<128x128xf32, #tpu.memory_space<vmem>>) offsets(%dma_start3A_54 : memref<128xi32, #tpu.memory_space<vmem>>) semaphore(%arg13 : memref<!tpu.dma_semaphore, #tpu.memory_space<semaphore_mem>>)
      %dma_wait3A = arith.constant 0 : i32
      %dma_wait3A_58 = tpu.memref_slice %arg7[%mul3A_49, %dma_wait3A] : memref<40x128xi32, #tpu.memory_space<vmem>> -> memref<1x128xi32, #tpu.memory_space<vmem>>
      %dma_wait3A_59 = tpu.memref_squeeze %dma_wait3A_58 : memref<1x128xi32, #tpu.memory_space<vmem>> -> memref<128xi32, #tpu.memory_space<vmem>>
      %dma_wait3A_60 = arith.constant 0 : i32
      %dma_wait3A_61 = arith.constant 0 : i32
      %dma_wait3A_62 = tpu.memref_slice %arg2[%dma_wait3A_60, %dma_wait3A_61] : memref<10000x128xf32, #tpu.memory_space<hbm>> -> memref<10000x128xf32, #tpu.memory_space<hbm>>
      tpu.wait_indirect_dma semaphore(%arg12 : memref<!tpu.dma_semaphore, #tpu.memory_space<semaphore_mem>>) src(%dma_wait3A_62 : memref<10000x128xf32, #tpu.memory_space<hbm>>) dst(%arg9 : memref<128x128xf32, #tpu.memory_space<vmem>>)
      "tpu.region"() ({
        %run_scoped3A = tpu.sem_alloc : memref<!tpu.dma_semaphore, #tpu.memory_space<semaphore_mem>>
        %dma_start3A_79 = arith.constant 0 : i32
        %dma_start3A_80 = tpu.memref_slice %arg8[%mul3A_49, %dma_start3A_79] : memref<40x128xi32, #tpu.memory_space<vmem>> -> memref<1x128xi32, #tpu.memory_space<vmem>>
        %dma_start3A_81 = tpu.memref_squeeze %dma_start3A_80 : memref<1x128xi32, #tpu.memory_space<vmem>> -> memref<128xi32, #tpu.memory_space<vmem>>
        %dma_start3A_82 = arith.constant 0 : i32
        %dma_start3A_83 = arith.constant 0 : i32
        %dma_start3A_84 = tpu.memref_slice %arg11[%dma_start3A_82, %dma_start3A_83] : memref<10128x128xf32, #tpu.memory_space<vmem_shared>> -> memref<10128x128xf32, #tpu.memory_space<vmem_shared>>
        tpu.enqueue_indirect_dma source(%arg9 : memref<128x128xf32, #tpu.memory_space<vmem>>) target(%dma_start3A_84 : memref<10128x128xf32, #tpu.memory_space<vmem_shared>>) offsets(%dma_start3A_81 : memref<128xi32, #tpu.memory_space<vmem>>) semaphore(%run_scoped3A : memref<!tpu.dma_semaphore, #tpu.memory_space<semaphore_mem>>) {add = true}
        %dma_wait3A_85 = arith.constant 0 : i32
        %dma_wait3A_86 = tpu.memref_slice %arg8[%mul3A_49, %dma_wait3A_85] : memref<40x128xi32, #tpu.memory_space<vmem>> -> memref<1x128xi32, #tpu.memory_space<vmem>>
        %dma_wait3A_87 = tpu.memref_squeeze %dma_wait3A_86 : memref<1x128xi32, #tpu.memory_space<vmem>> -> memref<128xi32, #tpu.memory_space<vmem>>
        %dma_wait3A_88 = arith.constant 0 : i32
        %dma_wait3A_89 = arith.constant 0 : i32
        %dma_wait3A_90 = tpu.memref_slice %arg11[%dma_wait3A_88, %dma_wait3A_89] : memref<10128x128xf32, #tpu.memory_space<vmem_shared>> -> memref<10128x128xf32, #tpu.memory_space<vmem_shared>>
        tpu.wait_indirect_dma semaphore(%run_scoped3A : memref<!tpu.dma_semaphore, #tpu.memory_space<semaphore_mem>>) src(%arg9 : memref<128x128xf32, #tpu.memory_space<vmem>>) dst(%dma_wait3A_90 : memref<10128x128xf32, #tpu.memory_space<vmem_shared>>)
        tpu.yield
      }) : () -> ()
      %add3A_63 = arith.constant 2 : i32
      %add3A_64 = arith.addi %mul3A_49, %add3A_63 : i32
      %lt3A = arith.constant 40 : i32
      %lt3A_65 = arith.cmpi slt, %add3A_64, %lt3A : i32
      %convert_element_type3A_66 = arith.extui %lt3A_65 : i1 to i32
      %cond3A_67 = arith.constant 0 : i32
      %cond3A_68 = arith.cmpi ne, %convert_element_type3A_66, %cond3A_67 : i32
      scf.if %cond3A_68 {
        %add3A_79 = arith.constant 2 : i32
        %add3A_80 = arith.addi %mul3A_49, %add3A_79 : i32
        %dma_start3A_81 = arith.constant 0 : i32
        %dma_start3A_82 = tpu.memref_slice %arg7[%add3A_80, %dma_start3A_81] : memref<40x128xi32, #tpu.memory_space<vmem>> -> memref<1x128xi32, #tpu.memory_space<vmem>>
        %dma_start3A_83 = tpu.memref_squeeze %dma_start3A_82 : memref<1x128xi32, #tpu.memory_space<vmem>> -> memref<128xi32, #tpu.memory_space<vmem>>
        %dma_start3A_84 = arith.constant 0 : i32
        %dma_start3A_85 = arith.constant 0 : i32
        %dma_start3A_86 = tpu.memref_slice %arg2[%dma_start3A_84, %dma_start3A_85] : memref<10000x128xf32, #tpu.memory_space<hbm>> -> memref<10000x128xf32, #tpu.memory_space<hbm>>
        tpu.enqueue_indirect_dma source(%dma_start3A_86 : memref<10000x128xf32, #tpu.memory_space<hbm>>) target(%arg9 : memref<128x128xf32, #tpu.memory_space<vmem>>) offsets(%dma_start3A_83 : memref<128xi32, #tpu.memory_space<vmem>>) semaphore(%arg12 : memref<!tpu.dma_semaphore, #tpu.memory_space<semaphore_mem>>)
      } else {
      }
      %add3A_69 = arith.constant 1 : i32
      %add3A_70 = arith.addi %mul3A_49, %add3A_69 : i32
      %dma_wait3A_71 = arith.constant 0 : i32
      %dma_wait3A_72 = tpu.memref_slice %arg7[%add3A_70, %dma_wait3A_71] : memref<40x128xi32, #tpu.memory_space<vmem>> -> memref<1x128xi32, #tpu.memory_space<vmem>>
      %dma_wait3A_73 = tpu.memref_squeeze %dma_wait3A_72 : memref<1x128xi32, #tpu.memory_space<vmem>> -> memref<128xi32, #tpu.memory_space<vmem>>
      %dma_wait3A_74 = arith.constant 0 : i32
      %dma_wait3A_75 = arith.constant 0 : i32
      %dma_wait3A_76 = tpu.memref_slice %arg2[%dma_wait3A_74, %dma_wait3A_75] : memref<10000x128xf32, #tpu.memory_space<hbm>> -> memref<10000x128xf32, #tpu.memory_space<hbm>>
      tpu.wait_indirect_dma semaphore(%arg13 : memref<!tpu.dma_semaphore, #tpu.memory_space<semaphore_mem>>) src(%dma_wait3A_76 : memref<10000x128xf32, #tpu.memory_space<hbm>>) dst(%arg10 : memref<128x128xf32, #tpu.memory_space<vmem>>)
      %add3A_77 = arith.constant 1 : i32
      %add3A_78 = arith.addi %mul3A_49, %add3A_77 : i32
      "tpu.region"() ({
        %run_scoped3A = tpu.sem_alloc : memref<!tpu.dma_semaphore, #tpu.memory_space<semaphore_mem>>
        %dma_start3A_79 = arith.constant 0 : i32
        %dma_start3A_80 = tpu.memref_slice %arg8[%add3A_78, %dma_start3A_79] : memref<40x128xi32, #tpu.memory_space<vmem>> -> memref<1x128xi32, #tpu.memory_space<vmem>>
        %dma_start3A_81 = tpu.memref_squeeze %dma_start3A_80 : memref<1x128xi32, #tpu.memory_space<vmem>> -> memref<128xi32, #tpu.memory_space<vmem>>
        %dma_start3A_82 = arith.constant 0 : i32
        %dma_start3A_83 = arith.constant 0 : i32
        %dma_start3A_84 = tpu.memref_slice %arg11[%dma_start3A_82, %dma_start3A_83] : memref<10128x128xf32, #tpu.memory_space<vmem_shared>> -> memref<10128x128xf32, #tpu.memory_space<vmem_shared>>
        tpu.enqueue_indirect_dma source(%arg10 : memref<128x128xf32, #tpu.memory_space<vmem>>) target(%dma_start3A_84 : memref<10128x128xf32, #tpu.memory_space<vmem_shared>>) offsets(%dma_start3A_81 : memref<128xi32, #tpu.memory_space<vmem>>) semaphore(%run_scoped3A : memref<!tpu.dma_semaphore, #tpu.memory_space<semaphore_mem>>) {add = true}
        %dma_wait3A_85 = arith.constant 0 : i32
        %dma_wait3A_86 = tpu.memref_slice %arg8[%add3A_78, %dma_wait3A_85] : memref<40x128xi32, #tpu.memory_space<vmem>> -> memref<1x128xi32, #tpu.memory_space<vmem>>
        %dma_wait3A_87 = tpu.memref_squeeze %dma_wait3A_86 : memref<1x128xi32, #tpu.memory_space<vmem>> -> memref<128xi32, #tpu.memory_space<vmem>>
        %dma_wait3A_88 = arith.constant 0 : i32
        %dma_wait3A_89 = arith.constant 0 : i32
        %dma_wait3A_90 = tpu.memref_slice %arg11[%dma_wait3A_88, %dma_wait3A_89] : memref<10128x128xf32, #tpu.memory_space<vmem_shared>> -> memref<10128x128xf32, #tpu.memory_space<vmem_shared>>
        tpu.wait_indirect_dma semaphore(%run_scoped3A : memref<!tpu.dma_semaphore, #tpu.memory_space<semaphore_mem>>) src(%arg10 : memref<128x128xf32, #tpu.memory_space<vmem>>) dst(%dma_wait3A_90 : memref<10128x128xf32, #tpu.memory_space<vmem_shared>>)
        tpu.yield
      }) : () -> ()
    }
    %scan3A_36 = arith.constant 20 : i32
    %barrier3A_37 = arith.constant 0 : index
    tpu.barrier barrier_id(%barrier3A_37)
    %mul3A_38 = arith.constant 624 : i32
    %mul3A_39 = arith.muli %arg1, %mul3A_38 : i32
    %mul3A_40 = arith.constant 624 : i32
    %mul3A_41 = arith.muli %arg1, %mul3A_40 : i32
    "tpu.region"() ({
      %run_scoped3A = tpu.sem_alloc : memref<!tpu.dma_semaphore, #tpu.memory_space<semaphore_mem>>
      %dma_start3A_47 = arith.constant 0 : i32
      %dma_start3A_48 = arith.constant 0 : i32
      %dma_start3A_49 = tpu.memref_slice %arg6[%arg0, %dma_start3A_47, %dma_start3A_48] : memref<2x10000x128xf32, #tpu.memory_space<hbm>> -> memref<1x10000x128xf32, #tpu.memory_space<hbm>>
      %dma_start3A_50 = tpu.memref_squeeze %dma_start3A_49 : memref<1x10000x128xf32, #tpu.memory_space<hbm>> -> memref<10000x128xf32, #tpu.memory_space<hbm>>
      %dma_start3A_51 = arith.constant 0 : i32
      %dma_start3A_52 = tpu.memref_slice %dma_start3A_50[%mul3A_41, %dma_start3A_51] : memref<10000x128xf32, #tpu.memory_space<hbm>> -> memref<624x128xf32, #tpu.memory_space<hbm>>
      %dma_start3A_53 = arith.constant 0 : i32
      %dma_start3A_54 = tpu.memref_slice %arg11[%mul3A_39, %dma_start3A_53] : memref<10128x128xf32, #tpu.memory_space<vmem_shared>> -> memref<624x128xf32, #tpu.memory_space<vmem_shared>>
      tpu.enqueue_dma source(%dma_start3A_54 : memref<624x128xf32, #tpu.memory_space<vmem_shared>>) target(%dma_start3A_52 : memref<624x128xf32, #tpu.memory_space<hbm>>) target_semaphore(%run_scoped3A : memref<!tpu.dma_semaphore, #tpu.memory_space<semaphore_mem>>)
      %dma_wait3A = arith.constant 0 : i32
      %dma_wait3A_55 = arith.constant 0 : i32
      %dma_wait3A_56 = tpu.memref_slice %arg6[%arg0, %dma_wait3A, %dma_wait3A_55] : memref<2x10000x128xf32, #tpu.memory_space<hbm>> -> memref<1x10000x128xf32, #tpu.memory_space<hbm>>
      %dma_wait3A_57 = tpu.memref_squeeze %dma_wait3A_56 : memref<1x10000x128xf32, #tpu.memory_space<hbm>> -> memref<10000x128xf32, #tpu.memory_space<hbm>>
      %dma_wait3A_58 = arith.constant 0 : i32
      %dma_wait3A_59 = tpu.memref_slice %dma_wait3A_57[%mul3A_41, %dma_wait3A_58] : memref<10000x128xf32, #tpu.memory_space<hbm>> -> memref<624x128xf32, #tpu.memory_space<hbm>>
      %dma_wait3A_60 = arith.constant 0 : i32
      %dma_wait3A_61 = tpu.memref_slice %arg11[%mul3A_39, %dma_wait3A_60] : memref<10128x128xf32, #tpu.memory_space<vmem_shared>> -> memref<624x128xf32, #tpu.memory_space<vmem_shared>>
      tpu.wait_dma2 semaphore(%run_scoped3A : memref<!tpu.dma_semaphore, #tpu.memory_space<semaphore_mem>>) src(%dma_wait3A_61 : memref<624x128xf32, #tpu.memory_space<vmem_shared>>) dst(%dma_wait3A_59 : memref<624x128xf32, #tpu.memory_space<hbm>>)
      tpu.yield
    }) : () -> ()
    %eq3A_42 = arith.constant 15 : i32
    %eq3A_43 = arith.cmpi eq, %arg1, %eq3A_42 : i32
    %convert_element_type3A_44 = arith.extui %eq3A_43 : i1 to i32
    %cond3A_45 = arith.constant 0 : i32
    %cond3A_46 = arith.cmpi ne, %convert_element_type3A_44, %cond3A_45 : i32
    scf.if %cond3A_46 {
      "tpu.region"() ({
        %run_scoped3A = tpu.sem_alloc : memref<!tpu.dma_semaphore, #tpu.memory_space<semaphore_mem>>
        %dma_start3A_47 = arith.constant 0 : i32
        %dma_start3A_48 = arith.constant 0 : i32
        %dma_start3A_49 = tpu.memref_slice %arg6[%arg0, %dma_start3A_47, %dma_start3A_48] : memref<2x10000x128xf32, #tpu.memory_space<hbm>> -> memref<1x10000x128xf32, #tpu.memory_space<hbm>>
        %dma_start3A_50 = tpu.memref_squeeze %dma_start3A_49 : memref<1x10000x128xf32, #tpu.memory_space<hbm>> -> memref<10000x128xf32, #tpu.memory_space<hbm>>
        %dma_start3A_51 = arith.constant 9984 : i32
        %dma_start3A_52 = arith.constant 0 : i32
        %dma_start3A_53 = tpu.memref_slice %dma_start3A_50[%dma_start3A_51, %dma_start3A_52] : memref<10000x128xf32, #tpu.memory_space<hbm>> -> memref<16x128xf32, #tpu.memory_space<hbm>>
        %dma_start3A_54 = arith.constant 9984 : i32
        %dma_start3A_55 = arith.constant 0 : i32
        %dma_start3A_56 = tpu.memref_slice %arg11[%dma_start3A_54, %dma_start3A_55] : memref<10128x128xf32, #tpu.memory_space<vmem_shared>> -> memref<16x128xf32, #tpu.memory_space<vmem_shared>>
        tpu.enqueue_dma source(%dma_start3A_56 : memref<16x128xf32, #tpu.memory_space<vmem_shared>>) target(%dma_start3A_53 : memref<16x128xf32, #tpu.memory_space<hbm>>) target_semaphore(%run_scoped3A : memref<!tpu.dma_semaphore, #tpu.memory_space<semaphore_mem>>)
        %dma_wait3A = arith.constant 0 : i32
        %dma_wait3A_57 = arith.constant 0 : i32
        %dma_wait3A_58 = tpu.memref_slice %arg6[%arg0, %dma_wait3A, %dma_wait3A_57] : memref<2x10000x128xf32, #tpu.memory_space<hbm>> -> memref<1x10000x128xf32, #tpu.memory_space<hbm>>
        %dma_wait3A_59 = tpu.memref_squeeze %dma_wait3A_58 : memref<1x10000x128xf32, #tpu.memory_space<hbm>> -> memref<10000x128xf32, #tpu.memory_space<hbm>>
        %dma_wait3A_60 = arith.constant 9984 : i32
        %dma_wait3A_61 = arith.constant 0 : i32
        %dma_wait3A_62 = tpu.memref_slice %dma_wait3A_59[%dma_wait3A_60, %dma_wait3A_61] : memref<10000x128xf32, #tpu.memory_space<hbm>> -> memref<16x128xf32, #tpu.memory_space<hbm>>
        %dma_wait3A_63 = arith.constant 9984 : i32
        %dma_wait3A_64 = arith.constant 0 : i32
        %dma_wait3A_65 = tpu.memref_slice %arg11[%dma_wait3A_63, %dma_wait3A_64] : memref<10128x128xf32, #tpu.memory_space<vmem_shared>> -> memref<16x128xf32, #tpu.memory_space<vmem_shared>>
        tpu.wait_dma2 semaphore(%run_scoped3A : memref<!tpu.dma_semaphore, #tpu.memory_space<semaphore_mem>>) src(%dma_wait3A_65 : memref<16x128xf32, #tpu.memory_space<vmem_shared>>) dst(%dma_wait3A_62 : memref<16x128xf32, #tpu.memory_space<hbm>>)
        tpu.yield
      }) : () -> ()
    } else {
    }
    return
  }
}

#map = affine_map<(d0, d1) -> (0, 0)>
#map1 = affine_map<(d0, d1) -> (0, 0, 0)>
module attributes {stable_mosaic.version = 14 : i64} {
  func.func @_sc_agg_body(%arg0: i32, %arg1: i32, %arg2: memref<10000x128xf32, #tpu.memory_space<hbm>>, %arg3: memref<2560x128xi32, #tpu.memory_space<hbm>>, %arg4: memref<2560x128xi32, #tpu.memory_space<hbm>>, %arg5: memref<10000x128xf32, #tpu.memory_space<hbm>>, %arg6: memref<2x10000x128xf32, #tpu.memory_space<hbm>>, %arg7: memref<40x128xi32, #tpu.memory_space<vmem>>, %arg8: memref<40x128xi32, #tpu.memory_space<vmem>>, %arg9: memref<128x128xf32, #tpu.memory_space<vmem>>, %arg10: memref<128x128xf32, #tpu.memory_space<vmem>>, %arg11: memref<10128x128xf32, #tpu.memory_space<vmem_shared>>, %arg12: memref<!tpu.dma_semaphore, #tpu.memory_space<semaphore_mem>>, %arg13: memref<!tpu.dma_semaphore, #tpu.memory_space<semaphore_mem>>) attributes {dimension_semantics = [#tpu.dimension_semantics<core_parallel>, #tpu.dimension_semantics<subcore_parallel>], iteration_bounds = array<i64: 2, 16>, scalar_prefetch = 0 : i64, scratch_operands = 7 : i64, tpu.core_type = #tpu.core_type<sc_vector_subcore>, window_params = [{transform_indices = #map}, {transform_indices = #map}, {transform_indices = #map}, {transform_indices = #map}, {transform_indices = #map1}]} {
    %mul3A = arith.constant 2 : i32
    %mul3A_0 = arith.muli %arg1, %mul3A : i32
    %add3A = arith.addi %mul3A_0, %arg0 : i32
    %mul3A_1 = arith.constant 80 : i32
    %mul3A_2 = arith.muli %add3A, %mul3A_1 : i32
    %mul3A_3 = arith.constant 624 : i32
    %mul3A_4 = arith.muli %arg1, %mul3A_3 : i32
    %mul3A_5 = arith.constant 624 : i32
    %mul3A_6 = arith.muli %arg1, %mul3A_5 : i32
    "tpu.region"() ({
      %run_scoped3A = tpu.sem_alloc : memref<!tpu.dma_semaphore, #tpu.memory_space<semaphore_mem>>
      %dma_start3A_47 = arith.constant 0 : i32
      %dma_start3A_48 = tpu.memref_slice %arg11[%mul3A_6, %dma_start3A_47] : memref<10128x128xf32, #tpu.memory_space<vmem_shared>> -> memref<624x128xf32, #tpu.memory_space<vmem_shared>>
      %dma_start3A_49 = arith.constant 0 : i32
      %dma_start3A_50 = tpu.memref_slice %arg5[%mul3A_4, %dma_start3A_49] : memref<10000x128xf32, #tpu.memory_space<hbm>> -> memref<624x128xf32, #tpu.memory_space<hbm>>
      tpu.enqueue_dma source(%dma_start3A_50 : memref<624x128xf32, #tpu.memory_space<hbm>>) target(%dma_start3A_48 : memref<624x128xf32, #tpu.memory_space<vmem_shared>>) target_semaphore(%run_scoped3A : memref<!tpu.dma_semaphore, #tpu.memory_space<semaphore_mem>>)
      %dma_wait3A = arith.constant 0 : i32
      %dma_wait3A_51 = tpu.memref_slice %arg11[%mul3A_6, %dma_wait3A] : memref<10128x128xf32, #tpu.memory_space<vmem_shared>> -> memref<624x128xf32, #tpu.memory_space<vmem_shared>>
      %dma_wait3A_52 = arith.constant 0 : i32
      %dma_wait3A_53 = tpu.memref_slice %arg5[%mul3A_4, %dma_wait3A_52] : memref<10000x128xf32, #tpu.memory_space<hbm>> -> memref<624x128xf32, #tpu.memory_space<hbm>>
      tpu.wait_dma2 semaphore(%run_scoped3A : memref<!tpu.dma_semaphore, #tpu.memory_space<semaphore_mem>>) src(%dma_wait3A_53 : memref<624x128xf32, #tpu.memory_space<hbm>>) dst(%dma_wait3A_51 : memref<624x128xf32, #tpu.memory_space<vmem_shared>>)
      tpu.yield
    }) : () -> ()
    %eq3A = arith.constant 15 : i32
    %eq3A_7 = arith.cmpi eq, %arg1, %eq3A : i32
    %convert_element_type3A = arith.extui %eq3A_7 : i1 to i32
    %cond3A = arith.constant 0 : i32
    %cond3A_8 = arith.cmpi ne, %convert_element_type3A, %cond3A : i32
    scf.if %cond3A_8 {
      "tpu.region"() ({
        %run_scoped3A = tpu.sem_alloc : memref<!tpu.dma_semaphore, #tpu.memory_space<semaphore_mem>>
        %dma_start3A_47 = arith.constant 9984 : i32
        %dma_start3A_48 = arith.constant 0 : i32
        %dma_start3A_49 = tpu.memref_slice %arg11[%dma_start3A_47, %dma_start3A_48] : memref<10128x128xf32, #tpu.memory_space<vmem_shared>> -> memref<16x128xf32, #tpu.memory_space<vmem_shared>>
        %dma_start3A_50 = arith.constant 9984 : i32
        %dma_start3A_51 = arith.constant 0 : i32
        %dma_start3A_52 = tpu.memref_slice %arg5[%dma_start3A_50, %dma_start3A_51] : memref<10000x128xf32, #tpu.memory_space<hbm>> -> memref<16x128xf32, #tpu.memory_space<hbm>>
        tpu.enqueue_dma source(%dma_start3A_52 : memref<16x128xf32, #tpu.memory_space<hbm>>) target(%dma_start3A_49 : memref<16x128xf32, #tpu.memory_space<vmem_shared>>) target_semaphore(%run_scoped3A : memref<!tpu.dma_semaphore, #tpu.memory_space<semaphore_mem>>)
        %dma_wait3A = arith.constant 9984 : i32
        %dma_wait3A_53 = arith.constant 0 : i32
        %dma_wait3A_54 = tpu.memref_slice %arg11[%dma_wait3A, %dma_wait3A_53] : memref<10128x128xf32, #tpu.memory_space<vmem_shared>> -> memref<16x128xf32, #tpu.memory_space<vmem_shared>>
        %dma_wait3A_55 = arith.constant 9984 : i32
        %dma_wait3A_56 = arith.constant 0 : i32
        %dma_wait3A_57 = tpu.memref_slice %arg5[%dma_wait3A_55, %dma_wait3A_56] : memref<10000x128xf32, #tpu.memory_space<hbm>> -> memref<16x128xf32, #tpu.memory_space<hbm>>
        tpu.wait_dma2 semaphore(%run_scoped3A : memref<!tpu.dma_semaphore, #tpu.memory_space<semaphore_mem>>) src(%dma_wait3A_57 : memref<16x128xf32, #tpu.memory_space<hbm>>) dst(%dma_wait3A_54 : memref<16x128xf32, #tpu.memory_space<vmem_shared>>)
        tpu.yield
      }) : () -> ()
    } else {
    }
    %barrier3A = arith.constant 0 : index
    tpu.barrier barrier_id(%barrier3A)
    %add3A_9 = arith.constant 0 : i32
    %add3A_10 = arith.addi %mul3A_2, %add3A_9 : i32
    "tpu.region"() ({
      %run_scoped3A = tpu.sem_alloc : memref<!tpu.dma_semaphore, #tpu.memory_space<semaphore_mem>>
      %dma_start3A_47 = arith.constant 0 : i32
      %dma_start3A_48 = tpu.memref_slice %arg3[%add3A_10, %dma_start3A_47] : memref<2560x128xi32, #tpu.memory_space<hbm>> -> memref<40x128xi32, #tpu.memory_space<hbm>>
      %dma_start3A_49 = arith.constant 0 : i32
      %dma_start3A_50 = tpu.memref_slice %arg3[%add3A_10, %dma_start3A_49] : memref<2560x128xi32, #tpu.memory_space<hbm>> -> memref<40x128xi32, #tpu.memory_space<hbm>>
      tpu.enqueue_dma source(%dma_start3A_50 : memref<40x128xi32, #tpu.memory_space<hbm>>) target(%arg7 : memref<40x128xi32, #tpu.memory_space<vmem>>) target_semaphore(%run_scoped3A : memref<!tpu.dma_semaphore, #tpu.memory_space<semaphore_mem>>)
      %dma_wait3A = arith.constant 0 : i32
      %dma_wait3A_51 = tpu.memref_slice %arg3[%add3A_10, %dma_wait3A] : memref<2560x128xi32, #tpu.memory_space<hbm>> -> memref<40x128xi32, #tpu.memory_space<hbm>>
      %dma_wait3A_52 = arith.constant 0 : i32
      %dma_wait3A_53 = tpu.memref_slice %arg3[%add3A_10, %dma_wait3A_52] : memref<2560x128xi32, #tpu.memory_space<hbm>> -> memref<40x128xi32, #tpu.memory_space<hbm>>
      tpu.wait_dma2 semaphore(%run_scoped3A : memref<!tpu.dma_semaphore, #tpu.memory_space<semaphore_mem>>) src(%dma_wait3A_53 : memref<40x128xi32, #tpu.memory_space<hbm>>) dst(%arg7 : memref<40x128xi32, #tpu.memory_space<vmem>>)
      tpu.yield
    }) : () -> ()
    "tpu.region"() ({
      %run_scoped3A = tpu.sem_alloc : memref<!tpu.dma_semaphore, #tpu.memory_space<semaphore_mem>>
      %dma_start3A_47 = arith.constant 0 : i32
      %dma_start3A_48 = tpu.memref_slice %arg4[%add3A_10, %dma_start3A_47] : memref<2560x128xi32, #tpu.memory_space<hbm>> -> memref<40x128xi32, #tpu.memory_space<hbm>>
      %dma_start3A_49 = arith.constant 0 : i32
      %dma_start3A_50 = tpu.memref_slice %arg4[%add3A_10, %dma_start3A_49] : memref<2560x128xi32, #tpu.memory_space<hbm>> -> memref<40x128xi32, #tpu.memory_space<hbm>>
      tpu.enqueue_dma source(%dma_start3A_50 : memref<40x128xi32, #tpu.memory_space<hbm>>) target(%arg8 : memref<40x128xi32, #tpu.memory_space<vmem>>) target_semaphore(%run_scoped3A : memref<!tpu.dma_semaphore, #tpu.memory_space<semaphore_mem>>)
      %dma_wait3A = arith.constant 0 : i32
      %dma_wait3A_51 = tpu.memref_slice %arg4[%add3A_10, %dma_wait3A] : memref<2560x128xi32, #tpu.memory_space<hbm>> -> memref<40x128xi32, #tpu.memory_space<hbm>>
      %dma_wait3A_52 = arith.constant 0 : i32
      %dma_wait3A_53 = tpu.memref_slice %arg4[%add3A_10, %dma_wait3A_52] : memref<2560x128xi32, #tpu.memory_space<hbm>> -> memref<40x128xi32, #tpu.memory_space<hbm>>
      tpu.wait_dma2 semaphore(%run_scoped3A : memref<!tpu.dma_semaphore, #tpu.memory_space<semaphore_mem>>) src(%dma_wait3A_53 : memref<40x128xi32, #tpu.memory_space<hbm>>) dst(%arg8 : memref<40x128xi32, #tpu.memory_space<vmem>>)
      tpu.yield
    }) : () -> ()
    %dma_start3A = arith.constant 0 : i32
    %dma_start3A_11 = arith.constant 0 : i32
    %dma_start3A_12 = tpu.memref_slice %arg7[%dma_start3A, %dma_start3A_11] : memref<40x128xi32, #tpu.memory_space<vmem>> -> memref<1x128xi32, #tpu.memory_space<vmem>>
    %dma_start3A_13 = tpu.memref_squeeze %dma_start3A_12 : memref<1x128xi32, #tpu.memory_space<vmem>> -> memref<128xi32, #tpu.memory_space<vmem>>
    %dma_start3A_14 = arith.constant 0 : i32
    %dma_start3A_15 = arith.constant 0 : i32
    %dma_start3A_16 = tpu.memref_slice %arg2[%dma_start3A_14, %dma_start3A_15] : memref<10000x128xf32, #tpu.memory_space<hbm>> -> memref<10000x128xf32, #tpu.memory_space<hbm>>
    tpu.enqueue_indirect_dma source(%dma_start3A_16 : memref<10000x128xf32, #tpu.memory_space<hbm>>) target(%arg9 : memref<128x128xf32, #tpu.memory_space<vmem>>) offsets(%dma_start3A_13 : memref<128xi32, #tpu.memory_space<vmem>>) semaphore(%arg12 : memref<!tpu.dma_semaphore, #tpu.memory_space<semaphore_mem>>)
    %scan3A = arith.constant 0 : i32
    %scan3A_17 = arith.constant 0 : i32
    %scan3A_18 = arith.constant 20 : i32
    %scan3A_19 = arith.addi %scan3A_17, %scan3A_18 : i32
    %scan3A_20 = arith.constant 1 : i32
    scf.for %scan3A_47 = %scan3A_17 to %scan3A_19 step %scan3A_20  : i32 {
      %mul3A_48 = arith.constant 2 : i32
      %mul3A_49 = arith.muli %mul3A_48, %scan3A_47 : i32
      %add3A_50 = arith.constant 1 : i32
      %add3A_51 = arith.addi %mul3A_49, %add3A_50 : i32
      %dma_start3A_52 = arith.constant 0 : i32
      %dma_start3A_53 = tpu.memref_slice %arg7[%add3A_51, %dma_start3A_52] : memref<40x128xi32, #tpu.memory_space<vmem>> -> memref<1x128xi32, #tpu.memory_space<vmem>>
      %dma_start3A_54 = tpu.memref_squeeze %dma_start3A_53 : memref<1x128xi32, #tpu.memory_space<vmem>> -> memref<128xi32, #tpu.memory_space<vmem>>
      %dma_start3A_55 = arith.constant 0 : i32
      %dma_start3A_56 = arith.constant 0 : i32
      %dma_start3A_57 = tpu.memref_slice %arg2[%dma_start3A_55, %dma_start3A_56] : memref<10000x128xf32, #tpu.memory_space<hbm>> -> memref<10000x128xf32, #tpu.memory_space<hbm>>
      tpu.enqueue_indirect_dma source(%dma_start3A_57 : memref<10000x128xf32, #tpu.memory_space<hbm>>) target(%arg10 : memref<128x128xf32, #tpu.memory_space<vmem>>) offsets(%dma_start3A_54 : memref<128xi32, #tpu.memory_space<vmem>>) semaphore(%arg13 : memref<!tpu.dma_semaphore, #tpu.memory_space<semaphore_mem>>)
      %dma_wait3A = arith.constant 0 : i32
      %dma_wait3A_58 = tpu.memref_slice %arg7[%mul3A_49, %dma_wait3A] : memref<40x128xi32, #tpu.memory_space<vmem>> -> memref<1x128xi32, #tpu.memory_space<vmem>>
      %dma_wait3A_59 = tpu.memref_squeeze %dma_wait3A_58 : memref<1x128xi32, #tpu.memory_space<vmem>> -> memref<128xi32, #tpu.memory_space<vmem>>
      %dma_wait3A_60 = arith.constant 0 : i32
      %dma_wait3A_61 = arith.constant 0 : i32
      %dma_wait3A_62 = tpu.memref_slice %arg2[%dma_wait3A_60, %dma_wait3A_61] : memref<10000x128xf32, #tpu.memory_space<hbm>> -> memref<10000x128xf32, #tpu.memory_space<hbm>>
      tpu.wait_indirect_dma semaphore(%arg12 : memref<!tpu.dma_semaphore, #tpu.memory_space<semaphore_mem>>) src(%dma_wait3A_62 : memref<10000x128xf32, #tpu.memory_space<hbm>>) dst(%arg9 : memref<128x128xf32, #tpu.memory_space<vmem>>)
      "tpu.region"() ({
        %run_scoped3A = tpu.sem_alloc : memref<!tpu.dma_semaphore, #tpu.memory_space<semaphore_mem>>
        %dma_start3A_79 = arith.constant 0 : i32
        %dma_start3A_80 = tpu.memref_slice %arg8[%mul3A_49, %dma_start3A_79] : memref<40x128xi32, #tpu.memory_space<vmem>> -> memref<1x128xi32, #tpu.memory_space<vmem>>
        %dma_start3A_81 = tpu.memref_squeeze %dma_start3A_80 : memref<1x128xi32, #tpu.memory_space<vmem>> -> memref<128xi32, #tpu.memory_space<vmem>>
        %dma_start3A_82 = arith.constant 0 : i32
        %dma_start3A_83 = arith.constant 0 : i32
        %dma_start3A_84 = tpu.memref_slice %arg11[%dma_start3A_82, %dma_start3A_83] : memref<10128x128xf32, #tpu.memory_space<vmem_shared>> -> memref<10128x128xf32, #tpu.memory_space<vmem_shared>>
        tpu.enqueue_indirect_dma source(%arg9 : memref<128x128xf32, #tpu.memory_space<vmem>>) target(%dma_start3A_84 : memref<10128x128xf32, #tpu.memory_space<vmem_shared>>) offsets(%dma_start3A_81 : memref<128xi32, #tpu.memory_space<vmem>>) semaphore(%run_scoped3A : memref<!tpu.dma_semaphore, #tpu.memory_space<semaphore_mem>>) {add = true}
        %dma_wait3A_85 = arith.constant 0 : i32
        %dma_wait3A_86 = tpu.memref_slice %arg8[%mul3A_49, %dma_wait3A_85] : memref<40x128xi32, #tpu.memory_space<vmem>> -> memref<1x128xi32, #tpu.memory_space<vmem>>
        %dma_wait3A_87 = tpu.memref_squeeze %dma_wait3A_86 : memref<1x128xi32, #tpu.memory_space<vmem>> -> memref<128xi32, #tpu.memory_space<vmem>>
        %dma_wait3A_88 = arith.constant 0 : i32
        %dma_wait3A_89 = arith.constant 0 : i32
        %dma_wait3A_90 = tpu.memref_slice %arg11[%dma_wait3A_88, %dma_wait3A_89] : memref<10128x128xf32, #tpu.memory_space<vmem_shared>> -> memref<10128x128xf32, #tpu.memory_space<vmem_shared>>
        tpu.wait_indirect_dma semaphore(%run_scoped3A : memref<!tpu.dma_semaphore, #tpu.memory_space<semaphore_mem>>) src(%arg9 : memref<128x128xf32, #tpu.memory_space<vmem>>) dst(%dma_wait3A_90 : memref<10128x128xf32, #tpu.memory_space<vmem_shared>>)
        tpu.yield
      }) : () -> ()
      %add3A_63 = arith.constant 2 : i32
      %add3A_64 = arith.addi %mul3A_49, %add3A_63 : i32
      %lt3A = arith.constant 40 : i32
      %lt3A_65 = arith.cmpi slt, %add3A_64, %lt3A : i32
      %convert_element_type3A_66 = arith.extui %lt3A_65 : i1 to i32
      %cond3A_67 = arith.constant 0 : i32
      %cond3A_68 = arith.cmpi ne, %convert_element_type3A_66, %cond3A_67 : i32
      scf.if %cond3A_68 {
        %add3A_79 = arith.constant 2 : i32
        %add3A_80 = arith.addi %mul3A_49, %add3A_79 : i32
        %dma_start3A_81 = arith.constant 0 : i32
        %dma_start3A_82 = tpu.memref_slice %arg7[%add3A_80, %dma_start3A_81] : memref<40x128xi32, #tpu.memory_space<vmem>> -> memref<1x128xi32, #tpu.memory_space<vmem>>
        %dma_start3A_83 = tpu.memref_squeeze %dma_start3A_82 : memref<1x128xi32, #tpu.memory_space<vmem>> -> memref<128xi32, #tpu.memory_space<vmem>>
        %dma_start3A_84 = arith.constant 0 : i32
        %dma_start3A_85 = arith.constant 0 : i32
        %dma_start3A_86 = tpu.memref_slice %arg2[%dma_start3A_84, %dma_start3A_85] : memref<10000x128xf32, #tpu.memory_space<hbm>> -> memref<10000x128xf32, #tpu.memory_space<hbm>>
        tpu.enqueue_indirect_dma source(%dma_start3A_86 : memref<10000x128xf32, #tpu.memory_space<hbm>>) target(%arg9 : memref<128x128xf32, #tpu.memory_space<vmem>>) offsets(%dma_start3A_83 : memref<128xi32, #tpu.memory_space<vmem>>) semaphore(%arg12 : memref<!tpu.dma_semaphore, #tpu.memory_space<semaphore_mem>>)
      } else {
      }
      %add3A_69 = arith.constant 1 : i32
      %add3A_70 = arith.addi %mul3A_49, %add3A_69 : i32
      %dma_wait3A_71 = arith.constant 0 : i32
      %dma_wait3A_72 = tpu.memref_slice %arg7[%add3A_70, %dma_wait3A_71] : memref<40x128xi32, #tpu.memory_space<vmem>> -> memref<1x128xi32, #tpu.memory_space<vmem>>
      %dma_wait3A_73 = tpu.memref_squeeze %dma_wait3A_72 : memref<1x128xi32, #tpu.memory_space<vmem>> -> memref<128xi32, #tpu.memory_space<vmem>>
      %dma_wait3A_74 = arith.constant 0 : i32
      %dma_wait3A_75 = arith.constant 0 : i32
      %dma_wait3A_76 = tpu.memref_slice %arg2[%dma_wait3A_74, %dma_wait3A_75] : memref<10000x128xf32, #tpu.memory_space<hbm>> -> memref<10000x128xf32, #tpu.memory_space<hbm>>
      tpu.wait_indirect_dma semaphore(%arg13 : memref<!tpu.dma_semaphore, #tpu.memory_space<semaphore_mem>>) src(%dma_wait3A_76 : memref<10000x128xf32, #tpu.memory_space<hbm>>) dst(%arg10 : memref<128x128xf32, #tpu.memory_space<vmem>>)
      %add3A_77 = arith.constant 1 : i32
      %add3A_78 = arith.addi %mul3A_49, %add3A_77 : i32
      "tpu.region"() ({
        %run_scoped3A = tpu.sem_alloc : memref<!tpu.dma_semaphore, #tpu.memory_space<semaphore_mem>>
        %dma_start3A_79 = arith.constant 0 : i32
        %dma_start3A_80 = tpu.memref_slice %arg8[%add3A_78, %dma_start3A_79] : memref<40x128xi32, #tpu.memory_space<vmem>> -> memref<1x128xi32, #tpu.memory_space<vmem>>
        %dma_start3A_81 = tpu.memref_squeeze %dma_start3A_80 : memref<1x128xi32, #tpu.memory_space<vmem>> -> memref<128xi32, #tpu.memory_space<vmem>>
        %dma_start3A_82 = arith.constant 0 : i32
        %dma_start3A_83 = arith.constant 0 : i32
        %dma_start3A_84 = tpu.memref_slice %arg11[%dma_start3A_82, %dma_start3A_83] : memref<10128x128xf32, #tpu.memory_space<vmem_shared>> -> memref<10128x128xf32, #tpu.memory_space<vmem_shared>>
        tpu.enqueue_indirect_dma source(%arg10 : memref<128x128xf32, #tpu.memory_space<vmem>>) target(%dma_start3A_84 : memref<10128x128xf32, #tpu.memory_space<vmem_shared>>) offsets(%dma_start3A_81 : memref<128xi32, #tpu.memory_space<vmem>>) semaphore(%run_scoped3A : memref<!tpu.dma_semaphore, #tpu.memory_space<semaphore_mem>>) {add = true}
        %dma_wait3A_85 = arith.constant 0 : i32
        %dma_wait3A_86 = tpu.memref_slice %arg8[%add3A_78, %dma_wait3A_85] : memref<40x128xi32, #tpu.memory_space<vmem>> -> memref<1x128xi32, #tpu.memory_space<vmem>>
        %dma_wait3A_87 = tpu.memref_squeeze %dma_wait3A_86 : memref<1x128xi32, #tpu.memory_space<vmem>> -> memref<128xi32, #tpu.memory_space<vmem>>
        %dma_wait3A_88 = arith.constant 0 : i32
        %dma_wait3A_89 = arith.constant 0 : i32
        %dma_wait3A_90 = tpu.memref_slice %arg11[%dma_wait3A_88, %dma_wait3A_89] : memref<10128x128xf32, #tpu.memory_space<vmem_shared>> -> memref<10128x128xf32, #tpu.memory_space<vmem_shared>>
        tpu.wait_indirect_dma semaphore(%run_scoped3A : memref<!tpu.dma_semaphore, #tpu.memory_space<semaphore_mem>>) src(%arg10 : memref<128x128xf32, #tpu.memory_space<vmem>>) dst(%dma_wait3A_90 : memref<10128x128xf32, #tpu.memory_space<vmem_shared>>)
        tpu.yield
      }) : () -> ()
    }
    %scan3A_21 = arith.constant 20 : i32
    %add3A_22 = arith.constant 40 : i32
    %add3A_23 = arith.addi %mul3A_2, %add3A_22 : i32
    "tpu.region"() ({
      %run_scoped3A = tpu.sem_alloc : memref<!tpu.dma_semaphore, #tpu.memory_space<semaphore_mem>>
      %dma_start3A_47 = arith.constant 0 : i32
      %dma_start3A_48 = tpu.memref_slice %arg3[%add3A_23, %dma_start3A_47] : memref<2560x128xi32, #tpu.memory_space<hbm>> -> memref<40x128xi32, #tpu.memory_space<hbm>>
      %dma_start3A_49 = arith.constant 0 : i32
      %dma_start3A_50 = tpu.memref_slice %arg3[%add3A_23, %dma_start3A_49] : memref<2560x128xi32, #tpu.memory_space<hbm>> -> memref<40x128xi32, #tpu.memory_space<hbm>>
      tpu.enqueue_dma source(%dma_start3A_50 : memref<40x128xi32, #tpu.memory_space<hbm>>) target(%arg7 : memref<40x128xi32, #tpu.memory_space<vmem>>) target_semaphore(%run_scoped3A : memref<!tpu.dma_semaphore, #tpu.memory_space<semaphore_mem>>)
      %dma_wait3A = arith.constant 0 : i32
      %dma_wait3A_51 = tpu.memref_slice %arg3[%add3A_23, %dma_wait3A] : memref<2560x128xi32, #tpu.memory_space<hbm>> -> memref<40x128xi32, #tpu.memory_space<hbm>>
      %dma_wait3A_52 = arith.constant 0 : i32
      %dma_wait3A_53 = tpu.memref_slice %arg3[%add3A_23, %dma_wait3A_52] : memref<2560x128xi32, #tpu.memory_space<hbm>> -> memref<40x128xi32, #tpu.memory_space<hbm>>
      tpu.wait_dma2 semaphore(%run_scoped3A : memref<!tpu.dma_semaphore, #tpu.memory_space<semaphore_mem>>) src(%dma_wait3A_53 : memref<40x128xi32, #tpu.memory_space<hbm>>) dst(%arg7 : memref<40x128xi32, #tpu.memory_space<vmem>>)
      tpu.yield
    }) : () -> ()
    "tpu.region"() ({
      %run_scoped3A = tpu.sem_alloc : memref<!tpu.dma_semaphore, #tpu.memory_space<semaphore_mem>>
      %dma_start3A_47 = arith.constant 0 : i32
      %dma_start3A_48 = tpu.memref_slice %arg4[%add3A_23, %dma_start3A_47] : memref<2560x128xi32, #tpu.memory_space<hbm>> -> memref<40x128xi32, #tpu.memory_space<hbm>>
      %dma_start3A_49 = arith.constant 0 : i32
      %dma_start3A_50 = tpu.memref_slice %arg4[%add3A_23, %dma_start3A_49] : memref<2560x128xi32, #tpu.memory_space<hbm>> -> memref<40x128xi32, #tpu.memory_space<hbm>>
      tpu.enqueue_dma source(%dma_start3A_50 : memref<40x128xi32, #tpu.memory_space<hbm>>) target(%arg8 : memref<40x128xi32, #tpu.memory_space<vmem>>) target_semaphore(%run_scoped3A : memref<!tpu.dma_semaphore, #tpu.memory_space<semaphore_mem>>)
      %dma_wait3A = arith.constant 0 : i32
      %dma_wait3A_51 = tpu.memref_slice %arg4[%add3A_23, %dma_wait3A] : memref<2560x128xi32, #tpu.memory_space<hbm>> -> memref<40x128xi32, #tpu.memory_space<hbm>>
      %dma_wait3A_52 = arith.constant 0 : i32
      %dma_wait3A_53 = tpu.memref_slice %arg4[%add3A_23, %dma_wait3A_52] : memref<2560x128xi32, #tpu.memory_space<hbm>> -> memref<40x128xi32, #tpu.memory_space<hbm>>
      tpu.wait_dma2 semaphore(%run_scoped3A : memref<!tpu.dma_semaphore, #tpu.memory_space<semaphore_mem>>) src(%dma_wait3A_53 : memref<40x128xi32, #tpu.memory_space<hbm>>) dst(%arg8 : memref<40x128xi32, #tpu.memory_space<vmem>>)
      tpu.yield
    }) : () -> ()
    %dma_start3A_24 = arith.constant 0 : i32
    %dma_start3A_25 = arith.constant 0 : i32
    %dma_start3A_26 = tpu.memref_slice %arg7[%dma_start3A_24, %dma_start3A_25] : memref<40x128xi32, #tpu.memory_space<vmem>> -> memref<1x128xi32, #tpu.memory_space<vmem>>
    %dma_start3A_27 = tpu.memref_squeeze %dma_start3A_26 : memref<1x128xi32, #tpu.memory_space<vmem>> -> memref<128xi32, #tpu.memory_space<vmem>>
    %dma_start3A_28 = arith.constant 0 : i32
    %dma_start3A_29 = arith.constant 0 : i32
    %dma_start3A_30 = tpu.memref_slice %arg2[%dma_start3A_28, %dma_start3A_29] : memref<10000x128xf32, #tpu.memory_space<hbm>> -> memref<10000x128xf32, #tpu.memory_space<hbm>>
    tpu.enqueue_indirect_dma source(%dma_start3A_30 : memref<10000x128xf32, #tpu.memory_space<hbm>>) target(%arg9 : memref<128x128xf32, #tpu.memory_space<vmem>>) offsets(%dma_start3A_27 : memref<128xi32, #tpu.memory_space<vmem>>) semaphore(%arg12 : memref<!tpu.dma_semaphore, #tpu.memory_space<semaphore_mem>>)
    %scan3A_31 = arith.constant 0 : i32
    %scan3A_32 = arith.constant 0 : i32
    %scan3A_33 = arith.constant 20 : i32
    %scan3A_34 = arith.addi %scan3A_32, %scan3A_33 : i32
    %scan3A_35 = arith.constant 1 : i32
    scf.for %scan3A_47 = %scan3A_32 to %scan3A_34 step %scan3A_35  : i32 {
      %mul3A_48 = arith.constant 2 : i32
      %mul3A_49 = arith.muli %mul3A_48, %scan3A_47 : i32
      %add3A_50 = arith.constant 1 : i32
      %add3A_51 = arith.addi %mul3A_49, %add3A_50 : i32
      %dma_start3A_52 = arith.constant 0 : i32
      %dma_start3A_53 = tpu.memref_slice %arg7[%add3A_51, %dma_start3A_52] : memref<40x128xi32, #tpu.memory_space<vmem>> -> memref<1x128xi32, #tpu.memory_space<vmem>>
      %dma_start3A_54 = tpu.memref_squeeze %dma_start3A_53 : memref<1x128xi32, #tpu.memory_space<vmem>> -> memref<128xi32, #tpu.memory_space<vmem>>
      %dma_start3A_55 = arith.constant 0 : i32
      %dma_start3A_56 = arith.constant 0 : i32
      %dma_start3A_57 = tpu.memref_slice %arg2[%dma_start3A_55, %dma_start3A_56] : memref<10000x128xf32, #tpu.memory_space<hbm>> -> memref<10000x128xf32, #tpu.memory_space<hbm>>
      tpu.enqueue_indirect_dma source(%dma_start3A_57 : memref<10000x128xf32, #tpu.memory_space<hbm>>) target(%arg10 : memref<128x128xf32, #tpu.memory_space<vmem>>) offsets(%dma_start3A_54 : memref<128xi32, #tpu.memory_space<vmem>>) semaphore(%arg13 : memref<!tpu.dma_semaphore, #tpu.memory_space<semaphore_mem>>)
      %dma_wait3A = arith.constant 0 : i32
      %dma_wait3A_58 = tpu.memref_slice %arg7[%mul3A_49, %dma_wait3A] : memref<40x128xi32, #tpu.memory_space<vmem>> -> memref<1x128xi32, #tpu.memory_space<vmem>>
      %dma_wait3A_59 = tpu.memref_squeeze %dma_wait3A_58 : memref<1x128xi32, #tpu.memory_space<vmem>> -> memref<128xi32, #tpu.memory_space<vmem>>
      %dma_wait3A_60 = arith.constant 0 : i32
      %dma_wait3A_61 = arith.constant 0 : i32
      %dma_wait3A_62 = tpu.memref_slice %arg2[%dma_wait3A_60, %dma_wait3A_61] : memref<10000x128xf32, #tpu.memory_space<hbm>> -> memref<10000x128xf32, #tpu.memory_space<hbm>>
      tpu.wait_indirect_dma semaphore(%arg12 : memref<!tpu.dma_semaphore, #tpu.memory_space<semaphore_mem>>) src(%dma_wait3A_62 : memref<10000x128xf32, #tpu.memory_space<hbm>>) dst(%arg9 : memref<128x128xf32, #tpu.memory_space<vmem>>)
      "tpu.region"() ({
        %run_scoped3A = tpu.sem_alloc : memref<!tpu.dma_semaphore, #tpu.memory_space<semaphore_mem>>
        %dma_start3A_79 = arith.constant 0 : i32
        %dma_start3A_80 = tpu.memref_slice %arg8[%mul3A_49, %dma_start3A_79] : memref<40x128xi32, #tpu.memory_space<vmem>> -> memref<1x128xi32, #tpu.memory_space<vmem>>
        %dma_start3A_81 = tpu.memref_squeeze %dma_start3A_80 : memref<1x128xi32, #tpu.memory_space<vmem>> -> memref<128xi32, #tpu.memory_space<vmem>>
        %dma_start3A_82 = arith.constant 0 : i32
        %dma_start3A_83 = arith.constant 0 : i32
        %dma_start3A_84 = tpu.memref_slice %arg11[%dma_start3A_82, %dma_start3A_83] : memref<10128x128xf32, #tpu.memory_space<vmem_shared>> -> memref<10128x128xf32, #tpu.memory_space<vmem_shared>>
        tpu.enqueue_indirect_dma source(%arg9 : memref<128x128xf32, #tpu.memory_space<vmem>>) target(%dma_start3A_84 : memref<10128x128xf32, #tpu.memory_space<vmem_shared>>) offsets(%dma_start3A_81 : memref<128xi32, #tpu.memory_space<vmem>>) semaphore(%run_scoped3A : memref<!tpu.dma_semaphore, #tpu.memory_space<semaphore_mem>>) {add = true}
        %dma_wait3A_85 = arith.constant 0 : i32
        %dma_wait3A_86 = tpu.memref_slice %arg8[%mul3A_49, %dma_wait3A_85] : memref<40x128xi32, #tpu.memory_space<vmem>> -> memref<1x128xi32, #tpu.memory_space<vmem>>
        %dma_wait3A_87 = tpu.memref_squeeze %dma_wait3A_86 : memref<1x128xi32, #tpu.memory_space<vmem>> -> memref<128xi32, #tpu.memory_space<vmem>>
        %dma_wait3A_88 = arith.constant 0 : i32
        %dma_wait3A_89 = arith.constant 0 : i32
        %dma_wait3A_90 = tpu.memref_slice %arg11[%dma_wait3A_88, %dma_wait3A_89] : memref<10128x128xf32, #tpu.memory_space<vmem_shared>> -> memref<10128x128xf32, #tpu.memory_space<vmem_shared>>
        tpu.wait_indirect_dma semaphore(%run_scoped3A : memref<!tpu.dma_semaphore, #tpu.memory_space<semaphore_mem>>) src(%arg9 : memref<128x128xf32, #tpu.memory_space<vmem>>) dst(%dma_wait3A_90 : memref<10128x128xf32, #tpu.memory_space<vmem_shared>>)
        tpu.yield
      }) : () -> ()
      %add3A_63 = arith.constant 2 : i32
      %add3A_64 = arith.addi %mul3A_49, %add3A_63 : i32
      %lt3A = arith.constant 40 : i32
      %lt3A_65 = arith.cmpi slt, %add3A_64, %lt3A : i32
      %convert_element_type3A_66 = arith.extui %lt3A_65 : i1 to i32
      %cond3A_67 = arith.constant 0 : i32
      %cond3A_68 = arith.cmpi ne, %convert_element_type3A_66, %cond3A_67 : i32
      scf.if %cond3A_68 {
        %add3A_79 = arith.constant 2 : i32
        %add3A_80 = arith.addi %mul3A_49, %add3A_79 : i32
        %dma_start3A_81 = arith.constant 0 : i32
        %dma_start3A_82 = tpu.memref_slice %arg7[%add3A_80, %dma_start3A_81] : memref<40x128xi32, #tpu.memory_space<vmem>> -> memref<1x128xi32, #tpu.memory_space<vmem>>
        %dma_start3A_83 = tpu.memref_squeeze %dma_start3A_82 : memref<1x128xi32, #tpu.memory_space<vmem>> -> memref<128xi32, #tpu.memory_space<vmem>>
        %dma_start3A_84 = arith.constant 0 : i32
        %dma_start3A_85 = arith.constant 0 : i32
        %dma_start3A_86 = tpu.memref_slice %arg2[%dma_start3A_84, %dma_start3A_85] : memref<10000x128xf32, #tpu.memory_space<hbm>> -> memref<10000x128xf32, #tpu.memory_space<hbm>>
        tpu.enqueue_indirect_dma source(%dma_start3A_86 : memref<10000x128xf32, #tpu.memory_space<hbm>>) target(%arg9 : memref<128x128xf32, #tpu.memory_space<vmem>>) offsets(%dma_start3A_83 : memref<128xi32, #tpu.memory_space<vmem>>) semaphore(%arg12 : memref<!tpu.dma_semaphore, #tpu.memory_space<semaphore_mem>>)
      } else {
      }
      %add3A_69 = arith.constant 1 : i32
      %add3A_70 = arith.addi %mul3A_49, %add3A_69 : i32
      %dma_wait3A_71 = arith.constant 0 : i32
      %dma_wait3A_72 = tpu.memref_slice %arg7[%add3A_70, %dma_wait3A_71] : memref<40x128xi32, #tpu.memory_space<vmem>> -> memref<1x128xi32, #tpu.memory_space<vmem>>
      %dma_wait3A_73 = tpu.memref_squeeze %dma_wait3A_72 : memref<1x128xi32, #tpu.memory_space<vmem>> -> memref<128xi32, #tpu.memory_space<vmem>>
      %dma_wait3A_74 = arith.constant 0 : i32
      %dma_wait3A_75 = arith.constant 0 : i32
      %dma_wait3A_76 = tpu.memref_slice %arg2[%dma_wait3A_74, %dma_wait3A_75] : memref<10000x128xf32, #tpu.memory_space<hbm>> -> memref<10000x128xf32, #tpu.memory_space<hbm>>
      tpu.wait_indirect_dma semaphore(%arg13 : memref<!tpu.dma_semaphore, #tpu.memory_space<semaphore_mem>>) src(%dma_wait3A_76 : memref<10000x128xf32, #tpu.memory_space<hbm>>) dst(%arg10 : memref<128x128xf32, #tpu.memory_space<vmem>>)
      %add3A_77 = arith.constant 1 : i32
      %add3A_78 = arith.addi %mul3A_49, %add3A_77 : i32
      "tpu.region"() ({
        %run_scoped3A = tpu.sem_alloc : memref<!tpu.dma_semaphore, #tpu.memory_space<semaphore_mem>>
        %dma_start3A_79 = arith.constant 0 : i32
        %dma_start3A_80 = tpu.memref_slice %arg8[%add3A_78, %dma_start3A_79] : memref<40x128xi32, #tpu.memory_space<vmem>> -> memref<1x128xi32, #tpu.memory_space<vmem>>
        %dma_start3A_81 = tpu.memref_squeeze %dma_start3A_80 : memref<1x128xi32, #tpu.memory_space<vmem>> -> memref<128xi32, #tpu.memory_space<vmem>>
        %dma_start3A_82 = arith.constant 0 : i32
        %dma_start3A_83 = arith.constant 0 : i32
        %dma_start3A_84 = tpu.memref_slice %arg11[%dma_start3A_82, %dma_start3A_83] : memref<10128x128xf32, #tpu.memory_space<vmem_shared>> -> memref<10128x128xf32, #tpu.memory_space<vmem_shared>>
        tpu.enqueue_indirect_dma source(%arg10 : memref<128x128xf32, #tpu.memory_space<vmem>>) target(%dma_start3A_84 : memref<10128x128xf32, #tpu.memory_space<vmem_shared>>) offsets(%dma_start3A_81 : memref<128xi32, #tpu.memory_space<vmem>>) semaphore(%run_scoped3A : memref<!tpu.dma_semaphore, #tpu.memory_space<semaphore_mem>>) {add = true}
        %dma_wait3A_85 = arith.constant 0 : i32
        %dma_wait3A_86 = tpu.memref_slice %arg8[%add3A_78, %dma_wait3A_85] : memref<40x128xi32, #tpu.memory_space<vmem>> -> memref<1x128xi32, #tpu.memory_space<vmem>>
        %dma_wait3A_87 = tpu.memref_squeeze %dma_wait3A_86 : memref<1x128xi32, #tpu.memory_space<vmem>> -> memref<128xi32, #tpu.memory_space<vmem>>
        %dma_wait3A_88 = arith.constant 0 : i32
        %dma_wait3A_89 = arith.constant 0 : i32
        %dma_wait3A_90 = tpu.memref_slice %arg11[%dma_wait3A_88, %dma_wait3A_89] : memref<10128x128xf32, #tpu.memory_space<vmem_shared>> -> memref<10128x128xf32, #tpu.memory_space<vmem_shared>>
        tpu.wait_indirect_dma semaphore(%run_scoped3A : memref<!tpu.dma_semaphore, #tpu.memory_space<semaphore_mem>>) src(%arg10 : memref<128x128xf32, #tpu.memory_space<vmem>>) dst(%dma_wait3A_90 : memref<10128x128xf32, #tpu.memory_space<vmem_shared>>)
        tpu.yield
      }) : () -> ()
    }
    %scan3A_36 = arith.constant 20 : i32
    %barrier3A_37 = arith.constant 0 : index
    tpu.barrier barrier_id(%barrier3A_37)
    %mul3A_38 = arith.constant 624 : i32
    %mul3A_39 = arith.muli %arg1, %mul3A_38 : i32
    %mul3A_40 = arith.constant 624 : i32
    %mul3A_41 = arith.muli %arg1, %mul3A_40 : i32
    "tpu.region"() ({
      %run_scoped3A = tpu.sem_alloc : memref<!tpu.dma_semaphore, #tpu.memory_space<semaphore_mem>>
      %dma_start3A_47 = arith.constant 0 : i32
      %dma_start3A_48 = arith.constant 0 : i32
      %dma_start3A_49 = tpu.memref_slice %arg6[%arg0, %dma_start3A_47, %dma_start3A_48] : memref<2x10000x128xf32, #tpu.memory_space<hbm>> -> memref<1x10000x128xf32, #tpu.memory_space<hbm>>
      %dma_start3A_50 = tpu.memref_squeeze %dma_start3A_49 : memref<1x10000x128xf32, #tpu.memory_space<hbm>> -> memref<10000x128xf32, #tpu.memory_space<hbm>>
      %dma_start3A_51 = arith.constant 0 : i32
      %dma_start3A_52 = tpu.memref_slice %dma_start3A_50[%mul3A_41, %dma_start3A_51] : memref<10000x128xf32, #tpu.memory_space<hbm>> -> memref<624x128xf32, #tpu.memory_space<hbm>>
      %dma_start3A_53 = arith.constant 0 : i32
      %dma_start3A_54 = tpu.memref_slice %arg11[%mul3A_39, %dma_start3A_53] : memref<10128x128xf32, #tpu.memory_space<vmem_shared>> -> memref<624x128xf32, #tpu.memory_space<vmem_shared>>
      tpu.enqueue_dma source(%dma_start3A_54 : memref<624x128xf32, #tpu.memory_space<vmem_shared>>) target(%dma_start3A_52 : memref<624x128xf32, #tpu.memory_space<hbm>>) target_semaphore(%run_scoped3A : memref<!tpu.dma_semaphore, #tpu.memory_space<semaphore_mem>>)
      %dma_wait3A = arith.constant 0 : i32
      %dma_wait3A_55 = arith.constant 0 : i32
      %dma_wait3A_56 = tpu.memref_slice %arg6[%arg0, %dma_wait3A, %dma_wait3A_55] : memref<2x10000x128xf32, #tpu.memory_space<hbm>> -> memref<1x10000x128xf32, #tpu.memory_space<hbm>>
      %dma_wait3A_57 = tpu.memref_squeeze %dma_wait3A_56 : memref<1x10000x128xf32, #tpu.memory_space<hbm>> -> memref<10000x128xf32, #tpu.memory_space<hbm>>
      %dma_wait3A_58 = arith.constant 0 : i32
      %dma_wait3A_59 = tpu.memref_slice %dma_wait3A_57[%mul3A_41, %dma_wait3A_58] : memref<10000x128xf32, #tpu.memory_space<hbm>> -> memref<624x128xf32, #tpu.memory_space<hbm>>
      %dma_wait3A_60 = arith.constant 0 : i32
      %dma_wait3A_61 = tpu.memref_slice %arg11[%mul3A_39, %dma_wait3A_60] : memref<10128x128xf32, #tpu.memory_space<vmem_shared>> -> memref<624x128xf32, #tpu.memory_space<vmem_shared>>
      tpu.wait_dma2 semaphore(%run_scoped3A : memref<!tpu.dma_semaphore, #tpu.memory_space<semaphore_mem>>) src(%dma_wait3A_61 : memref<624x128xf32, #tpu.memory_space<vmem_shared>>) dst(%dma_wait3A_59 : memref<624x128xf32, #tpu.memory_space<hbm>>)
      tpu.yield
    }) : () -> ()
    %eq3A_42 = arith.constant 15 : i32
    %eq3A_43 = arith.cmpi eq, %arg1, %eq3A_42 : i32
    %convert_element_type3A_44 = arith.extui %eq3A_43 : i1 to i32
    %cond3A_45 = arith.constant 0 : i32
    %cond3A_46 = arith.cmpi ne, %convert_element_type3A_44, %cond3A_45 : i32
    scf.if %cond3A_46 {
      "tpu.region"() ({
        %run_scoped3A = tpu.sem_alloc : memref<!tpu.dma_semaphore, #tpu.memory_space<semaphore_mem>>
        %dma_start3A_47 = arith.constant 0 : i32
        %dma_start3A_48 = arith.constant 0 : i32
        %dma_start3A_49 = tpu.memref_slice %arg6[%arg0, %dma_start3A_47, %dma_start3A_48] : memref<2x10000x128xf32, #tpu.memory_space<hbm>> -> memref<1x10000x128xf32, #tpu.memory_space<hbm>>
        %dma_start3A_50 = tpu.memref_squeeze %dma_start3A_49 : memref<1x10000x128xf32, #tpu.memory_space<hbm>> -> memref<10000x128xf32, #tpu.memory_space<hbm>>
        %dma_start3A_51 = arith.constant 9984 : i32
        %dma_start3A_52 = arith.constant 0 : i32
        %dma_start3A_53 = tpu.memref_slice %dma_start3A_50[%dma_start3A_51, %dma_start3A_52] : memref<10000x128xf32, #tpu.memory_space<hbm>> -> memref<16x128xf32, #tpu.memory_space<hbm>>
        %dma_start3A_54 = arith.constant 9984 : i32
        %dma_start3A_55 = arith.constant 0 : i32
        %dma_start3A_56 = tpu.memref_slice %arg11[%dma_start3A_54, %dma_start3A_55] : memref<10128x128xf32, #tpu.memory_space<vmem_shared>> -> memref<16x128xf32, #tpu.memory_space<vmem_shared>>
        tpu.enqueue_dma source(%dma_start3A_56 : memref<16x128xf32, #tpu.memory_space<vmem_shared>>) target(%dma_start3A_53 : memref<16x128xf32, #tpu.memory_space<hbm>>) target_semaphore(%run_scoped3A : memref<!tpu.dma_semaphore, #tpu.memory_space<semaphore_mem>>)
        %dma_wait3A = arith.constant 0 : i32
        %dma_wait3A_57 = arith.constant 0 : i32
        %dma_wait3A_58 = tpu.memref_slice %arg6[%arg0, %dma_wait3A, %dma_wait3A_57] : memref<2x10000x128xf32, #tpu.memory_space<hbm>> -> memref<1x10000x128xf32, #tpu.memory_space<hbm>>
        %dma_wait3A_59 = tpu.memref_squeeze %dma_wait3A_58 : memref<1x10000x128xf32, #tpu.memory_space<hbm>> -> memref<10000x128xf32, #tpu.memory_space<hbm>>
        %dma_wait3A_60 = arith.constant 9984 : i32
        %dma_wait3A_61 = arith.constant 0 : i32
        %dma_wait3A_62 = tpu.memref_slice %dma_wait3A_59[%dma_wait3A_60, %dma_wait3A_61] : memref<10000x128xf32, #tpu.memory_space<hbm>> -> memref<16x128xf32, #tpu.memory_space<hbm>>
        %dma_wait3A_63 = arith.constant 9984 : i32
        %dma_wait3A_64 = arith.constant 0 : i32
        %dma_wait3A_65 = tpu.memref_slice %arg11[%dma_wait3A_63, %dma_wait3A_64] : memref<10128x128xf32, #tpu.memory_space<vmem_shared>> -> memref<16x128xf32, #tpu.memory_space<vmem_shared>>
        tpu.wait_dma2 semaphore(%run_scoped3A : memref<!tpu.dma_semaphore, #tpu.memory_space<semaphore_mem>>) src(%dma_wait3A_65 : memref<16x128xf32, #tpu.memory_space<vmem_shared>>) dst(%dma_wait3A_62 : memref<16x128xf32, #tpu.memory_space<hbm>>)
        tpu.yield
      }) : () -> ()
    } else {
    }
    return
  }
}

module attributes {stable_mosaic.version = 14 : i64} {
  func.func @_mm_relu_body(%arg0: i32, %arg1: memref<2000x128xf32, #tpu.memory_space<vmem>>, %arg2: memref<128x128xf32, #tpu.memory_space<vmem>>, %arg3: memref<1x128xf32, #tpu.memory_space<vmem>>, %arg4: memref<2000x128xf32, #tpu.memory_space<vmem>>) attributes {dimension_semantics = [#tpu.dimension_semantics<arbitrary>], iteration_bounds = array<i64: 5>, scalar_prefetch = 0 : i64, scratch_operands = 0 : i64, tpu.core_type = #tpu.core_type<tc>, window_params = [{transform_indices = @transform_0, window_bounds = array<i64: 2000, 128>}, {pipeline_mode = #tpu.pipeline_mode<synchronous>, transform_indices = @transform_1, window_bounds = array<i64: 128, 128>}, {pipeline_mode = #tpu.pipeline_mode<synchronous>, transform_indices = @transform_2, window_bounds = array<i64: 1, 128>}, {transform_indices = @transform_3, window_bounds = array<i64: 2000, 128>}]} {
    %get3A = arith.constant 0 : index
    %get3A_0 = arith.constant 0 : index
    %get3A_1 = vector.load %arg1[%get3A, %get3A_0] : memref<2000x128xf32, #tpu.memory_space<vmem>>, vector<2000x128xf32>
    %get3A_2 = arith.constant 0 : index
    %get3A_3 = arith.constant 0 : index
    %get3A_4 = vector.load %arg2[%get3A_2, %get3A_3] : memref<128x128xf32, #tpu.memory_space<vmem>>, vector<128x128xf32>
    %dot_general3A = arith.constant dense<0.000000e+00> : vector<2000x128xf32>
    %dot_general3A_5 = tpu.matmul %get3A_1, %get3A_4, %dot_general3A {dimension_numbers = #tpu.dot_dimension_numbers<[1], [0], [0], [1], [0, 0, 1, 1], [], []>, transpose_lhs_hint = false} : vector<2000x128xf32>, vector<128x128xf32>, vector<2000x128xf32> -> vector<2000x128xf32>
    %get3A_6 = arith.constant 0 : index
    %get3A_7 = arith.constant 0 : index
    %get3A_8 = vector.load %arg3[%get3A_6, %get3A_7] : memref<1x128xf32, #tpu.memory_space<vmem>>, vector<1x128xf32>
    %add3A = vector.broadcast %get3A_8 : vector<1x128xf32> to vector<2000x128xf32>
    %add3A_9 = arith.addf %dot_general3A_5, %add3A : vector<2000x128xf32>
    %max3A = arith.constant 0.000000e+00 : f32
    %max3A_10 = vector.broadcast %max3A : f32 to vector<2000x128xf32>
    %max3A_11 = arith.maximumf %add3A_9, %max3A_10 : vector<2000x128xf32>
    %swap3A = arith.constant 0 : index
    %swap3A_12 = arith.constant 0 : index
    %swap3A_13 = vector.load %arg4[%swap3A, %swap3A_12] : memref<2000x128xf32, #tpu.memory_space<vmem>>, vector<2000x128xf32>
    tpu.vector_store %arg4[%swap3A, %swap3A_12], %max3A_11 {strides = array<i32>} : memref<2000x128xf32, #tpu.memory_space<vmem>>, vector<2000x128xf32>,
    return
  }
  func.func @transform_0(%arg0: i32) -> (i32, i32) {
    %c0_i32 = arith.constant 0 : i32
    %c0_i32_0 = arith.constant 0 : i32
    return %arg0, %c0_i32 : i32, i32
  }
  func.func @transform_1(%arg0: i32) -> (i32, i32) {
    %c0_i32 = arith.constant 0 : i32
    %c0_i32_0 = arith.constant 0 : i32
    %c0_i32_1 = arith.constant 0 : i32
    return %c0_i32, %c0_i32_0 : i32, i32
  }
  func.func @transform_2(%arg0: i32) -> (i32, i32) {
    %c0_i32 = arith.constant 0 : i32
    %c0_i32_0 = arith.constant 0 : i32
    %c0_i32_1 = arith.constant 0 : i32
    return %c0_i32, %c0_i32_0 : i32, i32
  }
  func.func @transform_3(%arg0: i32) -> (i32, i32) {
    %c0_i32 = arith.constant 0 : i32
    %c0_i32_0 = arith.constant 0 : i32
    return %arg0, %c0_i32 : i32, i32
  }
}

module attributes {stable_mosaic.version = 14 : i64} {
  func.func @_update_body(%arg0: i32, %arg1: memref<2000x128xf32, #tpu.memory_space<vmem>>, %arg2: memref<2x2000x128xf32, #tpu.memory_space<vmem>>, %arg3: memref<128x128xf32, #tpu.memory_space<vmem>>, %arg4: memref<1x128xf32, #tpu.memory_space<vmem>>, %arg5: memref<2000x128xf32, #tpu.memory_space<vmem>>) attributes {dimension_semantics = [#tpu.dimension_semantics<arbitrary>], iteration_bounds = array<i64: 5>, scalar_prefetch = 0 : i64, scratch_operands = 0 : i64, tpu.core_type = #tpu.core_type<tc>, window_params = [{transform_indices = @transform_0, window_bounds = array<i64: 2000, 128>}, {transform_indices = @transform_1, window_bounds = array<i64: 2, 2000, 128>}, {pipeline_mode = #tpu.pipeline_mode<synchronous>, transform_indices = @transform_2, window_bounds = array<i64: 128, 128>}, {pipeline_mode = #tpu.pipeline_mode<synchronous>, transform_indices = @transform_3, window_bounds = array<i64: 1, 128>}, {transform_indices = @transform_4, window_bounds = array<i64: 2000, 128>}]} {
    %get3A = arith.constant 0 : index
    %get3A_0 = arith.constant 0 : index
    %get3A_1 = arith.constant 0 : index
    %get3A_2 = vector.load %arg2[%get3A, %get3A_0, %get3A_1] : memref<2x2000x128xf32, #tpu.memory_space<vmem>>, vector<1x2000x128xf32>
    %get3A_3 = vector.shape_cast %get3A_2 : vector<1x2000x128xf32> to vector<2000x128xf32>
    %get3A_4 = arith.constant 1 : index
    %get3A_5 = arith.constant 0 : index
    %get3A_6 = arith.constant 0 : index
    %get3A_7 = vector.load %arg2[%get3A_4, %get3A_5, %get3A_6] : memref<2x2000x128xf32, #tpu.memory_space<vmem>>, vector<1x2000x128xf32>
    %get3A_8 = vector.shape_cast %get3A_7 : vector<1x2000x128xf32> to vector<2000x128xf32>
    %add3A = arith.addf %get3A_3, %get3A_8 : vector<2000x128xf32>
    %get3A_9 = arith.constant 0 : index
    %get3A_10 = arith.constant 0 : index
    %get3A_11 = vector.load %arg1[%get3A_9, %get3A_10] : memref<2000x128xf32, #tpu.memory_space<vmem>>, vector<2000x128xf32>
    %get3A_12 = arith.constant 0 : index
    %get3A_13 = arith.constant 0 : index
    %get3A_14 = vector.load %arg3[%get3A_12, %get3A_13] : memref<128x128xf32, #tpu.memory_space<vmem>>, vector<128x128xf32>
    %dot_general3A = arith.constant dense<0.000000e+00> : vector<2000x128xf32>
    %dot_general3A_15 = tpu.matmul %add3A, %get3A_14, %dot_general3A {dimension_numbers = #tpu.dot_dimension_numbers<[1], [0], [0], [1], [0, 0, 1, 1], [], []>, transpose_lhs_hint = false} : vector<2000x128xf32>, vector<128x128xf32>, vector<2000x128xf32> -> vector<2000x128xf32>
    %get3A_16 = arith.constant 0 : index
    %get3A_17 = arith.constant 0 : index
    %get3A_18 = vector.load %arg4[%get3A_16, %get3A_17] : memref<1x128xf32, #tpu.memory_space<vmem>>, vector<1x128xf32>
    %add3A_19 = vector.broadcast %get3A_18 : vector<1x128xf32> to vector<2000x128xf32>
    %add3A_20 = arith.addf %dot_general3A_15, %add3A_19 : vector<2000x128xf32>
    %max3A = arith.constant 0.000000e+00 : f32
    %max3A_21 = vector.broadcast %max3A : f32 to vector<2000x128xf32>
    %max3A_22 = arith.maximumf %add3A_20, %max3A_21 : vector<2000x128xf32>
    %add3A_23 = arith.addf %get3A_11, %max3A_22 : vector<2000x128xf32>
    %swap3A = arith.constant 0 : index
    %swap3A_24 = arith.constant 0 : index
    %swap3A_25 = vector.load %arg5[%swap3A, %swap3A_24] : memref<2000x128xf32, #tpu.memory_space<vmem>>, vector<2000x128xf32>
    tpu.vector_store %arg5[%swap3A, %swap3A_24], %add3A_23 {strides = array<i32>} : memref<2000x128xf32, #tpu.memory_space<vmem>>, vector<2000x128xf32>,
    return
  }
  func.func @transform_0(%arg0: i32) -> (i32, i32) {
    %c0_i32 = arith.constant 0 : i32
    %c0_i32_0 = arith.constant 0 : i32
    return %arg0, %c0_i32 : i32, i32
  }
  func.func @transform_1(%arg0: i32) -> (i32, i32, i32) {
    %c0_i32 = arith.constant 0 : i32
    %c0_i32_0 = arith.constant 0 : i32
    %c0_i32_1 = arith.constant 0 : i32
    return %c0_i32, %arg0, %c0_i32_0 : i32, i32, i32
  }
  func.func @transform_2(%arg0: i32) -> (i32, i32) {
    %c0_i32 = arith.constant 0 : i32
    %c0_i32_0 = arith.constant 0 : i32
    %c0_i32_1 = arith.constant 0 : i32
    return %c0_i32, %c0_i32_0 : i32, i32
  }
  func.func @transform_3(%arg0: i32) -> (i32, i32) {
    %c0_i32 = arith.constant 0 : i32
    %c0_i32_0 = arith.constant 0 : i32
    %c0_i32_1 = arith.constant 0 : i32
    return %c0_i32, %c0_i32_0 : i32, i32
  }
  func.func @transform_4(%arg0: i32) -> (i32, i32) {
    %c0_i32 = arith.constant 0 : i32
    %c0_i32_0 = arith.constant 0 : i32
    return %arg0, %c0_i32 : i32, i32
  }
}

module attributes {stable_mosaic.version = 14 : i64} {
  func.func @_head_body(%arg0: i32, %arg1: memref<2000x128xf32, #tpu.memory_space<vmem>>, %arg2: memref<128x128xf32, #tpu.memory_space<vmem>>, %arg3: memref<1x128xf32, #tpu.memory_space<vmem>>, %arg4: memref<128x2xf32, #tpu.memory_space<vmem>>, %arg5: memref<1x2xf32, #tpu.memory_space<vmem>>, %arg6: memref<2000x2xf32, #tpu.memory_space<vmem>>) attributes {dimension_semantics = [#tpu.dimension_semantics<arbitrary>], iteration_bounds = array<i64: 5>, scalar_prefetch = 0 : i64, scratch_operands = 0 : i64, tpu.core_type = #tpu.core_type<tc>, window_params = [{transform_indices = @transform_0, window_bounds = array<i64: 2000, 128>}, {pipeline_mode = #tpu.pipeline_mode<synchronous>, transform_indices = @transform_1, window_bounds = array<i64: 128, 128>}, {pipeline_mode = #tpu.pipeline_mode<synchronous>, transform_indices = @transform_2, window_bounds = array<i64: 1, 128>}, {pipeline_mode = #tpu.pipeline_mode<synchronous>, transform_indices = @transform_3, window_bounds = array<i64: 128, 2>}, {pipeline_mode = #tpu.pipeline_mode<synchronous>, transform_indices = @transform_4, window_bounds = array<i64: 1, 2>}, {transform_indices = @transform_5, window_bounds = array<i64: 2000, 2>}]} {
    %get3A = arith.constant 0 : index
    %get3A_0 = arith.constant 0 : index
    %get3A_1 = vector.load %arg1[%get3A, %get3A_0] : memref<2000x128xf32, #tpu.memory_space<vmem>>, vector<2000x128xf32>
    %get3A_2 = arith.constant 0 : index
    %get3A_3 = arith.constant 0 : index
    %get3A_4 = vector.load %arg2[%get3A_2, %get3A_3] : memref<128x128xf32, #tpu.memory_space<vmem>>, vector<128x128xf32>
    %dot_general3A = arith.constant dense<0.000000e+00> : vector<2000x128xf32>
    %dot_general3A_5 = tpu.matmul %get3A_1, %get3A_4, %dot_general3A {dimension_numbers = #tpu.dot_dimension_numbers<[1], [0], [0], [1], [0, 0, 1, 1], [], []>, transpose_lhs_hint = false} : vector<2000x128xf32>, vector<128x128xf32>, vector<2000x128xf32> -> vector<2000x128xf32>
    %get3A_6 = arith.constant 0 : index
    %get3A_7 = arith.constant 0 : index
    %get3A_8 = vector.load %arg3[%get3A_6, %get3A_7] : memref<1x128xf32, #tpu.memory_space<vmem>>, vector<1x128xf32>
    %add3A = vector.broadcast %get3A_8 : vector<1x128xf32> to vector<2000x128xf32>
    %add3A_9 = arith.addf %dot_general3A_5, %add3A : vector<2000x128xf32>
    %max3A = arith.constant 0.000000e+00 : f32
    %max3A_10 = vector.broadcast %max3A : f32 to vector<2000x128xf32>
    %max3A_11 = arith.maximumf %add3A_9, %max3A_10 : vector<2000x128xf32>
    %get3A_12 = arith.constant 0 : index
    %get3A_13 = arith.constant 0 : index
    %get3A_14 = vector.load %arg4[%get3A_12, %get3A_13] : memref<128x2xf32, #tpu.memory_space<vmem>>, vector<128x2xf32>
    %dot_general3A_15 = arith.constant dense<0.000000e+00> : vector<2000x2xf32>
    %dot_general3A_16 = tpu.matmul %max3A_11, %get3A_14, %dot_general3A_15 {dimension_numbers = #tpu.dot_dimension_numbers<[1], [0], [0], [1], [0, 0, 1, 1], [], []>, transpose_lhs_hint = false} : vector<2000x128xf32>, vector<128x2xf32>, vector<2000x2xf32> -> vector<2000x2xf32>
    %get3A_17 = arith.constant 0 : index
    %get3A_18 = arith.constant 0 : index
    %get3A_19 = vector.load %arg5[%get3A_17, %get3A_18] : memref<1x2xf32, #tpu.memory_space<vmem>>, vector<1x2xf32>
    %add3A_20 = vector.broadcast %get3A_19 : vector<1x2xf32> to vector<2000x2xf32>
    %add3A_21 = arith.addf %dot_general3A_16, %add3A_20 : vector<2000x2xf32>
    %slice3A = vector.extract_strided_slice %add3A_21 {offsets = [0, 0], sizes = [2000, 1], strides = [1, 1]} : vector<2000x2xf32> to vector<2000x1xf32>
    %slice3A_22 = vector.extract_strided_slice %add3A_21 {offsets = [0, 1], sizes = [2000, 1], strides = [1, 1]} : vector<2000x2xf32> to vector<2000x1xf32>
    %exp3A = math.exp %slice3A_22 : vector<2000x1xf32>
    %concatenate3A = tpu.concatenate %slice3A, %exp3A in 1 : vector<2000x1xf32>, vector<2000x1xf32> -> vector<2000x2xf32>
    %swap3A = arith.constant 0 : index
    %swap3A_23 = arith.constant 0 : index
    %swap3A_24 = vector.load %arg6[%swap3A, %swap3A_23] : memref<2000x2xf32, #tpu.memory_space<vmem>>, vector<2000x2xf32>
    tpu.vector_store %arg6[%swap3A, %swap3A_23], %concatenate3A {strides = array<i32>} : memref<2000x2xf32, #tpu.memory_space<vmem>>, vector<2000x2xf32>,
    return
  }
  func.func @transform_0(%arg0: i32) -> (i32, i32) {
    %c0_i32 = arith.constant 0 : i32
    %c0_i32_0 = arith.constant 0 : i32
    return %arg0, %c0_i32 : i32, i32
  }
  func.func @transform_1(%arg0: i32) -> (i32, i32) {
    %c0_i32 = arith.constant 0 : i32
    %c0_i32_0 = arith.constant 0 : i32
    %c0_i32_1 = arith.constant 0 : i32
    return %c0_i32, %c0_i32_0 : i32, i32
  }
  func.func @transform_2(%arg0: i32) -> (i32, i32) {
    %c0_i32 = arith.constant 0 : i32
    %c0_i32_0 = arith.constant 0 : i32
    %c0_i32_1 = arith.constant 0 : i32
    return %c0_i32, %c0_i32_0 : i32, i32
  }
  func.func @transform_3(%arg0: i32) -> (i32, i32) {
    %c0_i32 = arith.constant 0 : i32
    %c0_i32_0 = arith.constant 0 : i32
    %c0_i32_1 = arith.constant 0 : i32
    return %c0_i32, %c0_i32_0 : i32, i32
  }
  func.func @transform_4(%arg0: i32) -> (i32, i32) {
    %c0_i32 = arith.constant 0 : i32
    %c0_i32_0 = arith.constant 0 : i32
    %c0_i32_1 = arith.constant 0 : i32
    return %c0_i32, %c0_i32_0 : i32, i32
  }
  func.func @transform_5(%arg0: i32) -> (i32, i32) {
    %c0_i32 = arith.constant 0 : i32
    %c0_i32_0 = arith.constant 0 : i32
    return %arg0, %c0_i32 : i32, i32
  }
}

</mosaic_0001>

<sc_bundles>
// kernel: kernel.13.cloned.1.call-start
scs
__scs_entry_jumppad:
0x0: {  	(pc) =	sbr.rel $0x88, $3  }
0x1: {  	(tag) =	ssettag $0x0;
	lr =	simm.s32 $0x1  }
0x2: {  	[smem:$0x3F95] =	sst lr;
	_ =	strace $0xD0000000  }
0x3: {  	_ = 	snop  }
0x4: {  	_ = 	snop  }
0x5: {  	_ = 	snop  }
0x6: {  	_ = 	snop  }
0x7: {  	_ = 	snop  }
__scs_overlays_trampoline_lowered:
0x8: {  	[smem:$0x3FA4] =	sst s0  }
0x9: {  	[smem:$0x3FA5] =	sst s1  }
0xa: {  	[smem:$0x3FA6] =	sst s2  }
0xb: {  	[smem:$0x3FA7] =	sst s3  }
0xc: {  	[smem:$0x3FA8] =	sst s4  }
0xd: {  	[smem:$0x3FA9] =	sst s5  }
0xe: {  	[smem:$0x3FAA] =	sst s6  }
0xf: {  	[smem:$0x3FAB] =	sst s7  }
0x10: {  	[smem:$0x3FAC] =	sst s8  }
0x11: {  	[smem:$0x3FAD] =	sst s9;
	s0 =	simm.s32 @!p0 $0x0  }
0x12: {  	s1 =	sld [smem:$0x3F93];
	s0 =	simm.s32 @p0 $0x1  }
0x13: {  	[smem:$0x3FAE] =	sst s0;
	s0 =	simm.s32 @!p1 $0x0  }
0x14: {  	s2 =	sld [smem:$0x3F92];
	s0 =	simm.s32 @p1 $0x1  }
0x15: {  	[smem:$0x3FAF] =	sst s0;
	s0 =	simm.s32 @!p2 $0x0  }
0x16: {  	s3 =	sld [smem:$0x3FDB];
	s0 =	simm.s32 @p2 $0x1  }
0x17: {  	s4 =	simm.s32 $0x1BF5;
	[smem:$0x3FB1] =	sst s0  }
0x18: {  	s0 =	sld [smem:$0x3F94];
	_ =	swait.ge [sflag:s4], $0x0  }
0x19: {  	s7 =	sld [smem:$0x3F95]  }
0x1a: {  	s8 =	sadd.s32 $0xFFFFE003, lr  }
0x1b: {  	s9 =	sadd.s32 $0xFFFFFEF7, lr;
	s5 =	simm.s32 $0xFFFFFFFF;
	p2 =	slt.u32 s8, $0xFFFFF086  }
0x1c: {  	p1 =	slt.u32 s9, $0xF7A;
	s5 =	simm.s32 @!p2 $0x0  }
0x1d: {  	s5 =	simm.s32 @p1 $0x1;
	p0 =	seq.s32 s7, s2  }
0x1e: {  	s7 =	smul.u32 @!p0 $0xF7A, s2;
	p2 =	seq.s32 @!p0 s5, $0x0  }
0x1f: {  	s9 =	smul.u32 $0xF7A, s1;
	s8 =	simm.s32 @!p0 $0x1BF5;
	p2 =	por !p2, p0  }
0x20: {  	[sflag:s8] =	ssyncset.s32 @!p0 $0xFFFFF086;
	s6 =	sadd.s32 @!p0 s3, s7;
	s7 =	simm.s32 @!p0 $0x108  }
0x21: {  	s3 =	sadd.s32 s3, s9;
	s6 =	sadd.s32 @!p0 $0x88, s6;
	s7 =	simm.s32 @p2 $0x1082  }
0x22: {  	[simem:s7], [sflag:s8] =	dma.local @!p0 [hbm:s6], $0xF7A  }
0x23: {  	s9 =	sor.u32 $0xD0000000, s2;
	s6 =	simm.s32 $0x108;
	_ =	swait.ge @!p0 [sflag:s8], $0x0  }
0x24: {  	s3 =	sadd.s32 $0x88, s3;
	s6 =	simm.s32 @!p1 $0x1082;
	[sflag:s4] =	ssyncset.s32 $0xFFFFF086  }
0x25: {  	[simem:s6], [sflag:s4] =	dma.local [hbm:s3], $0xF7A  }
0x26: {  	[smem:$0x3F95] =	sst s1;
	(tag) =	ssettag s2;
	_ =	strace s9  }
0x27: {  	s1 =	sld [smem:$0x3FA5]  }
0x28: {  	s2 =	sld [smem:$0x3FA6]  }
0x29: {  	s4 =	sld [smem:$0x3FA8]  }
0x2a: {  	p0 =	seq.s32 s5, $0x0;
	s5 =	sld [smem:$0x3FA9]  }
0x2b: {  	s6 =	sld [smem:$0x3FAA]  }
0x2c: {  	s7 =	sld [smem:$0x3FAB]  }
0x2d: {  	s3 =	simm.s32 $0x108;
	s8 =	sld [smem:$0x3FAC]  }
0x2e: {  	s3 =	simm.s32 @!p0 $0x1082;
	s9 =	sld [smem:$0x3FAD]  }
0x2f: {  	lr =	sadd.s32 s0, s3;
	s0 =	sld [smem:$0x3FA4]  }
0x30: {  	s3 =	sld [smem:$0x3FA7]  }
0x31: {  	[smem:$0x3FB0] =	sst s10  }
0x32: {  	s10 =	sld [smem:$0x3FAE];
	_ =	sdelay $0x3  }
0x33: {  	p0 =	seq.s32 s10, $0x1;
	s10 =	sld [smem:$0x3FB0];
	_ =	sdelay $0x3  }
0x34: {  	[smem:$0x3FB0] =	sst s10  }
0x35: {  	s10 =	sld [smem:$0x3FAF];
	_ =	sdelay $0x3  }
0x36: {  	p1 =	seq.s32 s10, $0x1;
	s10 =	sld [smem:$0x3FB0];
	_ =	sdelay $0x3  }
0x37: {  	[smem:$0x3FB0] =	sst s10  }
0x38: {  	s10 =	sld [smem:$0x3FB1]  }
0x39: {  	_ = 	snop;
	(pc) =	sbr.ind lr, $3  }
0x3a: {  	_ = 	snop  }
0x3b: {  	_ = 	snop  }
0x3c: {  	p2 =	seq.s32 s10, $0x1;
	s10 =	sld [smem:$0x3FB0]  }
0x3d: {  	_ =	shalt  }
0x3e: {  	_ =	shalt  }
0x3f: {  	_ =	shalt  }
0x40: {  	_ =	shalt  }
0x41: {  	_ =	shalt  }
0x42: {  	_ =	shalt  }
0x43: {  	_ =	shalt  }
0x44: {  	_ =	shalt  }
0x45: {  	_ =	shalt  }
0x46: {  	_ =	shalt  }
0x47: {  	_ =	shalt  }
0x48: {  	_ =	shalt  }
0x49: {  	_ =	shalt  }
0x4a: {  	_ =	shalt  }
0x4b: {  	_ =	shalt  }
0x4c: {  	_ =	shalt  }
0x4d: {  	_ =	shalt  }
0x4e: {  	_ =	shalt  }
0x4f: {  	_ =	shalt  }
0x50: {  	_ =	shalt  }
0x51: {  	_ =	shalt  }
0x52: {  	_ =	shalt  }
0x53: {  	_ =	shalt  }
0x54: {  	_ =	shalt  }
0x55: {  	_ =	shalt  }
0x56: {  	_ =	shalt  }
0x57: {  	_ =	shalt  }
0x58: {  	_ =	shalt  }
0x59: {  	_ =	shalt  }
0x5a: {  	_ =	shalt  }
0x5b: {  	_ =	shalt  }
0x5c: {  	_ =	shalt  }
0x5d: {  	_ =	shalt  }
0x5e: {  	_ =	shalt  }
0x5f: {  	_ =	shalt  }
0x60: {  	_ =	shalt  }
0x61: {  	_ =	shalt  }
0x62: {  	_ =	shalt  }
0x63: {  	_ =	shalt  }
0x64: {  	_ =	shalt  }
0x65: {  	_ =	shalt  }
0x66: {  	_ =	shalt  }
0x67: {  	_ =	shalt  }
0x68: {  	_ =	shalt  }
0x69: {  	_ =	shalt  }
0x6a: {  	_ =	shalt  }
0x6b: {  	_ =	shalt  }
0x6c: {  	_ =	shalt  }
0x6d: {  	_ =	shalt  }
0x6e: {  	_ =	shalt  }
0x6f: {  	_ =	shalt  }
0x70: {  	_ =	shalt  }
0x71: {  	_ =	shalt  }
0x72: {  	_ =	shalt  }
0x73: {  	_ =	shalt  }
0x74: {  	_ =	shalt  }
0x75: {  	_ =	shalt  }
0x76: {  	_ =	shalt  }
0x77: {  	_ =	shalt  }
0x78: {  	_ =	shalt  }
0x79: {  	_ =	shalt  }
0x7a: {  	_ =	shalt  }
0x7b: {  	_ =	shalt  }
0x7c: {  	_ =	shalt  }
0x7d: {  	_ =	shalt  }
0x7e: {  	_ =	shalt  }
0x7f: {  	_ =	shalt  }
0x80: {  	_ =	shalt  }
0x81: {  	_ =	shalt  }
0x82: {  	_ =	shalt  }
0x83: {  	_ =	shalt  }
0x84: {  	_ =	shalt  }
0x85: {  	_ =	shalt  }
0x86: {  	_ =	shalt  }
0x87: {  	_ =	shalt  }
.Lfunc_end0:
.L_simem_size_0:
called_computation_lowered:
.L_overlay_start_0:
0x88: {  	s2 =	sld [smem:$0x3FD9]  }
0x89: {  	s3 =	sld [smem:$0x3FFE];
	_ =	sdelay $0x1  }
0x8a: {  	s1 =	srdreg.scid  }
0x8b: {  	s0 =	sand.u32 $0x1, s1  }
0x8c: {  	s16 =	sshll.u32 s0, $0xA;
	s2 =	sadd.s32 s3, s2  }
0x8d: {  	s2 =	sadd.s32 s2, s16  }
0x8e: {  	[smem:$0x3FBC] =	sst s2  }
0x8f: {  	_ = 	snop  }
0x90: {  	(tm) =	ssettm $0x1  }
0x91: {  	s17 =	sld [smem:$0x3FFB];
	_ =	sdelay $0x3  }
0x92: {  	_ =	strace s17  }
0x93: {  	s2 =	sld [smem:$0x3FFC];
	_ =	sdelay $0x3  }
0x94: {  	_ =	strace s2  }
0x95: {  	s2 =	sld [smem:$0x3FFD];
	_ =	sdelay $0x3  }
0x96: {  	_ =	strace s2  }
0x97: {  	_ =	strace $0x8FFFFFFF  }
0x98: {  	s18 =	sld [smem:$0x3FDB];
	_ =	sdelay $0x1  }
0x99: {  	s19 =	simm.s32 $_scs_section_size  }
0x9a: {  	s4 =	simm.s32 $_size__tile_overlayer_lowered;
	s5 =	simm.s32 $_tile_overlayer_lowered  }
0x9b: {  	s22 =	simm.s32 $0x1BFF;
	s21 =	sshll.u32 s5, $0x1;
	s2 =	sadd.s32 s19, s18  }
0x9c: {  	s6 =	simm.s32 $0x0;
	s20 =	sshll.u32 s4, $0x1;
	s4 =	sadd.s32 s21, s2  }
0x9d: {  	[timem:s6], [sflag:s22] =	dma.local [hbm:s4], s20  }
0x9e: {  	_ =	swait.ge [sflag:s22], s20  }
0x9f: {  	s3 =	ssub.s32 $0x0, s20;
	[sflag:s22] =	ssyncset.done $0x0  }
0xa0: {  	[sflag:s22] =	ssyncadd.s32 s3;
	_ =	sdelay $0x1  }
0xa1: {  	s23 =	simm.s32 $0x1B8B  }
0xa2: {  	_ =	swait.ge [sflag:s23], $0x1  }
0xa3: {  	[sflag:s23] =	ssyncset.done $0x0  }
0xa4: {  	s25 =	simm.s32 $0x1B8E;
	s24 =	sld [smem:$0x3FFE];
	[sflag:s23] =	ssyncadd.s32 $0xFFFFFFFF  }
0xa5: {  	s26 =	simm.s32 $execute0_lowered;
	[smem:$0x3FD2] =	sst s25  }
0xa6: {  	s4 =	sshll.u32 s26, $0x1;
	_ =	strace $0x80000046;
	[dreg:$0x1] =	wrdreg $0xFFFFFFFF  }
0xa7: {  	s28 =	simm.s32 $_size_execute0_lowered;
	s2 =	sadd.s32 s2, s4;
	[dreg:$0x0] =	wrdreg $0x0  }
0xa8: {  	s4 =	sshll.u32 s28, $0x1;
	[dreg:$0x2] =	wrdreg s2  }
0xa9: {  	[dreg:$0x3] =	wrdreg s4  }
0xaa: {  	[dreg:$0x4] =	wrdreg $0xC0  }
0xab: {  	_ =	task [dreg:s6], $0x5FFFF  }
0xac: {  	[dreg:$0x1] =	wrdreg $0xFFFFFFFF  }
0xad: {  	[dreg:$0x0] =	wrdreg $0x60  }
0xae: {  	[dreg:$0x2] =	wrdreg s24  }
0xaf: {  	[dreg:$0x3] =	wrdreg $0xA8000  }
0xb0: {  	[dreg:$0x4] =	wrdreg $0x9  }
0xb1: {  	_ =	task.clear_ibuf [dreg:s6], $0x5FFFF;
	_ =	strace $0x90000046  }
0xb2: {  	s29 =	simm.s32 $0x9;
	_ =	strace $0x80000048  }
0xb3: {  	_ =	swait.ge [sflag:s29], $0x1  }
0xb4: {  	[sflag:s29] =	ssyncadd.s32 $0xFFFFFFFF  }
0xb5: {  	_ =	strace $0x90000048  }
0xb6: {  	_ =	sfence  }
0xb7: {  	s30 =	sld [smem:$0x0];
	_ =	sdelay $0x2  }
0xb8: {  	s31 =	sshll.u32 s1, $0xD;
	s1 =	sshrl.u32 s1, $0x2  }
0xb9: {  	s3 =	sand.u32 $0x4000, s31;
	s1 =	sadd.s32 s1, s30  }
0xba: {  	s0 =	sor.u32 s3, s0;
	s1 =	sshll.u32 s1, $0x11  }
0xbb: {  	s0 =	sor.u32 s1, s0  }
0xbc: {  	s0 =	sadd.s32 $0x8F2B, s0  }
0xbd: {  	[sflag:s0] =	ssyncadd.remote.s32 $0x1  }
0xbe: {  	_ =	sfence.sel $0xFFFF  }
0xbf: {  	[dreg:$0x0] =	wrdreg $0xFFFFFFFF;
	(pc) =	sbr.abs _section_cstart, $3  }
0xc0: {  	[dreg:$0x1] =	wrdreg $0xFFFFFFFF  }
0xc1: {  	_ =	task.clear_ibuf [dreg:s6], $0x2FFFF;
	_ =	strace $0x9FFFFFFF  }
0xc2: {  	(tm) =	ssettm $0x7FFFFFFF  }
0xc3: {  	_ =	shalt  }
tec
execute0_lowered:
.L_overlay_start_1:
0x0: {  	(tag) =	ssettag $0x1  }
0x1: {  	s8 =	rddreg [dreg:$0x0]  }
0x2: {  	s1 =	rddreg [dreg:$0x1];
	s3 =	simm.s32 $0x0;
	s0 =	stileid.u32  }
0x3: {  	s6 =	srdreg.scid;
	s18 =	simm.s32 $0x1400;
	s19 =	simm.s32 $0x80  }
0x4: {  	s20 =	simm.s32 $0x2800;
	s21 =	simm.s32 $0x6800;
	s22 =	simm.s32 $0x1  }
0x5: {  	s23 =	simm.s32 $0x2;
	s28 =	simm.s32 $0x0;
	[smem:$0x7FF] =	sst s3  }
0x6: {  	s4 =	sadd.s32 $0x2E00, s8;
	s5 =	smul.u32 $0x2700, s0;
	s6 =	sand.u32 $0x1, s6  }
0x7: {  	s11 =	sadd.s32 $0x2A000, s8;
	s12 =	sadd.s32 $0x34000, s8;
	s13 =	smul.u32 $0x4E000, s0  }
0x8: {  	s15 =	sshll.u32 s0, $0x1;
	s30 =	sshll.u32 s0, $0x6;
	s17 =	sadd.s32 $0x138000, s1  }
0x9: {  	p0 =	sne.s32 s0, $0xF;
	_ =	strace $0x80000047;
	s7 =	smul.u32 $0x27100, s6  }
0xa: {  	s10 =	ssub.s32 $0x2, s6;
	s25 =	sor.u32 s6, s15;
	s17 =	sshrl.u32 @!p0 s17, $0x3  }
0xb: {  	s9 =	sadd.s32 s5, s8;
	s24 =	sshrl.u32 s10, $0x1;
	s26 =	sshrl.u32 s13, $0x2  }
0xc: {  	s31 =	smul.u32 $0x2800, s25;
	s14 =	sadd.s32 s7, s8;
	s16 =	ssub.s32 s10, s24  }
0xd: {  	s29 =	sadd.s32 s26, s1;
	s6 =	sadd.s32 $0x3E000, s9;
	s7 =	sor.u32 $0x1C03, s30  }
0xe: {  	s10 =	smul.u32 $0x500, s25;
	s8 =	sadd.s32 $0x65000, s8;
	s24 =	simm.s32 $0x1380  }
0xf: {  	s25 =	simm.s32 $0x2700;
	s26 =	simm.s32 $0x2780;
	s13 =	sshrl.u32 s31, $0x3  }
0x10: {  	s15 =	sshrl.u32 s29, $0x3;
	s9 =	sadd.s32 s11, s10;
	s13 =	sadd.s32 $0x280, s13  }
0x11: {  	s10 =	sadd.s32 s12, s10;
	s11 =	sadd.s32 s11, s13;
	s12 =	sadd.s32 s12, s13  }
0x12: {  	s13 =	sadd.s32 $0x65200, s14;
	s14 =	smax.u32 s16, $0x1;
	s16 =	simm.s32 $0x3  }
.LBB2_1:
0x13: {  	[spmem:s15], [sflag:s7] =	dma.local [hbm:s6], $0x2700  }
0x14: {  	_ =	swait.ge [sflag:s16], $0x2700  }
0x15: {  	[sflag:s16] =	ssyncset.done $0x0  }
0x16: {  	s29 =	simm.s32 @!p0 $0x3;
	[sflag:s16] =	ssyncadd.s32 $0xFFFFD900  }
0x17: {  	[spmem:s17], [sflag:s7] =	dma.local @!p0 [hbm:s8], $0x100  }
0x18: {  	_ =	swait.ge @!p0 [sflag:s29], $0x100  }
0x19: {  	[sflag:s29] =	ssyncset.done @!p0 $0x0  }
0x1a: {  	[sflag:s29] =	ssyncadd.s32 @!p0 $0xFFFFFF00  }
0x1b: {  	[bflag:$0x0] =	sbarrier.arrive $0xFFFF  }
0x1c: {  	[tilespmem:s3], [sflag:$0x3] =	stream.linear.gather [hbm4b:s9+s3], $0x1400, $0x38;
	[tilespmem:$0x1E480] =	vst v63  }
0x1d: {  	_ =	swait.ge [sflag:s16], $0x1400  }
0x1e: {  	[sflag:s16] =	ssyncset.done $0x0  }
0x1f: {  	[sflag:s16] =	ssyncadd.s32 $0xFFFFEC00  }
0x20: {  	[tilespmem:s18], [sflag:$0x3] =	stream.linear.gather [hbm4b:s10+s3], $0x1400, $0x38;
	[tilespmem:$0x1E480] =	vst v63  }
0x21: {  	_ =	swait.ge [sflag:s16], $0x1400  }
0x22: {  	[sflag:s16] =	ssyncset.done $0x0  }
0x23: {  	[sflag:s16] =	ssyncadd.s32 $0xFFFFEC00  }
0x24: {  	[tilespmem:s20], [sflag:$0x1] =	stream.indirect.gather [hbm4b:s4+s19], $0x80, s3, s19, $0xb8;
	[tilespmem:$0x1E480] =	vst v63  }
0x25: {  	s29 =	simm.s32 $0x80  }
0x26: {  	[tilespmem:s21], [sflag:$0x2] =	stream.indirect.gather [hbm4b:s4+s19], $0x80, s29, s19, $0xb8;
	[tilespmem:$0x1E480] =	vst v63  }
0x27: {  	_ =	swait.ge [sflag:s22], $0x4000  }
0x28: {  	[sflag:s22] =	ssyncset.done $0x0  }
0x29: {  	s29 =	simm.s32 $0x1400;
	[sflag:s22] =	ssyncadd.s32 $0xFFFFC000  }
0x2a: {  	[spmem:s1] =	stream.indirect.scatter.add.f32 [tilespmem:s20], [sflag:$0x3], $0x80, s29, s19, $0xb8;
	[tilespmem:$0x1E480] =	vst v63  }
0x2b: {  	_ =	swait.ge [sflag:s16], $0x4000  }
0x2c: {  	[sflag:s16] =	ssyncset.done $0x0  }
0x2d: {  	s29 =	simm.s32 $0x100;
	[sflag:s16] =	ssyncadd.s32 $0xFFFFC000  }
0x2e: {  	[tilespmem:s20], [sflag:$0x1] =	stream.indirect.gather [hbm4b:s4+s19], $0x80, s29, s19, $0xb8;
	[tilespmem:$0x1E480] =	vst v63  }
0x2f: {  	_ =	swait.ge [sflag:s23], $0x4000  }
0x30: {  	[sflag:s23] =	ssyncset.done $0x0  }
0x31: {  	s29 =	simm.s32 $0x1480;
	[sflag:s23] =	ssyncadd.s32 $0xFFFFC000  }
0x32: {  	[spmem:s1] =	stream.indirect.scatter.add.f32 [tilespmem:s21], [sflag:$0x3], $0x80, s29, s19, $0xb8;
	[tilespmem:$0x1E480] =	vst v63  }
0x33: {  	_ =	swait.ge [sflag:s16], $0x4000  }
0x34: {  	s30 =	simm.s32 $0x800;
	s29 =	simm.s32 $0x100;
	[sflag:s16] =	ssyncset.done $0x0  }
.LBB2_2:
0x35: {  	s31 =	sadd.s32 $0x80, s29  }
0x36: {  	[sflag:s16] =	ssyncadd.s32 $0xFFFFC000;
	s0 =	smov.u32 s30;
	s2 =	sadd.s32 $0x400, s30  }
0x37: {  	[tilespmem:s21], [sflag:$0x2] =	stream.indirect.gather [hbm4b:s4+s19], $0x80, s31, s19, $0xb8;
	[tilespmem:$0x1E480] =	vst v63  }
0x38: {  	p1 =	sne.s32 s30, $0x4800;
	_ =	swait.ge [sflag:s22], $0x4000  }
0x39: {  	[sflag:s22] =	ssyncset.done $0x0  }
0x3a: {  	s30 =	sadd.s32 $0x1400, s29;
	[sflag:s22] =	ssyncadd.s32 $0xFFFFC000  }
0x3b: {  	[spmem:s1] =	stream.indirect.scatter.add.f32 [tilespmem:s20], [sflag:$0x3], $0x80, s30, s19, $0xb8;
	[tilespmem:$0x1E480] =	vst v63  }
0x3c: {  	_ =	swait.ge [sflag:s16], $0x4000  }
0x3d: {  	[sflag:s16] =	ssyncset.done $0x0  }
0x3e: {  	s30 =	sadd.s32 $0x100, s29;
	[sflag:s16] =	ssyncadd.s32 $0xFFFFC000  }
0x3f: {  	[tilespmem:s20], [sflag:$0x1] =	stream.indirect.gather [hbm4b:s4+s19], $0x80, s30, s19, $0xb8;
	[tilespmem:$0x1E480] =	vst v63  }
0x40: {  	_ =	swait.ge [sflag:s23], $0x4000  }
.Ltmp0:
0x41: {  	[sflag:s23] =	ssyncset.done $0x0;
	(pc) =	sbr.rel @p1 .LBB2_2-.Ltmp0, $4  }
0x42: {  	s29 =	sadd.s32 $0x1480, s29;
	[sflag:s23] =	ssyncadd.s32 $0xFFFFC000  }
0x43: {  	[spmem:s1] =	stream.indirect.scatter.add.f32 [tilespmem:s21], [sflag:$0x3], $0x80, s29, s19, $0xb8;
	[tilespmem:$0x1E480] =	vst v63  }
0x44: {  	_ =	swait.ge [sflag:s16], $0x4000  }
0x45: {  	s30 =	smov.u32 s2;
	s29 =	sshra.s32 s0, $0x2;
	[sflag:s16] =	ssyncset.done $0x0  }
0x46: {  	s0 =	sadd.s32 $0x80, s29;
	[sflag:s16] =	ssyncadd.s32 $0xFFFFC000  }
0x47: {  	[tilespmem:s21], [sflag:$0x2] =	stream.indirect.gather [hbm4b:s4+s19], $0x80, s0, s19, $0xb8;
	[tilespmem:$0x1E480] =	vst v63  }
0x48: {  	_ =	swait.ge [sflag:s22], $0x4000  }
0x49: {  	[sflag:s22] =	ssyncset.done $0x0  }
0x4a: {  	s2 =	sadd.s32 $0x1400, s29;
	[sflag:s22] =	ssyncadd.s32 $0xFFFFC000  }
0x4b: {  	[spmem:s1] =	stream.indirect.scatter.add.f32 [tilespmem:s20], [sflag:$0x3], $0x80, s2, s19, $0xb8;
	[tilespmem:$0x1E480] =	vst v63  }
0x4c: {  	_ =	swait.ge [sflag:s16], $0x4000  }
0x4d: {  	[sflag:s16] =	ssyncset.done $0x0  }
0x4e: {  	s31 =	sadd.s32 $0x100, s29;
	[sflag:s16] =	ssyncadd.s32 $0xFFFFC000  }
0x4f: {  	[tilespmem:s20], [sflag:$0x1] =	stream.indirect.gather [hbm4b:s4+s19], $0x80, s31, s19, $0xb8;
	[tilespmem:$0x1E480] =	vst v63  }
0x50: {  	_ =	swait.ge [sflag:s23], $0x4000  }
0x51: {  	[sflag:s23] =	ssyncset.done $0x0  }
0x52: {  	s2 =	sadd.s32 $0x1480, s29;
	[sflag:s23] =	ssyncadd.s32 $0xFFFFC000  }
0x53: {  	[spmem:s1] =	stream.indirect.scatter.add.f32 [tilespmem:s21], [sflag:$0x3], $0x80, s2, s19, $0xb8;
	[tilespmem:$0x1E480] =	vst v63  }
0x54: {  	_ =	swait.ge [sflag:s16], $0x4000  }
0x55: {  	[sflag:s16] =	ssyncset.done $0x0  }
0x56: {  	[sflag:s16] =	ssyncadd.s32 $0xFFFFC000  }
0x57: {  	[tilespmem:s21], [sflag:$0x2] =	stream.indirect.gather [hbm4b:s4+s19], $0x80, s24, s19, $0xb8;
	[tilespmem:$0x1E480] =	vst v63  }
0x58: {  	_ =	swait.ge [sflag:s22], $0x4000  }
0x59: {  	[sflag:s22] =	ssyncset.done $0x0  }
0x5a: {  	[sflag:s22] =	ssyncadd.s32 $0xFFFFC000  }
0x5b: {  	[spmem:s1] =	stream.indirect.scatter.add.f32 [tilespmem:s20], [sflag:$0x3], $0x80, s25, s19, $0xb8;
	[tilespmem:$0x1E480] =	vst v63  }
0x5c: {  	_ =	swait.ge [sflag:s16], $0x4000  }
0x5d: {  	[sflag:s16] =	ssyncset.done $0x0  }
0x5e: {  	[sflag:s16] =	ssyncadd.s32 $0xFFFFC000  }
0x5f: {  	_ =	swait.ge [sflag:s23], $0x4000  }
0x60: {  	[sflag:s23] =	ssyncset.done $0x0  }
0x61: {  	[sflag:s23] =	ssyncadd.s32 $0xFFFFC000  }
0x62: {  	[spmem:s1] =	stream.indirect.scatter.add.f32 [tilespmem:s21], [sflag:$0x3], $0x80, s26, s19, $0xb8;
	[tilespmem:$0x1E480] =	vst v63  }
0x63: {  	_ =	swait.ge [sflag:s16], $0x4000  }
0x64: {  	[sflag:s16] =	ssyncset.done $0x0  }
0x65: {  	s31 =	simm.s32 $0x0;
	[sflag:s16] =	ssyncadd.s32 $0xFFFFC000  }
0x66: {  	[tilespmem:s31], [sflag:$0x3] =	stream.linear.gather [hbm4b:s11+s31], $0x1400, $0x38;
	[tilespmem:$0x1E480] =	vst v63  }
0x67: {  	_ =	swait.ge [sflag:s16], $0x1400  }
0x68: {  	[sflag:s16] =	ssyncset.done $0x0  }
0x69: {  	[sflag:s16] =	ssyncadd.s32 $0xFFFFEC00  }
0x6a: {  	[tilespmem:s18], [sflag:$0x3] =	stream.linear.gather [hbm4b:s12+s31], $0x1400, $0x38;
	[tilespmem:$0x1E480] =	vst v63  }
0x6b: {  	_ =	swait.ge [sflag:s16], $0x1400  }
0x6c: {  	[sflag:s16] =	ssyncset.done $0x0  }
0x6d: {  	[sflag:s16] =	ssyncadd.s32 $0xFFFFEC00  }
0x6e: {  	[tilespmem:s20], [sflag:$0x1] =	stream.indirect.gather [hbm4b:s4+s19], $0x80, s31, s19, $0xb8;
	[tilespmem:$0x1E480] =	vst v63  }
0x6f: {  	s2 =	simm.s32 $0x80  }
0x70: {  	[tilespmem:s21], [sflag:$0x2] =	stream.indirect.gather [hbm4b:s4+s19], $0x80, s2, s19, $0xb8;
	[tilespmem:$0x1E480] =	vst v63  }
0x71: {  	_ =	swait.ge [sflag:s22], $0x4000  }
0x72: {  	[sflag:s22] =	ssyncset.done $0x0  }
0x73: {  	s31 =	simm.s32 $0x1400;
	[sflag:s22] =	ssyncadd.s32 $0xFFFFC000  }
0x74: {  	[spmem:s1] =	stream.indirect.scatter.add.f32 [tilespmem:s20], [sflag:$0x3], $0x80, s31, s19, $0xb8;
	[tilespmem:$0x1E480] =	vst v63  }
0x75: {  	_ =	swait.ge [sflag:s16], $0x4000  }
0x76: {  	[sflag:s16] =	ssyncset.done $0x0  }
0x77: {  	s2 =	simm.s32 $0x100;
	[sflag:s16] =	ssyncadd.s32 $0xFFFFC000  }
0x78: {  	[tilespmem:s20], [sflag:$0x1] =	stream.indirect.gather [hbm4b:s4+s19], $0x80, s2, s19, $0xb8;
	[tilespmem:$0x1E480] =	vst v63  }
0x79: {  	_ =	swait.ge [sflag:s23], $0x4000  }
0x7a: {  	[sflag:s23] =	ssyncset.done $0x0  }
0x7b: {  	s31 =	simm.s32 $0x1480;
	[sflag:s23] =	ssyncadd.s32 $0xFFFFC000  }
0x7c: {  	[spmem:s1] =	stream.indirect.scatter.add.f32 [tilespmem:s21], [sflag:$0x3], $0x80, s31, s19, $0xb8;
	[tilespmem:$0x1E480] =	vst v63  }
0x7d: {  	_ =	swait.ge [sflag:s16], $0x4000  }
0x7e: {  	s30 =	simm.s32 $0x800;
	s29 =	simm.s32 $0x100;
	[sflag:s16] =	ssyncset.done $0x0  }
.LBB2_4:
0x7f: {  	s0 =	sadd.s32 $0x80, s29  }
0x80: {  	[sflag:s16] =	ssyncadd.s32 $0xFFFFC000;
	s2 =	smov.u32 s30;
	s31 =	sadd.s32 $0x400, s30  }
0x81: {  	[tilespmem:s21], [sflag:$0x2] =	stream.indirect.gather [hbm4b:s4+s19], $0x80, s0, s19, $0xb8;
	[tilespmem:$0x1E480] =	vst v63  }
0x82: {  	p1 =	sne.s32 s30, $0x4800;
	_ =	swait.ge [sflag:s22], $0x4000  }
0x83: {  	[sflag:s22] =	ssyncset.done $0x0  }
0x84: {  	s0 =	sadd.s32 $0x1400, s29;
	[sflag:s22] =	ssyncadd.s32 $0xFFFFC000  }
0x85: {  	[spmem:s1] =	stream.indirect.scatter.add.f32 [tilespmem:s20], [sflag:$0x3], $0x80, s0, s19, $0xb8;
	[tilespmem:$0x1E480] =	vst v63  }
0x86: {  	_ =	swait.ge [sflag:s16], $0x4000  }
0x87: {  	[sflag:s16] =	ssyncset.done $0x0  }
0x88: {  	s0 =	sadd.s32 $0x100, s29;
	[sflag:s16] =	ssyncadd.s32 $0xFFFFC000  }
0x89: {  	[tilespmem:s20], [sflag:$0x1] =	stream.indirect.gather [hbm4b:s4+s19], $0x80, s0, s19, $0xb8;
	[tilespmem:$0x1E480] =	vst v63  }
0x8a: {  	_ =	swait.ge [sflag:s23], $0x4000  }
.Ltmp1:
0x8b: {  	[sflag:s23] =	ssyncset.done $0x0;
	(pc) =	sbr.rel @p1 .LBB2_4-.Ltmp1, $4  }
0x8c: {  	s0 =	sadd.s32 $0x1480, s29;
	[sflag:s23] =	ssyncadd.s32 $0xFFFFC000  }
0x8d: {  	[spmem:s1] =	stream.indirect.scatter.add.f32 [tilespmem:s21], [sflag:$0x3], $0x80, s0, s19, $0xb8;
	[tilespmem:$0x1E480] =	vst v63  }
0x8e: {  	_ =	swait.ge [sflag:s16], $0x4000  }
0x8f: {  	s30 =	smov.u32 s31;
	s29 =	sshra.s32 s2, $0x2;
	[sflag:s16] =	ssyncset.done $0x0  }
0x90: {  	s0 =	sadd.s32 $0x80, s29;
	[sflag:s16] =	ssyncadd.s32 $0xFFFFC000  }
0x91: {  	[tilespmem:s21], [sflag:$0x2] =	stream.indirect.gather [hbm4b:s4+s19], $0x80, s0, s19, $0xb8;
	[tilespmem:$0x1E480] =	vst v63  }
0x92: {  	_ =	swait.ge [sflag:s22], $0x4000  }
0x93: {  	[sflag:s22] =	ssyncset.done $0x0  }
0x94: {  	s31 =	sadd.s32 $0x1400, s29;
	[sflag:s22] =	ssyncadd.s32 $0xFFFFC000  }
0x95: {  	[spmem:s1] =	stream.indirect.scatter.add.f32 [tilespmem:s20], [sflag:$0x3], $0x80, s31, s19, $0xb8;
	[tilespmem:$0x1E480] =	vst v63  }
0x96: {  	_ =	swait.ge [sflag:s16], $0x4000  }
0x97: {  	[sflag:s16] =	ssyncset.done $0x0  }
0x98: {  	s2 =	sadd.s32 $0x100, s29;
	[sflag:s16] =	ssyncadd.s32 $0xFFFFC000  }
0x99: {  	[tilespmem:s20], [sflag:$0x1] =	stream.indirect.gather [hbm4b:s4+s19], $0x80, s2, s19, $0xb8;
	[tilespmem:$0x1E480] =	vst v63  }
0x9a: {  	_ =	swait.ge [sflag:s23], $0x4000  }
0x9b: {  	[sflag:s23] =	ssyncset.done $0x0  }
0x9c: {  	s30 =	sadd.s32 $0x1480, s29;
	[sflag:s23] =	ssyncadd.s32 $0xFFFFC000  }
0x9d: {  	[spmem:s1] =	stream.indirect.scatter.add.f32 [tilespmem:s21], [sflag:$0x3], $0x80, s30, s19, $0xb8;
	[tilespmem:$0x1E480] =	vst v63  }
0x9e: {  	_ =	swait.ge [sflag:s16], $0x4000  }
0x9f: {  	[sflag:s16] =	ssyncset.done $0x0  }
0xa0: {  	[sflag:s16] =	ssyncadd.s32 $0xFFFFC000  }
0xa1: {  	[tilespmem:s21], [sflag:$0x2] =	stream.indirect.gather [hbm4b:s4+s19], $0x80, s24, s19, $0xb8;
	[tilespmem:$0x1E480] =	vst v63  }
0xa2: {  	_ =	swait.ge [sflag:s22], $0x4000  }
0xa3: {  	[sflag:s22] =	ssyncset.done $0x0  }
0xa4: {  	[sflag:s22] =	ssyncadd.s32 $0xFFFFC000  }
0xa5: {  	[spmem:s1] =	stream.indirect.scatter.add.f32 [tilespmem:s20], [sflag:$0x3], $0x80, s25, s19, $0xb8;
	[tilespmem:$0x1E480] =	vst v63  }
0xa6: {  	_ =	swait.ge [sflag:s16], $0x4000  }
0xa7: {  	[sflag:s16] =	ssyncset.done $0x0  }
0xa8: {  	[sflag:s16] =	ssyncadd.s32 $0xFFFFC000  }
0xa9: {  	_ =	swait.ge [sflag:s23], $0x4000  }
0xaa: {  	[sflag:s23] =	ssyncset.done $0x0  }
0xab: {  	[sflag:s23] =	ssyncadd.s32 $0xFFFFC000  }
0xac: {  	[spmem:s1] =	stream.indirect.scatter.add.f32 [tilespmem:s21], [sflag:$0x3], $0x80, s26, s19, $0xb8;
	[tilespmem:$0x1E480] =	vst v63  }
0xad: {  	_ =	swait.ge [sflag:s16], $0x4000  }
0xae: {  	[sflag:s16] =	ssyncset.done $0x0  }
0xaf: {  	[sflag:s16] =	ssyncadd.s32 $0xFFFFC000  }
0xb0: {  	s31 =	sadd.s32 s5, s13;
	[bflag:$0x0] =	sbarrier.arrive $0xFFFF  }
0xb1: {  	[hbm:s31], [sflag:s7] =	dma.local [spmem:s15], $0x2700  }
0xb2: {  	_ =	swait.ge [sflag:s16], $0x2700  }
0xb3: {  	s28 =	sadd.s32 $0x1, s28;
	[sflag:s16] =	ssyncset.done $0x0  }
0xb4: {  	s0 =	sadd.s32 @!p0 $0x27000, s13;
	p1 =	sne.s32 s28, s14;
	[sflag:s16] =	ssyncadd.s32 $0xFFFFD900  }
0xb5: {  	[hbm:s0], [sflag:s7] =	dma.local @!p0 [spmem:s17], $0x100  }
.Ltmp2:
0xb6: {  	_ = 	snop;
	(pc) =	sbr.rel @p1 .LBB2_1-.Ltmp2, $4  }
0xb7: {  	s0 =	simm.s32 @!p0 $0x3  }
0xb8: {  	_ =	swait.ge @!p0 [sflag:s0], $0x100  }
0xb9: {  	[sflag:s0] =	ssyncset.done @!p0 $0x0  }
0xba: {  	[sflag:s0] =	ssyncadd.s32 @!p0 $0xFFFFFF00  }
0xbb: {  	_ =	sfence.sel $0x180000  }
0xbc: {  	[bflag:$0x0] =	sbarrier.arrive $0xFFFF  }
0xbd: {  	_ =	strace $0x90000047  }
0xbe: {  	s0 =	stileid.u32;
	[bflag:$0x2] =	sbarrier.arrive $0xFFFF  }
0xbf: {  	p0 =	sne.s32 s0, $0x0;
	s0 =	rddreg [dreg:$0x2]  }
0xc0: {  	s0 =	sadd.s32 @!p0 $0x100000, s0  }
0xc1: {  	[sflag:s0] =	ssyncadd.tile.s32 @!p0 $0x1;
	_ =	shalt  }
.Lfunc_end2:
_tile_overlayer_lowered:
.L_overlay_start_2:
0xc2: {  	(tag) =	ssettag $0x2  }
0xc3: {  	s0 =	rddreg [dreg:$0x0];
	s2 =	stileid.u32  }
0xc4: {  	s1 =	rddreg [dreg:$0x1];
	p0 =	sne.s32 s2, $0x0  }
0xc5: {  	s3 =	rddreg [dreg:$0x2];
	[bflag:$0x3] =	sbarrier.arrive $0xFFFF;
	s2 =	simm.s32 @!p0 $0x1C03  }
0xc6: {  	[timem:s3], [sflag:s2] =	dma.local @!p0 [hbm:s0], s1  }
0xc7: {  	s0 =	simm.s32 @!p0 $0x3  }
0xc8: {  	_ =	swait.ge @!p0 [sflag:s0], s1  }
0xc9: {  	s1 =	ssub.s32 @!p0 $0x0, s1;
	[sflag:s0] =	ssyncset.done @!p0 $0x0  }
0xca: {  	[sflag:s0] =	ssyncadd.s32 @!p0 s1  }
0xcb: {  	[bflag:$0x3] =	sbarrier.arrive $0xFFFF  }
0xcc: {  	_ =	shalt  }

// kernel: kernel.16.cloned.1.call-start
scs
__scs_entry_jumppad:
0x0: {  	(pc) =	sbr.rel $0x88, $3  }
0x1: {  	(tag) =	ssettag $0x0;
	lr =	simm.s32 $0x1  }
0x2: {  	[smem:$0x3F95] =	sst lr;
	_ =	strace $0xD0000000  }
0x3: {  	_ = 	snop  }
0x4: {  	_ = 	snop  }
0x5: {  	_ = 	snop  }
0x6: {  	_ = 	snop  }
0x7: {  	_ = 	snop  }
__scs_overlays_trampoline_lowered:
0x8: {  	[smem:$0x3FA4] =	sst s0  }
0x9: {  	[smem:$0x3FA5] =	sst s1  }
0xa: {  	[smem:$0x3FA6] =	sst s2  }
0xb: {  	[smem:$0x3FA7] =	sst s3  }
0xc: {  	[smem:$0x3FA8] =	sst s4  }
0xd: {  	[smem:$0x3FA9] =	sst s5  }
0xe: {  	[smem:$0x3FAA] =	sst s6  }
0xf: {  	[smem:$0x3FAB] =	sst s7  }
0x10: {  	[smem:$0x3FAC] =	sst s8  }
0x11: {  	[smem:$0x3FAD] =	sst s9;
	s0 =	simm.s32 @!p0 $0x0  }
0x12: {  	s1 =	sld [smem:$0x3F93];
	s0 =	simm.s32 @p0 $0x1  }
0x13: {  	[smem:$0x3FAE] =	sst s0;
	s0 =	simm.s32 @!p1 $0x0  }
0x14: {  	s2 =	sld [smem:$0x3F92];
	s0 =	simm.s32 @p1 $0x1  }
0x15: {  	[smem:$0x3FAF] =	sst s0;
	s0 =	simm.s32 @!p2 $0x0  }
0x16: {  	s3 =	sld [smem:$0x3FDB];
	s0 =	simm.s32 @p2 $0x1  }
0x17: {  	s4 =	simm.s32 $0x1BF5;
	[smem:$0x3FB1] =	sst s0  }
0x18: {  	s0 =	sld [smem:$0x3F94];
	_ =	swait.ge [sflag:s4], $0x0  }
0x19: {  	s7 =	sld [smem:$0x3F95]  }
0x1a: {  	s8 =	sadd.s32 $0xFFFFE003, lr  }
0x1b: {  	s9 =	sadd.s32 $0xFFFFFEF7, lr;
	s5 =	simm.s32 $0xFFFFFFFF;
	p2 =	slt.u32 s8, $0xFFFFF086  }
0x1c: {  	p1 =	slt.u32 s9, $0xF7A;
	s5 =	simm.s32 @!p2 $0x0  }
0x1d: {  	s5 =	simm.s32 @p1 $0x1;
	p0 =	seq.s32 s7, s2  }
0x1e: {  	s7 =	smul.u32 @!p0 $0xF7A, s2;
	p2 =	seq.s32 @!p0 s5, $0x0  }
0x1f: {  	s9 =	smul.u32 $0xF7A, s1;
	s8 =	simm.s32 @!p0 $0x1BF5;
	p2 =	por !p2, p0  }
0x20: {  	[sflag:s8] =	ssyncset.s32 @!p0 $0xFFFFF086;
	s6 =	sadd.s32 @!p0 s3, s7;
	s7 =	simm.s32 @!p0 $0x108  }
0x21: {  	s3 =	sadd.s32 s3, s9;
	s6 =	sadd.s32 @!p0 $0x88, s6;
	s7 =	simm.s32 @p2 $0x1082  }
0x22: {  	[simem:s7], [sflag:s8] =	dma.local @!p0 [hbm:s6], $0xF7A  }
0x23: {  	s9 =	sor.u32 $0xD0000000, s2;
	s6 =	simm.s32 $0x108;
	_ =	swait.ge @!p0 [sflag:s8], $0x0  }
0x24: {  	s3 =	sadd.s32 $0x88, s3;
	s6 =	simm.s32 @!p1 $0x1082;
	[sflag:s4] =	ssyncset.s32 $0xFFFFF086  }
0x25: {  	[simem:s6], [sflag:s4] =	dma.local [hbm:s3], $0xF7A  }
0x26: {  	[smem:$0x3F95] =	sst s1;
	(tag) =	ssettag s2;
	_ =	strace s9  }
0x27: {  	s1 =	sld [smem:$0x3FA5]  }
0x28: {  	s2 =	sld [smem:$0x3FA6]  }
0x29: {  	s4 =	sld [smem:$0x3FA8]  }
0x2a: {  	p0 =	seq.s32 s5, $0x0;
	s5 =	sld [smem:$0x3FA9]  }
0x2b: {  	s6 =	sld [smem:$0x3FAA]  }
0x2c: {  	s7 =	sld [smem:$0x3FAB]  }
0x2d: {  	s3 =	simm.s32 $0x108;
	s8 =	sld [smem:$0x3FAC]  }
0x2e: {  	s3 =	simm.s32 @!p0 $0x1082;
	s9 =	sld [smem:$0x3FAD]  }
0x2f: {  	lr =	sadd.s32 s0, s3;
	s0 =	sld [smem:$0x3FA4]  }
0x30: {  	s3 =	sld [smem:$0x3FA7]  }
0x31: {  	[smem:$0x3FB0] =	sst s10  }
0x32: {  	s10 =	sld [smem:$0x3FAE];
	_ =	sdelay $0x3  }
0x33: {  	p0 =	seq.s32 s10, $0x1;
	s10 =	sld [smem:$0x3FB0];
	_ =	sdelay $0x3  }
0x34: {  	[smem:$0x3FB0] =	sst s10  }
0x35: {  	s10 =	sld [smem:$0x3FAF];
	_ =	sdelay $0x3  }
0x36: {  	p1 =	seq.s32 s10, $0x1;
	s10 =	sld [smem:$0x3FB0];
	_ =	sdelay $0x3  }
0x37: {  	[smem:$0x3FB0] =	sst s10  }
0x38: {  	s10 =	sld [smem:$0x3FB1]  }
0x39: {  	_ = 	snop;
	(pc) =	sbr.ind lr, $3  }
0x3a: {  	_ = 	snop  }
0x3b: {  	_ = 	snop  }
0x3c: {  	p2 =	seq.s32 s10, $0x1;
	s10 =	sld [smem:$0x3FB0]  }
0x3d: {  	_ =	shalt  }
0x3e: {  	_ =	shalt  }
0x3f: {  	_ =	shalt  }
0x40: {  	_ =	shalt  }
0x41: {  	_ =	shalt  }
0x42: {  	_ =	shalt  }
0x43: {  	_ =	shalt  }
0x44: {  	_ =	shalt  }
0x45: {  	_ =	shalt  }
0x46: {  	_ =	shalt  }
0x47: {  	_ =	shalt  }
0x48: {  	_ =	shalt  }
0x49: {  	_ =	shalt  }
0x4a: {  	_ =	shalt  }
0x4b: {  	_ =	shalt  }
0x4c: {  	_ =	shalt  }
0x4d: {  	_ =	shalt  }
0x4e: {  	_ =	shalt  }
0x4f: {  	_ =	shalt  }
0x50: {  	_ =	shalt  }
0x51: {  	_ =	shalt  }
0x52: {  	_ =	shalt  }
0x53: {  	_ =	shalt  }
0x54: {  	_ =	shalt  }
0x55: {  	_ =	shalt  }
0x56: {  	_ =	shalt  }
0x57: {  	_ =	shalt  }
0x58: {  	_ =	shalt  }
0x59: {  	_ =	shalt  }
0x5a: {  	_ =	shalt  }
0x5b: {  	_ =	shalt  }
0x5c: {  	_ =	shalt  }
0x5d: {  	_ =	shalt  }
0x5e: {  	_ =	shalt  }
0x5f: {  	_ =	shalt  }
0x60: {  	_ =	shalt  }
0x61: {  	_ =	shalt  }
0x62: {  	_ =	shalt  }
0x63: {  	_ =	shalt  }
0x64: {  	_ =	shalt  }
0x65: {  	_ =	shalt  }
0x66: {  	_ =	shalt  }
0x67: {  	_ =	shalt  }
0x68: {  	_ =	shalt  }
0x69: {  	_ =	shalt  }
0x6a: {  	_ =	shalt  }
0x6b: {  	_ =	shalt  }
0x6c: {  	_ =	shalt  }
0x6d: {  	_ =	shalt  }
0x6e: {  	_ =	shalt  }
0x6f: {  	_ =	shalt  }
0x70: {  	_ =	shalt  }
0x71: {  	_ =	shalt  }
0x72: {  	_ =	shalt  }
0x73: {  	_ =	shalt  }
0x74: {  	_ =	shalt  }
0x75: {  	_ =	shalt  }
0x76: {  	_ =	shalt  }
0x77: {  	_ =	shalt  }
0x78: {  	_ =	shalt  }
0x79: {  	_ =	shalt  }
0x7a: {  	_ =	shalt  }
0x7b: {  	_ =	shalt  }
0x7c: {  	_ =	shalt  }
0x7d: {  	_ =	shalt  }
0x7e: {  	_ =	shalt  }
0x7f: {  	_ =	shalt  }
0x80: {  	_ =	shalt  }
0x81: {  	_ =	shalt  }
0x82: {  	_ =	shalt  }
0x83: {  	_ =	shalt  }
0x84: {  	_ =	shalt  }
0x85: {  	_ =	shalt  }
0x86: {  	_ =	shalt  }
0x87: {  	_ =	shalt  }
.Lfunc_end0:
.L_simem_size_0:
called_computation.1_lowered:
.L_overlay_start_0:
0x88: {  	s2 =	sld [smem:$0x3FD9]  }
0x89: {  	s3 =	sld [smem:$0x3FFE];
	_ =	sdelay $0x1  }
0x8a: {  	s1 =	srdreg.scid  }
0x8b: {  	s0 =	sand.u32 $0x1, s1  }
0x8c: {  	s16 =	sshll.u32 s0, $0xA;
	s2 =	sadd.s32 s3, s2  }
0x8d: {  	s2 =	sadd.s32 s2, s16  }
0x8e: {  	[smem:$0x3FBC] =	sst s2  }
0x8f: {  	_ = 	snop  }
0x90: {  	(tm) =	ssettm $0x1  }
0x91: {  	s17 =	sld [smem:$0x3FFB];
	_ =	sdelay $0x3  }
0x92: {  	_ =	strace s17  }
0x93: {  	s2 =	sld [smem:$0x3FFC];
	_ =	sdelay $0x3  }
0x94: {  	_ =	strace s2  }
0x95: {  	s2 =	sld [smem:$0x3FFD];
	_ =	sdelay $0x3  }
0x96: {  	_ =	strace s2  }
0x97: {  	_ =	strace $0x8FFFFFFF  }
0x98: {  	s18 =	sld [smem:$0x3FDB];
	_ =	sdelay $0x1  }
0x99: {  	s19 =	simm.s32 $_scs_section_size  }
0x9a: {  	s4 =	simm.s32 $_size__tile_overlayer_lowered;
	s5 =	simm.s32 $_tile_overlayer_lowered  }
0x9b: {  	s22 =	simm.s32 $0x1BFF;
	s21 =	sshll.u32 s5, $0x1;
	s2 =	sadd.s32 s19, s18  }
0x9c: {  	s6 =	simm.s32 $0x0;
	s20 =	sshll.u32 s4, $0x1;
	s4 =	sadd.s32 s21, s2  }
0x9d: {  	[timem:s6], [sflag:s22] =	dma.local [hbm:s4], s20  }
0x9e: {  	_ =	swait.ge [sflag:s22], s20  }
0x9f: {  	s3 =	ssub.s32 $0x0, s20;
	[sflag:s22] =	ssyncset.done $0x0  }
0xa0: {  	[sflag:s22] =	ssyncadd.s32 s3;
	_ =	sdelay $0x1  }
0xa1: {  	s23 =	simm.s32 $0x1B8B  }
0xa2: {  	_ =	swait.ge [sflag:s23], $0x1  }
0xa3: {  	[sflag:s23] =	ssyncset.done $0x0  }
0xa4: {  	s25 =	simm.s32 $0x1B8E;
	s24 =	sld [smem:$0x3FFE];
	[sflag:s23] =	ssyncadd.s32 $0xFFFFFFFF  }
0xa5: {  	s26 =	simm.s32 $execute0_lowered;
	[smem:$0x3FD2] =	sst s25  }
0xa6: {  	s4 =	sshll.u32 s26, $0x1;
	_ =	strace $0x80000049;
	[dreg:$0x1] =	wrdreg $0xFFFFFFFF  }
0xa7: {  	s28 =	simm.s32 $_size_execute0_lowered;
	s2 =	sadd.s32 s2, s4;
	[dreg:$0x0] =	wrdreg $0x0  }
0xa8: {  	s4 =	sshll.u32 s28, $0x1;
	[dreg:$0x2] =	wrdreg s2  }
0xa9: {  	[dreg:$0x3] =	wrdreg s4  }
0xaa: {  	[dreg:$0x4] =	wrdreg $0xC0  }
0xab: {  	_ =	task [dreg:s6], $0x5FFFF  }
0xac: {  	[dreg:$0x1] =	wrdreg $0xFFFFFFFF  }
0xad: {  	[dreg:$0x0] =	wrdreg $0x60  }
0xae: {  	[dreg:$0x2] =	wrdreg s24  }
0xaf: {  	[dreg:$0x3] =	wrdreg $0xA8000  }
0xb0: {  	[dreg:$0x4] =	wrdreg $0x9  }
0xb1: {  	_ =	task.clear_ibuf [dreg:s6], $0x5FFFF;
	_ =	strace $0x90000049  }
0xb2: {  	s29 =	simm.s32 $0x9;
	_ =	strace $0x8000004B  }
0xb3: {  	_ =	swait.ge [sflag:s29], $0x1  }
0xb4: {  	[sflag:s29] =	ssyncadd.s32 $0xFFFFFFFF  }
0xb5: {  	_ =	strace $0x9000004B  }
0xb6: {  	_ =	sfence  }
0xb7: {  	s30 =	sld [smem:$0x0];
	_ =	sdelay $0x2  }
0xb8: {  	s31 =	sshll.u32 s1, $0xD;
	s1 =	sshrl.u32 s1, $0x2  }
0xb9: {  	s3 =	sand.u32 $0x4000, s31;
	s1 =	sadd.s32 s1, s30  }
0xba: {  	s0 =	sor.u32 s3, s0;
	s1 =	sshll.u32 s1, $0x11  }
0xbb: {  	s0 =	sor.u32 s1, s0  }
0xbc: {  	s0 =	sadd.s32 $0x8F2B, s0  }
0xbd: {  	[sflag:s0] =	ssyncadd.remote.s32 $0x1  }
0xbe: {  	_ =	sfence.sel $0xFFFF  }
0xbf: {  	[dreg:$0x0] =	wrdreg $0xFFFFFFFF;
	(pc) =	sbr.abs _section_cstart, $3  }
0xc0: {  	[dreg:$0x1] =	wrdreg $0xFFFFFFFF  }
0xc1: {  	_ =	task.clear_ibuf [dreg:s6], $0x2FFFF;
	_ =	strace $0x9FFFFFFF  }
0xc2: {  	(tm) =	ssettm $0x7FFFFFFF  }
0xc3: {  	_ =	shalt  }
tec
execute0_lowered:
.L_overlay_start_1:
0x0: {  	(tag) =	ssettag $0x1  }
0x1: {  	s8 =	rddreg [dreg:$0x0]  }
0x2: {  	s1 =	rddreg [dreg:$0x1];
	s3 =	simm.s32 $0x0;
	s0 =	stileid.u32  }
0x3: {  	s6 =	srdreg.scid;
	s18 =	simm.s32 $0x1400;
	s19 =	simm.s32 $0x80  }
0x4: {  	s20 =	simm.s32 $0x2800;
	s21 =	simm.s32 $0x6800;
	s22 =	simm.s32 $0x1  }
0x5: {  	s23 =	simm.s32 $0x2;
	s28 =	simm.s32 $0x0;
	[smem:$0x7FF] =	sst s3  }
0x6: {  	s4 =	sadd.s32 $0x2E00, s8;
	s5 =	smul.u32 $0x2700, s0;
	s6 =	sand.u32 $0x1, s6  }
0x7: {  	s11 =	sadd.s32 $0x2A000, s8;
	s12 =	sadd.s32 $0x34000, s8;
	s13 =	smul.u32 $0x4E000, s0  }
0x8: {  	s15 =	sshll.u32 s0, $0x1;
	s30 =	sshll.u32 s0, $0x6;
	s17 =	sadd.s32 $0x138000, s1  }
0x9: {  	p0 =	sne.s32 s0, $0xF;
	_ =	strace $0x8000004A;
	s7 =	smul.u32 $0x27100, s6  }
0xa: {  	s10 =	ssub.s32 $0x2, s6;
	s25 =	sor.u32 s6, s15;
	s17 =	sshrl.u32 @!p0 s17, $0x3  }
0xb: {  	s9 =	sadd.s32 s5, s8;
	s24 =	sshrl.u32 s10, $0x1;
	s26 =	sshrl.u32 s13, $0x2  }
0xc: {  	s31 =	smul.u32 $0x2800, s25;
	s14 =	sadd.s32 s7, s8;
	s16 =	ssub.s32 s10, s24  }
0xd: {  	s29 =	sadd.s32 s26, s1;
	s6 =	sadd.s32 $0x3E000, s9;
	s7 =	sor.u32 $0x1C03, s30  }
0xe: {  	s10 =	smul.u32 $0x500, s25;
	s8 =	sadd.s32 $0x65000, s8;
	s24 =	simm.s32 $0x1380  }
0xf: {  	s25 =	simm.s32 $0x2700;
	s26 =	simm.s32 $0x2780;
	s13 =	sshrl.u32 s31, $0x3  }
0x10: {  	s15 =	sshrl.u32 s29, $0x3;
	s9 =	sadd.s32 s11, s10;
	s13 =	sadd.s32 $0x280, s13  }
0x11: {  	s10 =	sadd.s32 s12, s10;
	s11 =	sadd.s32 s11, s13;
	s12 =	sadd.s32 s12, s13  }
0x12: {  	s13 =	sadd.s32 $0x65200, s14;
	s14 =	smax.u32 s16, $0x1;
	s16 =	simm.s32 $0x3  }
.LBB2_1:
0x13: {  	[spmem:s15], [sflag:s7] =	dma.local [hbm:s6], $0x2700  }
0x14: {  	_ =	swait.ge [sflag:s16], $0x2700  }
0x15: {  	[sflag:s16] =	ssyncset.done $0x0  }
0x16: {  	s29 =	simm.s32 @!p0 $0x3;
	[sflag:s16] =	ssyncadd.s32 $0xFFFFD900  }
0x17: {  	[spmem:s17], [sflag:s7] =	dma.local @!p0 [hbm:s8], $0x100  }
0x18: {  	_ =	swait.ge @!p0 [sflag:s29], $0x100  }
0x19: {  	[sflag:s29] =	ssyncset.done @!p0 $0x0  }
0x1a: {  	[sflag:s29] =	ssyncadd.s32 @!p0 $0xFFFFFF00  }
0x1b: {  	[bflag:$0x0] =	sbarrier.arrive $0xFFFF  }
0x1c: {  	[tilespmem:s3], [sflag:$0x3] =	stream.linear.gather [hbm4b:s9+s3], $0x1400, $0x38;
	[tilespmem:$0x1E480] =	vst v63  }
0x1d: {  	_ =	swait.ge [sflag:s16], $0x1400  }
0x1e: {  	[sflag:s16] =	ssyncset.done $0x0  }
0x1f: {  	[sflag:s16] =	ssyncadd.s32 $0xFFFFEC00  }
0x20: {  	[tilespmem:s18], [sflag:$0x3] =	stream.linear.gather [hbm4b:s10+s3], $0x1400, $0x38;
	[tilespmem:$0x1E480] =	vst v63  }
0x21: {  	_ =	swait.ge [sflag:s16], $0x1400  }
0x22: {  	[sflag:s16] =	ssyncset.done $0x0  }
0x23: {  	[sflag:s16] =	ssyncadd.s32 $0xFFFFEC00  }
0x24: {  	[tilespmem:s20], [sflag:$0x1] =	stream.indirect.gather [hbm4b:s4+s19], $0x80, s3, s19, $0xb8;
	[tilespmem:$0x1E480] =	vst v63  }
0x25: {  	s29 =	simm.s32 $0x80  }
0x26: {  	[tilespmem:s21], [sflag:$0x2] =	stream.indirect.gather [hbm4b:s4+s19], $0x80, s29, s19, $0xb8;
	[tilespmem:$0x1E480] =	vst v63  }
0x27: {  	_ =	swait.ge [sflag:s22], $0x4000  }
0x28: {  	[sflag:s22] =	ssyncset.done $0x0  }
0x29: {  	s29 =	simm.s32 $0x1400;
	[sflag:s22] =	ssyncadd.s32 $0xFFFFC000  }
0x2a: {  	[spmem:s1] =	stream.indirect.scatter.add.f32 [tilespmem:s20], [sflag:$0x3], $0x80, s29, s19, $0xb8;
	[tilespmem:$0x1E480] =	vst v63  }
0x2b: {  	_ =	swait.ge [sflag:s16], $0x4000  }
0x2c: {  	[sflag:s16] =	ssyncset.done $0x0  }
0x2d: {  	s29 =	simm.s32 $0x100;
	[sflag:s16] =	ssyncadd.s32 $0xFFFFC000  }
0x2e: {  	[tilespmem:s20], [sflag:$0x1] =	stream.indirect.gather [hbm4b:s4+s19], $0x80, s29, s19, $0xb8;
	[tilespmem:$0x1E480] =	vst v63  }
0x2f: {  	_ =	swait.ge [sflag:s23], $0x4000  }
0x30: {  	[sflag:s23] =	ssyncset.done $0x0  }
0x31: {  	s29 =	simm.s32 $0x1480;
	[sflag:s23] =	ssyncadd.s32 $0xFFFFC000  }
0x32: {  	[spmem:s1] =	stream.indirect.scatter.add.f32 [tilespmem:s21], [sflag:$0x3], $0x80, s29, s19, $0xb8;
	[tilespmem:$0x1E480] =	vst v63  }
0x33: {  	_ =	swait.ge [sflag:s16], $0x4000  }
0x34: {  	s30 =	simm.s32 $0x800;
	s29 =	simm.s32 $0x100;
	[sflag:s16] =	ssyncset.done $0x0  }
.LBB2_2:
0x35: {  	s31 =	sadd.s32 $0x80, s29  }
0x36: {  	[sflag:s16] =	ssyncadd.s32 $0xFFFFC000;
	s0 =	smov.u32 s30;
	s2 =	sadd.s32 $0x400, s30  }
0x37: {  	[tilespmem:s21], [sflag:$0x2] =	stream.indirect.gather [hbm4b:s4+s19], $0x80, s31, s19, $0xb8;
	[tilespmem:$0x1E480] =	vst v63  }
0x38: {  	p1 =	sne.s32 s30, $0x4800;
	_ =	swait.ge [sflag:s22], $0x4000  }
0x39: {  	[sflag:s22] =	ssyncset.done $0x0  }
0x3a: {  	s30 =	sadd.s32 $0x1400, s29;
	[sflag:s22] =	ssyncadd.s32 $0xFFFFC000  }
0x3b: {  	[spmem:s1] =	stream.indirect.scatter.add.f32 [tilespmem:s20], [sflag:$0x3], $0x80, s30, s19, $0xb8;
	[tilespmem:$0x1E480] =	vst v63  }
0x3c: {  	_ =	swait.ge [sflag:s16], $0x4000  }
0x3d: {  	[sflag:s16] =	ssyncset.done $0x0  }
0x3e: {  	s30 =	sadd.s32 $0x100, s29;
	[sflag:s16] =	ssyncadd.s32 $0xFFFFC000  }
0x3f: {  	[tilespmem:s20], [sflag:$0x1] =	stream.indirect.gather [hbm4b:s4+s19], $0x80, s30, s19, $0xb8;
	[tilespmem:$0x1E480] =	vst v63  }
0x40: {  	_ =	swait.ge [sflag:s23], $0x4000  }
.Ltmp0:
0x41: {  	[sflag:s23] =	ssyncset.done $0x0;
	(pc) =	sbr.rel @p1 .LBB2_2-.Ltmp0, $4  }
0x42: {  	s29 =	sadd.s32 $0x1480, s29;
	[sflag:s23] =	ssyncadd.s32 $0xFFFFC000  }
0x43: {  	[spmem:s1] =	stream.indirect.scatter.add.f32 [tilespmem:s21], [sflag:$0x3], $0x80, s29, s19, $0xb8;
	[tilespmem:$0x1E480] =	vst v63  }
0x44: {  	_ =	swait.ge [sflag:s16], $0x4000  }
0x45: {  	s30 =	smov.u32 s2;
	s29 =	sshra.s32 s0, $0x2;
	[sflag:s16] =	ssyncset.done $0x0  }
0x46: {  	s0 =	sadd.s32 $0x80, s29;
	[sflag:s16] =	ssyncadd.s32 $0xFFFFC000  }
0x47: {  	[tilespmem:s21], [sflag:$0x2] =	stream.indirect.gather [hbm4b:s4+s19], $0x80, s0, s19, $0xb8;
	[tilespmem:$0x1E480] =	vst v63  }
0x48: {  	_ =	swait.ge [sflag:s22], $0x4000  }
0x49: {  	[sflag:s22] =	ssyncset.done $0x0  }
0x4a: {  	s2 =	sadd.s32 $0x1400, s29;
	[sflag:s22] =	ssyncadd.s32 $0xFFFFC000  }
0x4b: {  	[spmem:s1] =	stream.indirect.scatter.add.f32 [tilespmem:s20], [sflag:$0x3], $0x80, s2, s19, $0xb8;
	[tilespmem:$0x1E480] =	vst v63  }
0x4c: {  	_ =	swait.ge [sflag:s16], $0x4000  }
0x4d: {  	[sflag:s16] =	ssyncset.done $0x0  }
0x4e: {  	s31 =	sadd.s32 $0x100, s29;
	[sflag:s16] =	ssyncadd.s32 $0xFFFFC000  }
0x4f: {  	[tilespmem:s20], [sflag:$0x1] =	stream.indirect.gather [hbm4b:s4+s19], $0x80, s31, s19, $0xb8;
	[tilespmem:$0x1E480] =	vst v63  }
0x50: {  	_ =	swait.ge [sflag:s23], $0x4000  }
0x51: {  	[sflag:s23] =	ssyncset.done $0x0  }
0x52: {  	s2 =	sadd.s32 $0x1480, s29;
	[sflag:s23] =	ssyncadd.s32 $0xFFFFC000  }
0x53: {  	[spmem:s1] =	stream.indirect.scatter.add.f32 [tilespmem:s21], [sflag:$0x3], $0x80, s2, s19, $0xb8;
	[tilespmem:$0x1E480] =	vst v63  }
0x54: {  	_ =	swait.ge [sflag:s16], $0x4000  }
0x55: {  	[sflag:s16] =	ssyncset.done $0x0  }
0x56: {  	[sflag:s16] =	ssyncadd.s32 $0xFFFFC000  }
0x57: {  	[tilespmem:s21], [sflag:$0x2] =	stream.indirect.gather [hbm4b:s4+s19], $0x80, s24, s19, $0xb8;
	[tilespmem:$0x1E480] =	vst v63  }
0x58: {  	_ =	swait.ge [sflag:s22], $0x4000  }
0x59: {  	[sflag:s22] =	ssyncset.done $0x0  }
0x5a: {  	[sflag:s22] =	ssyncadd.s32 $0xFFFFC000  }
0x5b: {  	[spmem:s1] =	stream.indirect.scatter.add.f32 [tilespmem:s20], [sflag:$0x3], $0x80, s25, s19, $0xb8;
	[tilespmem:$0x1E480] =	vst v63  }
0x5c: {  	_ =	swait.ge [sflag:s16], $0x4000  }
0x5d: {  	[sflag:s16] =	ssyncset.done $0x0  }
0x5e: {  	[sflag:s16] =	ssyncadd.s32 $0xFFFFC000  }
0x5f: {  	_ =	swait.ge [sflag:s23], $0x4000  }
0x60: {  	[sflag:s23] =	ssyncset.done $0x0  }
0x61: {  	[sflag:s23] =	ssyncadd.s32 $0xFFFFC000  }
0x62: {  	[spmem:s1] =	stream.indirect.scatter.add.f32 [tilespmem:s21], [sflag:$0x3], $0x80, s26, s19, $0xb8;
	[tilespmem:$0x1E480] =	vst v63  }
0x63: {  	_ =	swait.ge [sflag:s16], $0x4000  }
0x64: {  	[sflag:s16] =	ssyncset.done $0x0  }
0x65: {  	s31 =	simm.s32 $0x0;
	[sflag:s16] =	ssyncadd.s32 $0xFFFFC000  }
0x66: {  	[tilespmem:s31], [sflag:$0x3] =	stream.linear.gather [hbm4b:s11+s31], $0x1400, $0x38;
	[tilespmem:$0x1E480] =	vst v63  }
0x67: {  	_ =	swait.ge [sflag:s16], $0x1400  }
0x68: {  	[sflag:s16] =	ssyncset.done $0x0  }
0x69: {  	[sflag:s16] =	ssyncadd.s32 $0xFFFFEC00  }
0x6a: {  	[tilespmem:s18], [sflag:$0x3] =	stream.linear.gather [hbm4b:s12+s31], $0x1400, $0x38;
	[tilespmem:$0x1E480] =	vst v63  }
0x6b: {  	_ =	swait.ge [sflag:s16], $0x1400  }
0x6c: {  	[sflag:s16] =	ssyncset.done $0x0  }
0x6d: {  	[sflag:s16] =	ssyncadd.s32 $0xFFFFEC00  }
0x6e: {  	[tilespmem:s20], [sflag:$0x1] =	stream.indirect.gather [hbm4b:s4+s19], $0x80, s31, s19, $0xb8;
	[tilespmem:$0x1E480] =	vst v63  }
0x6f: {  	s2 =	simm.s32 $0x80  }
0x70: {  	[tilespmem:s21], [sflag:$0x2] =	stream.indirect.gather [hbm4b:s4+s19], $0x80, s2, s19, $0xb8;
	[tilespmem:$0x1E480] =	vst v63  }
0x71: {  	_ =	swait.ge [sflag:s22], $0x4000  }
0x72: {  	[sflag:s22] =	ssyncset.done $0x0  }
0x73: {  	s31 =	simm.s32 $0x1400;
	[sflag:s22] =	ssyncadd.s32 $0xFFFFC000  }
0x74: {  	[spmem:s1] =	stream.indirect.scatter.add.f32 [tilespmem:s20], [sflag:$0x3], $0x80, s31, s19, $0xb8;
	[tilespmem:$0x1E480] =	vst v63  }
0x75: {  	_ =	swait.ge [sflag:s16], $0x4000  }
0x76: {  	[sflag:s16] =	ssyncset.done $0x0  }
0x77: {  	s2 =	simm.s32 $0x100;
	[sflag:s16] =	ssyncadd.s32 $0xFFFFC000  }
0x78: {  	[tilespmem:s20], [sflag:$0x1] =	stream.indirect.gather [hbm4b:s4+s19], $0x80, s2, s19, $0xb8;
	[tilespmem:$0x1E480] =	vst v63  }
0x79: {  	_ =	swait.ge [sflag:s23], $0x4000  }
0x7a: {  	[sflag:s23] =	ssyncset.done $0x0  }
0x7b: {  	s31 =	simm.s32 $0x1480;
	[sflag:s23] =	ssyncadd.s32 $0xFFFFC000  }
0x7c: {  	[spmem:s1] =	stream.indirect.scatter.add.f32 [tilespmem:s21], [sflag:$0x3], $0x80, s31, s19, $0xb8;
	[tilespmem:$0x1E480] =	vst v63  }
0x7d: {  	_ =	swait.ge [sflag:s16], $0x4000  }
0x7e: {  	s30 =	simm.s32 $0x800;
	s29 =	simm.s32 $0x100;
	[sflag:s16] =	ssyncset.done $0x0  }
.LBB2_4:
0x7f: {  	s0 =	sadd.s32 $0x80, s29  }
0x80: {  	[sflag:s16] =	ssyncadd.s32 $0xFFFFC000;
	s2 =	smov.u32 s30;
	s31 =	sadd.s32 $0x400, s30  }
0x81: {  	[tilespmem:s21], [sflag:$0x2] =	stream.indirect.gather [hbm4b:s4+s19], $0x80, s0, s19, $0xb8;
	[tilespmem:$0x1E480] =	vst v63  }
0x82: {  	p1 =	sne.s32 s30, $0x4800;
	_ =	swait.ge [sflag:s22], $0x4000  }
0x83: {  	[sflag:s22] =	ssyncset.done $0x0  }
0x84: {  	s0 =	sadd.s32 $0x1400, s29;
	[sflag:s22] =	ssyncadd.s32 $0xFFFFC000  }
0x85: {  	[spmem:s1] =	stream.indirect.scatter.add.f32 [tilespmem:s20], [sflag:$0x3], $0x80, s0, s19, $0xb8;
	[tilespmem:$0x1E480] =	vst v63  }
0x86: {  	_ =	swait.ge [sflag:s16], $0x4000  }
0x87: {  	[sflag:s16] =	ssyncset.done $0x0  }
0x88: {  	s0 =	sadd.s32 $0x100, s29;
	[sflag:s16] =	ssyncadd.s32 $0xFFFFC000  }
0x89: {  	[tilespmem:s20], [sflag:$0x1] =	stream.indirect.gather [hbm4b:s4+s19], $0x80, s0, s19, $0xb8;
	[tilespmem:$0x1E480] =	vst v63  }
0x8a: {  	_ =	swait.ge [sflag:s23], $0x4000  }
.Ltmp1:
0x8b: {  	[sflag:s23] =	ssyncset.done $0x0;
	(pc) =	sbr.rel @p1 .LBB2_4-.Ltmp1, $4  }
0x8c: {  	s0 =	sadd.s32 $0x1480, s29;
	[sflag:s23] =	ssyncadd.s32 $0xFFFFC000  }
0x8d: {  	[spmem:s1] =	stream.indirect.scatter.add.f32 [tilespmem:s21], [sflag:$0x3], $0x80, s0, s19, $0xb8;
	[tilespmem:$0x1E480] =	vst v63  }
0x8e: {  	_ =	swait.ge [sflag:s16], $0x4000  }
0x8f: {  	s30 =	smov.u32 s31;
	s29 =	sshra.s32 s2, $0x2;
	[sflag:s16] =	ssyncset.done $0x0  }
0x90: {  	s0 =	sadd.s32 $0x80, s29;
	[sflag:s16] =	ssyncadd.s32 $0xFFFFC000  }
0x91: {  	[tilespmem:s21], [sflag:$0x2] =	stream.indirect.gather [hbm4b:s4+s19], $0x80, s0, s19, $0xb8;
	[tilespmem:$0x1E480] =	vst v63  }
0x92: {  	_ =	swait.ge [sflag:s22], $0x4000  }
0x93: {  	[sflag:s22] =	ssyncset.done $0x0  }
0x94: {  	s31 =	sadd.s32 $0x1400, s29;
	[sflag:s22] =	ssyncadd.s32 $0xFFFFC000  }
0x95: {  	[spmem:s1] =	stream.indirect.scatter.add.f32 [tilespmem:s20], [sflag:$0x3], $0x80, s31, s19, $0xb8;
	[tilespmem:$0x1E480] =	vst v63  }
0x96: {  	_ =	swait.ge [sflag:s16], $0x4000  }
0x97: {  	[sflag:s16] =	ssyncset.done $0x0  }
0x98: {  	s2 =	sadd.s32 $0x100, s29;
	[sflag:s16] =	ssyncadd.s32 $0xFFFFC000  }
0x99: {  	[tilespmem:s20], [sflag:$0x1] =	stream.indirect.gather [hbm4b:s4+s19], $0x80, s2, s19, $0xb8;
	[tilespmem:$0x1E480] =	vst v63  }
0x9a: {  	_ =	swait.ge [sflag:s23], $0x4000  }
0x9b: {  	[sflag:s23] =	ssyncset.done $0x0  }
0x9c: {  	s30 =	sadd.s32 $0x1480, s29;
	[sflag:s23] =	ssyncadd.s32 $0xFFFFC000  }
0x9d: {  	[spmem:s1] =	stream.indirect.scatter.add.f32 [tilespmem:s21], [sflag:$0x3], $0x80, s30, s19, $0xb8;
	[tilespmem:$0x1E480] =	vst v63  }
0x9e: {  	_ =	swait.ge [sflag:s16], $0x4000  }
0x9f: {  	[sflag:s16] =	ssyncset.done $0x0  }
0xa0: {  	[sflag:s16] =	ssyncadd.s32 $0xFFFFC000  }
0xa1: {  	[tilespmem:s21], [sflag:$0x2] =	stream.indirect.gather [hbm4b:s4+s19], $0x80, s24, s19, $0xb8;
	[tilespmem:$0x1E480] =	vst v63  }
0xa2: {  	_ =	swait.ge [sflag:s22], $0x4000  }
0xa3: {  	[sflag:s22] =	ssyncset.done $0x0  }
0xa4: {  	[sflag:s22] =	ssyncadd.s32 $0xFFFFC000  }
0xa5: {  	[spmem:s1] =	stream.indirect.scatter.add.f32 [tilespmem:s20], [sflag:$0x3], $0x80, s25, s19, $0xb8;
	[tilespmem:$0x1E480] =	vst v63  }
0xa6: {  	_ =	swait.ge [sflag:s16], $0x4000  }
0xa7: {  	[sflag:s16] =	ssyncset.done $0x0  }
0xa8: {  	[sflag:s16] =	ssyncadd.s32 $0xFFFFC000  }
0xa9: {  	_ =	swait.ge [sflag:s23], $0x4000  }
0xaa: {  	[sflag:s23] =	ssyncset.done $0x0  }
0xab: {  	[sflag:s23] =	ssyncadd.s32 $0xFFFFC000  }
0xac: {  	[spmem:s1] =	stream.indirect.scatter.add.f32 [tilespmem:s21], [sflag:$0x3], $0x80, s26, s19, $0xb8;
	[tilespmem:$0x1E480] =	vst v63  }
0xad: {  	_ =	swait.ge [sflag:s16], $0x4000  }
0xae: {  	[sflag:s16] =	ssyncset.done $0x0  }
0xaf: {  	[sflag:s16] =	ssyncadd.s32 $0xFFFFC000  }
0xb0: {  	s31 =	sadd.s32 s5, s13;
	[bflag:$0x0] =	sbarrier.arrive $0xFFFF  }
0xb1: {  	[hbm:s31], [sflag:s7] =	dma.local [spmem:s15], $0x2700  }
0xb2: {  	_ =	swait.ge [sflag:s16], $0x2700  }
0xb3: {  	s28 =	sadd.s32 $0x1, s28;
	[sflag:s16] =	ssyncset.done $0x0  }
0xb4: {  	s0 =	sadd.s32 @!p0 $0x27000, s13;
	p1 =	sne.s32 s28, s14;
	[sflag:s16] =	ssyncadd.s32 $0xFFFFD900  }
0xb5: {  	[hbm:s0], [sflag:s7] =	dma.local @!p0 [spmem:s17], $0x100  }
.Ltmp2:
0xb6: {  	_ = 	snop;
	(pc) =	sbr.rel @p1 .LBB2_1-.Ltmp2, $4  }
0xb7: {  	s0 =	simm.s32 @!p0 $0x3  }
0xb8: {  	_ =	swait.ge @!p0 [sflag:s0], $0x100  }
0xb9: {  	[sflag:s0] =	ssyncset.done @!p0 $0x0  }
0xba: {  	[sflag:s0] =	ssyncadd.s32 @!p0 $0xFFFFFF00  }
0xbb: {  	_ =	sfence.sel $0x180000  }
0xbc: {  	[bflag:$0x0] =	sbarrier.arrive $0xFFFF  }
0xbd: {  	_ =	strace $0x9000004A  }
0xbe: {  	s0 =	stileid.u32;
	[bflag:$0x2] =	sbarrier.arrive $0xFFFF  }
0xbf: {  	p0 =	sne.s32 s0, $0x0;
	s0 =	rddreg [dreg:$0x2]  }
0xc0: {  	s0 =	sadd.s32 @!p0 $0x100000, s0  }
0xc1: {  	[sflag:s0] =	ssyncadd.tile.s32 @!p0 $0x1;
	_ =	shalt  }
.Lfunc_end2:
_tile_overlayer_lowered:
.L_overlay_start_2:
0xc2: {  	(tag) =	ssettag $0x2  }
0xc3: {  	s0 =	rddreg [dreg:$0x0];
	s2 =	stileid.u32  }
0xc4: {  	s1 =	rddreg [dreg:$0x1];
	p0 =	sne.s32 s2, $0x0  }
0xc5: {  	s3 =	rddreg [dreg:$0x2];
	[bflag:$0x3] =	sbarrier.arrive $0xFFFF;
	s2 =	simm.s32 @!p0 $0x1C03  }
0xc6: {  	[timem:s3], [sflag:s2] =	dma.local @!p0 [hbm:s0], s1  }
0xc7: {  	s0 =	simm.s32 @!p0 $0x3  }
0xc8: {  	_ =	swait.ge @!p0 [sflag:s0], s1  }
0xc9: {  	s1 =	ssub.s32 @!p0 $0x0, s1;
	[sflag:s0] =	ssyncset.done @!p0 $0x0  }
0xca: {  	[sflag:s0] =	ssyncadd.s32 @!p0 s1  }
0xcb: {  	[bflag:$0x3] =	sbarrier.arrive $0xFFFF  }
0xcc: {  	_ =	shalt  }

// kernel: kernel.19.cloned.1.call-start
scs
__scs_entry_jumppad:
0x0: {  	(pc) =	sbr.rel $0x88, $3  }
0x1: {  	(tag) =	ssettag $0x0;
	lr =	simm.s32 $0x1  }
0x2: {  	[smem:$0x3F95] =	sst lr;
	_ =	strace $0xD0000000  }
0x3: {  	_ = 	snop  }
0x4: {  	_ = 	snop  }
0x5: {  	_ = 	snop  }
0x6: {  	_ = 	snop  }
0x7: {  	_ = 	snop  }
__scs_overlays_trampoline_lowered:
0x8: {  	[smem:$0x3FA4] =	sst s0  }
0x9: {  	[smem:$0x3FA5] =	sst s1  }
0xa: {  	[smem:$0x3FA6] =	sst s2  }
0xb: {  	[smem:$0x3FA7] =	sst s3  }
0xc: {  	[smem:$0x3FA8] =	sst s4  }
0xd: {  	[smem:$0x3FA9] =	sst s5  }
0xe: {  	[smem:$0x3FAA] =	sst s6  }
0xf: {  	[smem:$0x3FAB] =	sst s7  }
0x10: {  	[smem:$0x3FAC] =	sst s8  }
0x11: {  	[smem:$0x3FAD] =	sst s9;
	s0 =	simm.s32 @!p0 $0x0  }
0x12: {  	s1 =	sld [smem:$0x3F93];
	s0 =	simm.s32 @p0 $0x1  }
0x13: {  	[smem:$0x3FAE] =	sst s0;
	s0 =	simm.s32 @!p1 $0x0  }
0x14: {  	s2 =	sld [smem:$0x3F92];
	s0 =	simm.s32 @p1 $0x1  }
0x15: {  	[smem:$0x3FAF] =	sst s0;
	s0 =	simm.s32 @!p2 $0x0  }
0x16: {  	s3 =	sld [smem:$0x3FDB];
	s0 =	simm.s32 @p2 $0x1  }
0x17: {  	s4 =	simm.s32 $0x1BF5;
	[smem:$0x3FB1] =	sst s0  }
0x18: {  	s0 =	sld [smem:$0x3F94];
	_ =	swait.ge [sflag:s4], $0x0  }
0x19: {  	s7 =	sld [smem:$0x3F95]  }
0x1a: {  	s8 =	sadd.s32 $0xFFFFE003, lr  }
0x1b: {  	s9 =	sadd.s32 $0xFFFFFEF7, lr;
	s5 =	simm.s32 $0xFFFFFFFF;
	p2 =	slt.u32 s8, $0xFFFFF086  }
0x1c: {  	p1 =	slt.u32 s9, $0xF7A;
	s5 =	simm.s32 @!p2 $0x0  }
0x1d: {  	s5 =	simm.s32 @p1 $0x1;
	p0 =	seq.s32 s7, s2  }
0x1e: {  	s7 =	smul.u32 @!p0 $0xF7A, s2;
	p2 =	seq.s32 @!p0 s5, $0x0  }
0x1f: {  	s9 =	smul.u32 $0xF7A, s1;
	s8 =	simm.s32 @!p0 $0x1BF5;
	p2 =	por !p2, p0  }
0x20: {  	[sflag:s8] =	ssyncset.s32 @!p0 $0xFFFFF086;
	s6 =	sadd.s32 @!p0 s3, s7;
	s7 =	simm.s32 @!p0 $0x108  }
0x21: {  	s3 =	sadd.s32 s3, s9;
	s6 =	sadd.s32 @!p0 $0x88, s6;
	s7 =	simm.s32 @p2 $0x1082  }
0x22: {  	[simem:s7], [sflag:s8] =	dma.local @!p0 [hbm:s6], $0xF7A  }
0x23: {  	s9 =	sor.u32 $0xD0000000, s2;
	s6 =	simm.s32 $0x108;
	_ =	swait.ge @!p0 [sflag:s8], $0x0  }
0x24: {  	s3 =	sadd.s32 $0x88, s3;
	s6 =	simm.s32 @!p1 $0x1082;
	[sflag:s4] =	ssyncset.s32 $0xFFFFF086  }
0x25: {  	[simem:s6], [sflag:s4] =	dma.local [hbm:s3], $0xF7A  }
0x26: {  	[smem:$0x3F95] =	sst s1;
	(tag) =	ssettag s2;
	_ =	strace s9  }
0x27: {  	s1 =	sld [smem:$0x3FA5]  }
0x28: {  	s2 =	sld [smem:$0x3FA6]  }
0x29: {  	s4 =	sld [smem:$0x3FA8]  }
0x2a: {  	p0 =	seq.s32 s5, $0x0;
	s5 =	sld [smem:$0x3FA9]  }
0x2b: {  	s6 =	sld [smem:$0x3FAA]  }
0x2c: {  	s7 =	sld [smem:$0x3FAB]  }
0x2d: {  	s3 =	simm.s32 $0x108;
	s8 =	sld [smem:$0x3FAC]  }
0x2e: {  	s3 =	simm.s32 @!p0 $0x1082;
	s9 =	sld [smem:$0x3FAD]  }
0x2f: {  	lr =	sadd.s32 s0, s3;
	s0 =	sld [smem:$0x3FA4]  }
0x30: {  	s3 =	sld [smem:$0x3FA7]  }
0x31: {  	[smem:$0x3FB0] =	sst s10  }
0x32: {  	s10 =	sld [smem:$0x3FAE];
	_ =	sdelay $0x3  }
0x33: {  	p0 =	seq.s32 s10, $0x1;
	s10 =	sld [smem:$0x3FB0];
	_ =	sdelay $0x3  }
0x34: {  	[smem:$0x3FB0] =	sst s10  }
0x35: {  	s10 =	sld [smem:$0x3FAF];
	_ =	sdelay $0x3  }
0x36: {  	p1 =	seq.s32 s10, $0x1;
	s10 =	sld [smem:$0x3FB0];
	_ =	sdelay $0x3  }
0x37: {  	[smem:$0x3FB0] =	sst s10  }
0x38: {  	s10 =	sld [smem:$0x3FB1]  }
0x39: {  	_ = 	snop;
	(pc) =	sbr.ind lr, $3  }
0x3a: {  	_ = 	snop  }
0x3b: {  	_ = 	snop  }
0x3c: {  	p2 =	seq.s32 s10, $0x1;
	s10 =	sld [smem:$0x3FB0]  }
0x3d: {  	_ =	shalt  }
0x3e: {  	_ =	shalt  }
0x3f: {  	_ =	shalt  }
0x40: {  	_ =	shalt  }
0x41: {  	_ =	shalt  }
0x42: {  	_ =	shalt  }
0x43: {  	_ =	shalt  }
0x44: {  	_ =	shalt  }
0x45: {  	_ =	shalt  }
0x46: {  	_ =	shalt  }
0x47: {  	_ =	shalt  }
0x48: {  	_ =	shalt  }
0x49: {  	_ =	shalt  }
0x4a: {  	_ =	shalt  }
0x4b: {  	_ =	shalt  }
0x4c: {  	_ =	shalt  }
0x4d: {  	_ =	shalt  }
0x4e: {  	_ =	shalt  }
0x4f: {  	_ =	shalt  }
0x50: {  	_ =	shalt  }
0x51: {  	_ =	shalt  }
0x52: {  	_ =	shalt  }
0x53: {  	_ =	shalt  }
0x54: {  	_ =	shalt  }
0x55: {  	_ =	shalt  }
0x56: {  	_ =	shalt  }
0x57: {  	_ =	shalt  }
0x58: {  	_ =	shalt  }
0x59: {  	_ =	shalt  }
0x5a: {  	_ =	shalt  }
0x5b: {  	_ =	shalt  }
0x5c: {  	_ =	shalt  }
0x5d: {  	_ =	shalt  }
0x5e: {  	_ =	shalt  }
0x5f: {  	_ =	shalt  }
0x60: {  	_ =	shalt  }
0x61: {  	_ =	shalt  }
0x62: {  	_ =	shalt  }
0x63: {  	_ =	shalt  }
0x64: {  	_ =	shalt  }
0x65: {  	_ =	shalt  }
0x66: {  	_ =	shalt  }
0x67: {  	_ =	shalt  }
0x68: {  	_ =	shalt  }
0x69: {  	_ =	shalt  }
0x6a: {  	_ =	shalt  }
0x6b: {  	_ =	shalt  }
0x6c: {  	_ =	shalt  }
0x6d: {  	_ =	shalt  }
0x6e: {  	_ =	shalt  }
0x6f: {  	_ =	shalt  }
0x70: {  	_ =	shalt  }
0x71: {  	_ =	shalt  }
0x72: {  	_ =	shalt  }
0x73: {  	_ =	shalt  }
0x74: {  	_ =	shalt  }
0x75: {  	_ =	shalt  }
0x76: {  	_ =	shalt  }
0x77: {  	_ =	shalt  }
0x78: {  	_ =	shalt  }
0x79: {  	_ =	shalt  }
0x7a: {  	_ =	shalt  }
0x7b: {  	_ =	shalt  }
0x7c: {  	_ =	shalt  }
0x7d: {  	_ =	shalt  }
0x7e: {  	_ =	shalt  }
0x7f: {  	_ =	shalt  }
0x80: {  	_ =	shalt  }
0x81: {  	_ =	shalt  }
0x82: {  	_ =	shalt  }
0x83: {  	_ =	shalt  }
0x84: {  	_ =	shalt  }
0x85: {  	_ =	shalt  }
0x86: {  	_ =	shalt  }
0x87: {  	_ =	shalt  }
.Lfunc_end0:
.L_simem_size_0:
called_computation.2_lowered:
.L_overlay_start_0:
0x88: {  	s2 =	sld [smem:$0x3FD9]  }
0x89: {  	s3 =	sld [smem:$0x3FFE];
	_ =	sdelay $0x1  }
0x8a: {  	s1 =	srdreg.scid  }
0x8b: {  	s0 =	sand.u32 $0x1, s1  }
0x8c: {  	s16 =	sshll.u32 s0, $0xA;
	s2 =	sadd.s32 s3, s2  }
0x8d: {  	s2 =	sadd.s32 s2, s16  }
0x8e: {  	[smem:$0x3FBC] =	sst s2  }
0x8f: {  	_ = 	snop  }
0x90: {  	(tm) =	ssettm $0x1  }
0x91: {  	s17 =	sld [smem:$0x3FFB];
	_ =	sdelay $0x3  }
0x92: {  	_ =	strace s17  }
0x93: {  	s2 =	sld [smem:$0x3FFC];
	_ =	sdelay $0x3  }
0x94: {  	_ =	strace s2  }
0x95: {  	s2 =	sld [smem:$0x3FFD];
	_ =	sdelay $0x3  }
0x96: {  	_ =	strace s2  }
0x97: {  	_ =	strace $0x8FFFFFFF  }
0x98: {  	s18 =	sld [smem:$0x3FDB];
	_ =	sdelay $0x1  }
0x99: {  	s19 =	simm.s32 $_scs_section_size  }
0x9a: {  	s4 =	simm.s32 $_size__tile_overlayer_lowered;
	s5 =	simm.s32 $_tile_overlayer_lowered  }
0x9b: {  	s22 =	simm.s32 $0x1BFF;
	s21 =	sshll.u32 s5, $0x1;
	s2 =	sadd.s32 s19, s18  }
0x9c: {  	s6 =	simm.s32 $0x0;
	s20 =	sshll.u32 s4, $0x1;
	s4 =	sadd.s32 s21, s2  }
0x9d: {  	[timem:s6], [sflag:s22] =	dma.local [hbm:s4], s20  }
0x9e: {  	_ =	swait.ge [sflag:s22], s20  }
0x9f: {  	s3 =	ssub.s32 $0x0, s20;
	[sflag:s22] =	ssyncset.done $0x0  }
0xa0: {  	[sflag:s22] =	ssyncadd.s32 s3;
	_ =	sdelay $0x1  }
0xa1: {  	s23 =	simm.s32 $0x1B8B  }
0xa2: {  	_ =	swait.ge [sflag:s23], $0x1  }
0xa3: {  	[sflag:s23] =	ssyncset.done $0x0  }
0xa4: {  	s25 =	simm.s32 $0x1B8E;
	s24 =	sld [smem:$0x3FFE];
	[sflag:s23] =	ssyncadd.s32 $0xFFFFFFFF  }
0xa5: {  	s26 =	simm.s32 $execute0_lowered;
	[smem:$0x3FD2] =	sst s25  }
0xa6: {  	s4 =	sshll.u32 s26, $0x1;
	_ =	strace $0x8000004C;
	[dreg:$0x1] =	wrdreg $0xFFFFFFFF  }
0xa7: {  	s28 =	simm.s32 $_size_execute0_lowered;
	s2 =	sadd.s32 s2, s4;
	[dreg:$0x0] =	wrdreg $0x0  }
0xa8: {  	s4 =	sshll.u32 s28, $0x1;
	[dreg:$0x2] =	wrdreg s2  }
0xa9: {  	[dreg:$0x3] =	wrdreg s4  }
0xaa: {  	[dreg:$0x4] =	wrdreg $0xC0  }
0xab: {  	_ =	task [dreg:s6], $0x5FFFF  }
0xac: {  	[dreg:$0x1] =	wrdreg $0xFFFFFFFF  }
0xad: {  	[dreg:$0x0] =	wrdreg $0x60  }
0xae: {  	[dreg:$0x2] =	wrdreg s24  }
0xaf: {  	[dreg:$0x3] =	wrdreg $0xA8000  }
0xb0: {  	[dreg:$0x4] =	wrdreg $0x9  }
0xb1: {  	_ =	task.clear_ibuf [dreg:s6], $0x5FFFF;
	_ =	strace $0x9000004C  }
0xb2: {  	s29 =	simm.s32 $0x9;
	_ =	strace $0x8000004E  }
0xb3: {  	_ =	swait.ge [sflag:s29], $0x1  }
0xb4: {  	[sflag:s29] =	ssyncadd.s32 $0xFFFFFFFF  }
0xb5: {  	_ =	strace $0x9000004E  }
0xb6: {  	_ =	sfence  }
0xb7: {  	s30 =	sld [smem:$0x0];
	_ =	sdelay $0x2  }
0xb8: {  	s31 =	sshll.u32 s1, $0xD;
	s1 =	sshrl.u32 s1, $0x2  }
0xb9: {  	s3 =	sand.u32 $0x4000, s31;
	s1 =	sadd.s32 s1, s30  }
0xba: {  	s0 =	sor.u32 s3, s0;
	s1 =	sshll.u32 s1, $0x11  }
0xbb: {  	s0 =	sor.u32 s1, s0  }
0xbc: {  	s0 =	sadd.s32 $0x8F2B, s0  }
0xbd: {  	[sflag:s0] =	ssyncadd.remote.s32 $0x1  }
0xbe: {  	_ =	sfence.sel $0xFFFF  }
0xbf: {  	[dreg:$0x0] =	wrdreg $0xFFFFFFFF;
	(pc) =	sbr.abs _section_cstart, $3  }
0xc0: {  	[dreg:$0x1] =	wrdreg $0xFFFFFFFF  }
0xc1: {  	_ =	task.clear_ibuf [dreg:s6], $0x2FFFF;
	_ =	strace $0x9FFFFFFF  }
0xc2: {  	(tm) =	ssettm $0x7FFFFFFF  }
0xc3: {  	_ =	shalt  }
tec
execute0_lowered:
.L_overlay_start_1:
0x0: {  	(tag) =	ssettag $0x1  }
0x1: {  	s8 =	rddreg [dreg:$0x0]  }
0x2: {  	s1 =	rddreg [dreg:$0x1];
	s3 =	simm.s32 $0x0;
	s0 =	stileid.u32  }
0x3: {  	s6 =	srdreg.scid;
	s18 =	simm.s32 $0x1400;
	s19 =	simm.s32 $0x80  }
0x4: {  	s20 =	simm.s32 $0x2800;
	s21 =	simm.s32 $0x6800;
	s22 =	simm.s32 $0x1  }
0x5: {  	s23 =	simm.s32 $0x2;
	s28 =	simm.s32 $0x0;
	[smem:$0x7FF] =	sst s3  }
0x6: {  	s4 =	sadd.s32 $0x2E00, s8;
	s5 =	smul.u32 $0x2700, s0;
	s6 =	sand.u32 $0x1, s6  }
0x7: {  	s11 =	sadd.s32 $0x2A000, s8;
	s12 =	sadd.s32 $0x34000, s8;
	s13 =	smul.u32 $0x4E000, s0  }
0x8: {  	s15 =	sshll.u32 s0, $0x1;
	s30 =	sshll.u32 s0, $0x6;
	s17 =	sadd.s32 $0x138000, s1  }
0x9: {  	p0 =	sne.s32 s0, $0xF;
	_ =	strace $0x8000004D;
	s7 =	smul.u32 $0x27100, s6  }
0xa: {  	s10 =	ssub.s32 $0x2, s6;
	s25 =	sor.u32 s6, s15;
	s17 =	sshrl.u32 @!p0 s17, $0x3  }
0xb: {  	s9 =	sadd.s32 s5, s8;
	s24 =	sshrl.u32 s10, $0x1;
	s26 =	sshrl.u32 s13, $0x2  }
0xc: {  	s31 =	smul.u32 $0x2800, s25;
	s14 =	sadd.s32 s7, s8;
	s16 =	ssub.s32 s10, s24  }
0xd: {  	s29 =	sadd.s32 s26, s1;
	s6 =	sadd.s32 $0x3E000, s9;
	s7 =	sor.u32 $0x1C03, s30  }
0xe: {  	s10 =	smul.u32 $0x500, s25;
	s8 =	sadd.s32 $0x65000, s8;
	s24 =	simm.s32 $0x1380  }
0xf: {  	s25 =	simm.s32 $0x2700;
	s26 =	simm.s32 $0x2780;
	s13 =	sshrl.u32 s31, $0x3  }
0x10: {  	s15 =	sshrl.u32 s29, $0x3;
	s9 =	sadd.s32 s11, s10;
	s13 =	sadd.s32 $0x280, s13  }
0x11: {  	s10 =	sadd.s32 s12, s10;
	s11 =	sadd.s32 s11, s13;
	s12 =	sadd.s32 s12, s13  }
0x12: {  	s13 =	sadd.s32 $0x65200, s14;
	s14 =	smax.u32 s16, $0x1;
	s16 =	simm.s32 $0x3  }
.LBB2_1:
0x13: {  	[spmem:s15], [sflag:s7] =	dma.local [hbm:s6], $0x2700  }
0x14: {  	_ =	swait.ge [sflag:s16], $0x2700  }
0x15: {  	[sflag:s16] =	ssyncset.done $0x0  }
0x16: {  	s29 =	simm.s32 @!p0 $0x3;
	[sflag:s16] =	ssyncadd.s32 $0xFFFFD900  }
0x17: {  	[spmem:s17], [sflag:s7] =	dma.local @!p0 [hbm:s8], $0x100  }
0x18: {  	_ =	swait.ge @!p0 [sflag:s29], $0x100  }
0x19: {  	[sflag:s29] =	ssyncset.done @!p0 $0x0  }
0x1a: {  	[sflag:s29] =	ssyncadd.s32 @!p0 $0xFFFFFF00  }
0x1b: {  	[bflag:$0x0] =	sbarrier.arrive $0xFFFF  }
0x1c: {  	[tilespmem:s3], [sflag:$0x3] =	stream.linear.gather [hbm4b:s9+s3], $0x1400, $0x38;
	[tilespmem:$0x1E480] =	vst v63  }
0x1d: {  	_ =	swait.ge [sflag:s16], $0x1400  }
0x1e: {  	[sflag:s16] =	ssyncset.done $0x0  }
0x1f: {  	[sflag:s16] =	ssyncadd.s32 $0xFFFFEC00  }
0x20: {  	[tilespmem:s18], [sflag:$0x3] =	stream.linear.gather [hbm4b:s10+s3], $0x1400, $0x38;
	[tilespmem:$0x1E480] =	vst v63  }
0x21: {  	_ =	swait.ge [sflag:s16], $0x1400  }
0x22: {  	[sflag:s16] =	ssyncset.done $0x0  }
0x23: {  	[sflag:s16] =	ssyncadd.s32 $0xFFFFEC00  }
0x24: {  	[tilespmem:s20], [sflag:$0x1] =	stream.indirect.gather [hbm4b:s4+s19], $0x80, s3, s19, $0xb8;
	[tilespmem:$0x1E480] =	vst v63  }
0x25: {  	s29 =	simm.s32 $0x80  }
0x26: {  	[tilespmem:s21], [sflag:$0x2] =	stream.indirect.gather [hbm4b:s4+s19], $0x80, s29, s19, $0xb8;
	[tilespmem:$0x1E480] =	vst v63  }
0x27: {  	_ =	swait.ge [sflag:s22], $0x4000  }
0x28: {  	[sflag:s22] =	ssyncset.done $0x0  }
0x29: {  	s29 =	simm.s32 $0x1400;
	[sflag:s22] =	ssyncadd.s32 $0xFFFFC000  }
0x2a: {  	[spmem:s1] =	stream.indirect.scatter.add.f32 [tilespmem:s20], [sflag:$0x3], $0x80, s29, s19, $0xb8;
	[tilespmem:$0x1E480] =	vst v63  }
0x2b: {  	_ =	swait.ge [sflag:s16], $0x4000  }
0x2c: {  	[sflag:s16] =	ssyncset.done $0x0  }
0x2d: {  	s29 =	simm.s32 $0x100;
	[sflag:s16] =	ssyncadd.s32 $0xFFFFC000  }
0x2e: {  	[tilespmem:s20], [sflag:$0x1] =	stream.indirect.gather [hbm4b:s4+s19], $0x80, s29, s19, $0xb8;
	[tilespmem:$0x1E480] =	vst v63  }
0x2f: {  	_ =	swait.ge [sflag:s23], $0x4000  }
0x30: {  	[sflag:s23] =	ssyncset.done $0x0  }
0x31: {  	s29 =	simm.s32 $0x1480;
	[sflag:s23] =	ssyncadd.s32 $0xFFFFC000  }
0x32: {  	[spmem:s1] =	stream.indirect.scatter.add.f32 [tilespmem:s21], [sflag:$0x3], $0x80, s29, s19, $0xb8;
	[tilespmem:$0x1E480] =	vst v63  }
0x33: {  	_ =	swait.ge [sflag:s16], $0x4000  }
0x34: {  	s30 =	simm.s32 $0x800;
	s29 =	simm.s32 $0x100;
	[sflag:s16] =	ssyncset.done $0x0  }
.LBB2_2:
0x35: {  	s31 =	sadd.s32 $0x80, s29  }
0x36: {  	[sflag:s16] =	ssyncadd.s32 $0xFFFFC000;
	s0 =	smov.u32 s30;
	s2 =	sadd.s32 $0x400, s30  }
0x37: {  	[tilespmem:s21], [sflag:$0x2] =	stream.indirect.gather [hbm4b:s4+s19], $0x80, s31, s19, $0xb8;
	[tilespmem:$0x1E480] =	vst v63  }
0x38: {  	p1 =	sne.s32 s30, $0x4800;
	_ =	swait.ge [sflag:s22], $0x4000  }
0x39: {  	[sflag:s22] =	ssyncset.done $0x0  }
0x3a: {  	s30 =	sadd.s32 $0x1400, s29;
	[sflag:s22] =	ssyncadd.s32 $0xFFFFC000  }
0x3b: {  	[spmem:s1] =	stream.indirect.scatter.add.f32 [tilespmem:s20], [sflag:$0x3], $0x80, s30, s19, $0xb8;
	[tilespmem:$0x1E480] =	vst v63  }
0x3c: {  	_ =	swait.ge [sflag:s16], $0x4000  }
0x3d: {  	[sflag:s16] =	ssyncset.done $0x0  }
0x3e: {  	s30 =	sadd.s32 $0x100, s29;
	[sflag:s16] =	ssyncadd.s32 $0xFFFFC000  }
0x3f: {  	[tilespmem:s20], [sflag:$0x1] =	stream.indirect.gather [hbm4b:s4+s19], $0x80, s30, s19, $0xb8;
	[tilespmem:$0x1E480] =	vst v63  }
0x40: {  	_ =	swait.ge [sflag:s23], $0x4000  }
.Ltmp0:
0x41: {  	[sflag:s23] =	ssyncset.done $0x0;
	(pc) =	sbr.rel @p1 .LBB2_2-.Ltmp0, $4  }
0x42: {  	s29 =	sadd.s32 $0x1480, s29;
	[sflag:s23] =	ssyncadd.s32 $0xFFFFC000  }
0x43: {  	[spmem:s1] =	stream.indirect.scatter.add.f32 [tilespmem:s21], [sflag:$0x3], $0x80, s29, s19, $0xb8;
	[tilespmem:$0x1E480] =	vst v63  }
0x44: {  	_ =	swait.ge [sflag:s16], $0x4000  }
0x45: {  	s30 =	smov.u32 s2;
	s29 =	sshra.s32 s0, $0x2;
	[sflag:s16] =	ssyncset.done $0x0  }
0x46: {  	s0 =	sadd.s32 $0x80, s29;
	[sflag:s16] =	ssyncadd.s32 $0xFFFFC000  }
0x47: {  	[tilespmem:s21], [sflag:$0x2] =	stream.indirect.gather [hbm4b:s4+s19], $0x80, s0, s19, $0xb8;
	[tilespmem:$0x1E480] =	vst v63  }
0x48: {  	_ =	swait.ge [sflag:s22], $0x4000  }
0x49: {  	[sflag:s22] =	ssyncset.done $0x0  }
0x4a: {  	s2 =	sadd.s32 $0x1400, s29;
	[sflag:s22] =	ssyncadd.s32 $0xFFFFC000  }
0x4b: {  	[spmem:s1] =	stream.indirect.scatter.add.f32 [tilespmem:s20], [sflag:$0x3], $0x80, s2, s19, $0xb8;
	[tilespmem:$0x1E480] =	vst v63  }
0x4c: {  	_ =	swait.ge [sflag:s16], $0x4000  }
0x4d: {  	[sflag:s16] =	ssyncset.done $0x0  }
0x4e: {  	s31 =	sadd.s32 $0x100, s29;
	[sflag:s16] =	ssyncadd.s32 $0xFFFFC000  }
0x4f: {  	[tilespmem:s20], [sflag:$0x1] =	stream.indirect.gather [hbm4b:s4+s19], $0x80, s31, s19, $0xb8;
	[tilespmem:$0x1E480] =	vst v63  }
0x50: {  	_ =	swait.ge [sflag:s23], $0x4000  }
0x51: {  	[sflag:s23] =	ssyncset.done $0x0  }
0x52: {  	s2 =	sadd.s32 $0x1480, s29;
	[sflag:s23] =	ssyncadd.s32 $0xFFFFC000  }
0x53: {  	[spmem:s1] =	stream.indirect.scatter.add.f32 [tilespmem:s21], [sflag:$0x3], $0x80, s2, s19, $0xb8;
	[tilespmem:$0x1E480] =	vst v63  }
0x54: {  	_ =	swait.ge [sflag:s16], $0x4000  }
0x55: {  	[sflag:s16] =	ssyncset.done $0x0  }
0x56: {  	[sflag:s16] =	ssyncadd.s32 $0xFFFFC000  }
0x57: {  	[tilespmem:s21], [sflag:$0x2] =	stream.indirect.gather [hbm4b:s4+s19], $0x80, s24, s19, $0xb8;
	[tilespmem:$0x1E480] =	vst v63  }
0x58: {  	_ =	swait.ge [sflag:s22], $0x4000  }
0x59: {  	[sflag:s22] =	ssyncset.done $0x0  }
0x5a: {  	[sflag:s22] =	ssyncadd.s32 $0xFFFFC000  }
0x5b: {  	[spmem:s1] =	stream.indirect.scatter.add.f32 [tilespmem:s20], [sflag:$0x3], $0x80, s25, s19, $0xb8;
	[tilespmem:$0x1E480] =	vst v63  }
0x5c: {  	_ =	swait.ge [sflag:s16], $0x4000  }
0x5d: {  	[sflag:s16] =	ssyncset.done $0x0  }
0x5e: {  	[sflag:s16] =	ssyncadd.s32 $0xFFFFC000  }
0x5f: {  	_ =	swait.ge [sflag:s23], $0x4000  }
0x60: {  	[sflag:s23] =	ssyncset.done $0x0  }
0x61: {  	[sflag:s23] =	ssyncadd.s32 $0xFFFFC000  }
0x62: {  	[spmem:s1] =	stream.indirect.scatter.add.f32 [tilespmem:s21], [sflag:$0x3], $0x80, s26, s19, $0xb8;
	[tilespmem:$0x1E480] =	vst v63  }
0x63: {  	_ =	swait.ge [sflag:s16], $0x4000  }
0x64: {  	[sflag:s16] =	ssyncset.done $0x0  }
0x65: {  	s31 =	simm.s32 $0x0;
	[sflag:s16] =	ssyncadd.s32 $0xFFFFC000  }
0x66: {  	[tilespmem:s31], [sflag:$0x3] =	stream.linear.gather [hbm4b:s11+s31], $0x1400, $0x38;
	[tilespmem:$0x1E480] =	vst v63  }
0x67: {  	_ =	swait.ge [sflag:s16], $0x1400  }
0x68: {  	[sflag:s16] =	ssyncset.done $0x0  }
0x69: {  	[sflag:s16] =	ssyncadd.s32 $0xFFFFEC00  }
0x6a: {  	[tilespmem:s18], [sflag:$0x3] =	stream.linear.gather [hbm4b:s12+s31], $0x1400, $0x38;
	[tilespmem:$0x1E480] =	vst v63  }
0x6b: {  	_ =	swait.ge [sflag:s16], $0x1400  }
0x6c: {  	[sflag:s16] =	ssyncset.done $0x0  }
0x6d: {  	[sflag:s16] =	ssyncadd.s32 $0xFFFFEC00  }
0x6e: {  	[tilespmem:s20], [sflag:$0x1] =	stream.indirect.gather [hbm4b:s4+s19], $0x80, s31, s19, $0xb8;
	[tilespmem:$0x1E480] =	vst v63  }
0x6f: {  	s2 =	simm.s32 $0x80  }
0x70: {  	[tilespmem:s21], [sflag:$0x2] =	stream.indirect.gather [hbm4b:s4+s19], $0x80, s2, s19, $0xb8;
	[tilespmem:$0x1E480] =	vst v63  }
0x71: {  	_ =	swait.ge [sflag:s22], $0x4000  }
0x72: {  	[sflag:s22] =	ssyncset.done $0x0  }
0x73: {  	s31 =	simm.s32 $0x1400;
	[sflag:s22] =	ssyncadd.s32 $0xFFFFC000  }
0x74: {  	[spmem:s1] =	stream.indirect.scatter.add.f32 [tilespmem:s20], [sflag:$0x3], $0x80, s31, s19, $0xb8;
	[tilespmem:$0x1E480] =	vst v63  }
0x75: {  	_ =	swait.ge [sflag:s16], $0x4000  }
0x76: {  	[sflag:s16] =	ssyncset.done $0x0  }
0x77: {  	s2 =	simm.s32 $0x100;
	[sflag:s16] =	ssyncadd.s32 $0xFFFFC000  }
0x78: {  	[tilespmem:s20], [sflag:$0x1] =	stream.indirect.gather [hbm4b:s4+s19], $0x80, s2, s19, $0xb8;
	[tilespmem:$0x1E480] =	vst v63  }
0x79: {  	_ =	swait.ge [sflag:s23], $0x4000  }
0x7a: {  	[sflag:s23] =	ssyncset.done $0x0  }
0x7b: {  	s31 =	simm.s32 $0x1480;
	[sflag:s23] =	ssyncadd.s32 $0xFFFFC000  }
0x7c: {  	[spmem:s1] =	stream.indirect.scatter.add.f32 [tilespmem:s21], [sflag:$0x3], $0x80, s31, s19, $0xb8;
	[tilespmem:$0x1E480] =	vst v63  }
0x7d: {  	_ =	swait.ge [sflag:s16], $0x4000  }
0x7e: {  	s30 =	simm.s32 $0x800;
	s29 =	simm.s32 $0x100;
	[sflag:s16] =	ssyncset.done $0x0  }
.LBB2_4:
0x7f: {  	s0 =	sadd.s32 $0x80, s29  }
0x80: {  	[sflag:s16] =	ssyncadd.s32 $0xFFFFC000;
	s2 =	smov.u32 s30;
	s31 =	sadd.s32 $0x400, s30  }
0x81: {  	[tilespmem:s21], [sflag:$0x2] =	stream.indirect.gather [hbm4b:s4+s19], $0x80, s0, s19, $0xb8;
	[tilespmem:$0x1E480] =	vst v63  }
0x82: {  	p1 =	sne.s32 s30, $0x4800;
	_ =	swait.ge [sflag:s22], $0x4000  }
0x83: {  	[sflag:s22] =	ssyncset.done $0x0  }
0x84: {  	s0 =	sadd.s32 $0x1400, s29;
	[sflag:s22] =	ssyncadd.s32 $0xFFFFC000  }
0x85: {  	[spmem:s1] =	stream.indirect.scatter.add.f32 [tilespmem:s20], [sflag:$0x3], $0x80, s0, s19, $0xb8;
	[tilespmem:$0x1E480] =	vst v63  }
0x86: {  	_ =	swait.ge [sflag:s16], $0x4000  }
0x87: {  	[sflag:s16] =	ssyncset.done $0x0  }
0x88: {  	s0 =	sadd.s32 $0x100, s29;
	[sflag:s16] =	ssyncadd.s32 $0xFFFFC000  }
0x89: {  	[tilespmem:s20], [sflag:$0x1] =	stream.indirect.gather [hbm4b:s4+s19], $0x80, s0, s19, $0xb8;
	[tilespmem:$0x1E480] =	vst v63  }
0x8a: {  	_ =	swait.ge [sflag:s23], $0x4000  }
.Ltmp1:
0x8b: {  	[sflag:s23] =	ssyncset.done $0x0;
	(pc) =	sbr.rel @p1 .LBB2_4-.Ltmp1, $4  }
0x8c: {  	s0 =	sadd.s32 $0x1480, s29;
	[sflag:s23] =	ssyncadd.s32 $0xFFFFC000  }
0x8d: {  	[spmem:s1] =	stream.indirect.scatter.add.f32 [tilespmem:s21], [sflag:$0x3], $0x80, s0, s19, $0xb8;
	[tilespmem:$0x1E480] =	vst v63  }
0x8e: {  	_ =	swait.ge [sflag:s16], $0x4000  }
0x8f: {  	s30 =	smov.u32 s31;
	s29 =	sshra.s32 s2, $0x2;
	[sflag:s16] =	ssyncset.done $0x0  }
0x90: {  	s0 =	sadd.s32 $0x80, s29;
	[sflag:s16] =	ssyncadd.s32 $0xFFFFC000  }
0x91: {  	[tilespmem:s21], [sflag:$0x2] =	stream.indirect.gather [hbm4b:s4+s19], $0x80, s0, s19, $0xb8;
	[tilespmem:$0x1E480] =	vst v63  }
0x92: {  	_ =	swait.ge [sflag:s22], $0x4000  }
0x93: {  	[sflag:s22] =	ssyncset.done $0x0  }
0x94: {  	s31 =	sadd.s32 $0x1400, s29;
	[sflag:s22] =	ssyncadd.s32 $0xFFFFC000  }
0x95: {  	[spmem:s1] =	stream.indirect.scatter.add.f32 [tilespmem:s20], [sflag:$0x3], $0x80, s31, s19, $0xb8;
	[tilespmem:$0x1E480] =	vst v63  }
0x96: {  	_ =	swait.ge [sflag:s16], $0x4000  }
0x97: {  	[sflag:s16] =	ssyncset.done $0x0  }
0x98: {  	s2 =	sadd.s32 $0x100, s29;
	[sflag:s16] =	ssyncadd.s32 $0xFFFFC000  }
0x99: {  	[tilespmem:s20], [sflag:$0x1] =	stream.indirect.gather [hbm4b:s4+s19], $0x80, s2, s19, $0xb8;
	[tilespmem:$0x1E480] =	vst v63  }
0x9a: {  	_ =	swait.ge [sflag:s23], $0x4000  }
0x9b: {  	[sflag:s23] =	ssyncset.done $0x0  }
0x9c: {  	s30 =	sadd.s32 $0x1480, s29;
	[sflag:s23] =	ssyncadd.s32 $0xFFFFC000  }
0x9d: {  	[spmem:s1] =	stream.indirect.scatter.add.f32 [tilespmem:s21], [sflag:$0x3], $0x80, s30, s19, $0xb8;
	[tilespmem:$0x1E480] =	vst v63  }
0x9e: {  	_ =	swait.ge [sflag:s16], $0x4000  }
0x9f: {  	[sflag:s16] =	ssyncset.done $0x0  }
0xa0: {  	[sflag:s16] =	ssyncadd.s32 $0xFFFFC000  }
0xa1: {  	[tilespmem:s21], [sflag:$0x2] =	stream.indirect.gather [hbm4b:s4+s19], $0x80, s24, s19, $0xb8;
	[tilespmem:$0x1E480] =	vst v63  }
0xa2: {  	_ =	swait.ge [sflag:s22], $0x4000  }
0xa3: {  	[sflag:s22] =	ssyncset.done $0x0  }
0xa4: {  	[sflag:s22] =	ssyncadd.s32 $0xFFFFC000  }
0xa5: {  	[spmem:s1] =	stream.indirect.scatter.add.f32 [tilespmem:s20], [sflag:$0x3], $0x80, s25, s19, $0xb8;
	[tilespmem:$0x1E480] =	vst v63  }
0xa6: {  	_ =	swait.ge [sflag:s16], $0x4000  }
0xa7: {  	[sflag:s16] =	ssyncset.done $0x0  }
0xa8: {  	[sflag:s16] =	ssyncadd.s32 $0xFFFFC000  }
0xa9: {  	_ =	swait.ge [sflag:s23], $0x4000  }
0xaa: {  	[sflag:s23] =	ssyncset.done $0x0  }
0xab: {  	[sflag:s23] =	ssyncadd.s32 $0xFFFFC000  }
0xac: {  	[spmem:s1] =	stream.indirect.scatter.add.f32 [tilespmem:s21], [sflag:$0x3], $0x80, s26, s19, $0xb8;
	[tilespmem:$0x1E480] =	vst v63  }
0xad: {  	_ =	swait.ge [sflag:s16], $0x4000  }
0xae: {  	[sflag:s16] =	ssyncset.done $0x0  }
0xaf: {  	[sflag:s16] =	ssyncadd.s32 $0xFFFFC000  }
0xb0: {  	s31 =	sadd.s32 s5, s13;
	[bflag:$0x0] =	sbarrier.arrive $0xFFFF  }
0xb1: {  	[hbm:s31], [sflag:s7] =	dma.local [spmem:s15], $0x2700  }
0xb2: {  	_ =	swait.ge [sflag:s16], $0x2700  }
0xb3: {  	s28 =	sadd.s32 $0x1, s28;
	[sflag:s16] =	ssyncset.done $0x0  }
0xb4: {  	s0 =	sadd.s32 @!p0 $0x27000, s13;
	p1 =	sne.s32 s28, s14;
	[sflag:s16] =	ssyncadd.s32 $0xFFFFD900  }
0xb5: {  	[hbm:s0], [sflag:s7] =	dma.local @!p0 [spmem:s17], $0x100  }
.Ltmp2:
0xb6: {  	_ = 	snop;
	(pc) =	sbr.rel @p1 .LBB2_1-.Ltmp2, $4  }
0xb7: {  	s0 =	simm.s32 @!p0 $0x3  }
0xb8: {  	_ =	swait.ge @!p0 [sflag:s0], $0x100  }
0xb9: {  	[sflag:s0] =	ssyncset.done @!p0 $0x0  }
0xba: {  	[sflag:s0] =	ssyncadd.s32 @!p0 $0xFFFFFF00  }
0xbb: {  	_ =	sfence.sel $0x180000  }
0xbc: {  	[bflag:$0x0] =	sbarrier.arrive $0xFFFF  }
0xbd: {  	_ =	strace $0x9000004D  }
0xbe: {  	s0 =	stileid.u32;
	[bflag:$0x2] =	sbarrier.arrive $0xFFFF  }
0xbf: {  	p0 =	sne.s32 s0, $0x0;
	s0 =	rddreg [dreg:$0x2]  }
0xc0: {  	s0 =	sadd.s32 @!p0 $0x100000, s0  }
0xc1: {  	[sflag:s0] =	ssyncadd.tile.s32 @!p0 $0x1;
	_ =	shalt  }
.Lfunc_end2:
_tile_overlayer_lowered:
.L_overlay_start_2:
0xc2: {  	(tag) =	ssettag $0x2  }
0xc3: {  	s0 =	rddreg [dreg:$0x0];
	s2 =	stileid.u32  }
0xc4: {  	s1 =	rddreg [dreg:$0x1];
	p0 =	sne.s32 s2, $0x0  }
0xc5: {  	s3 =	rddreg [dreg:$0x2];
	[bflag:$0x3] =	sbarrier.arrive $0xFFFF;
	s2 =	simm.s32 @!p0 $0x1C03  }
0xc6: {  	[timem:s3], [sflag:s2] =	dma.local @!p0 [hbm:s0], s1  }
0xc7: {  	s0 =	simm.s32 @!p0 $0x3  }
0xc8: {  	_ =	swait.ge @!p0 [sflag:s0], s1  }
0xc9: {  	s1 =	ssub.s32 @!p0 $0x0, s1;
	[sflag:s0] =	ssyncset.done @!p0 $0x0  }
0xca: {  	[sflag:s0] =	ssyncadd.s32 @!p0 s1  }
0xcb: {  	[bflag:$0x3] =	sbarrier.arrive $0xFFFF  }
0xcc: {  	_ =	shalt  }

</sc_bundles>
